<compile_context>
chip_gen: v7x
topology: tpu7x:2x2x1
jax: 0.10.2.dev20260603
libtpu: 0.0.44.dev20260713+nightly
codegen_flags: <defaults>
</compile_context>

<pallas_src>
import jax
import jax.numpy as jnp
from jax import lax
from jax.experimental import pallas as pl
from jax.experimental.pallas import tpu as pltpu
from jax.experimental.pallas import tpu_sc as plsc

N = 1024 * 200
D = 128
H = 64
C = 64
NW = 32
TPW = N // NW
NCHUNK = TPW // C

_MAGIC = 8388608.0

_TABLES = ((99999.0, 100000), (511.0, 512), (99999.0, 100000))


def _sc_body(in_hbm, pos_hbm, pe1_hbm, pe2_hbm, pe3_hbm, out_hbm,
             pe2_v, pos_v, idx_v, x_v, o_v, r1_v, r2_v, r3_v,
             sem_in, sem_pos, sem_g1, sem_g2, sem_g3, sem_out):
    wid = lax.axis_index("c") * 16 + lax.axis_index("s")
    wbase = wid * TPW

    def in_copy(k, b):
        base = wbase + k * C
        return pltpu.make_async_copy(in_hbm.at[pl.ds(base, C)], x_v.at[b],
                                     sem_in.at[b])

    def pos_copy(k, b):
        base = wbase + k * C
        return pltpu.make_async_copy(pos_hbm.at[:, pl.ds(base, C)],
                                     pos_v.at[b], sem_pos.at[b])

    def out_copy(k, b):
        base = wbase + k * C
        return pltpu.make_async_copy(o_v.at[b], out_hbm.at[pl.ds(base, C)],
                                     sem_out.at[b])

    def gathers(b):
        return (pltpu.make_async_copy(pe1_hbm.at[idx_v.at[b, 0]],
                                      r1_v.at[b], sem_g1.at[b]),
                pltpu.make_async_copy(pe2_v.at[idx_v.at[b, 1]],
                                      r2_v.at[b], sem_g2.at[b]),
                pltpu.make_async_copy(pe3_hbm.at[idx_v.at[b, 2]],
                                      r3_v.at[b], sem_g3.at[b]))

    def front(k):
        b = k % 2
        pos_copy(k, b).wait()
        groups = [(i, c, t) for i in range(C // 16)
                  for c, t in enumerate(_TABLES)]
        pcs = [pos_v[b, c, pl.ds(i * 16, 16)] for (i, c, _) in groups]
        for g, (i, c, (scale, maxv)) in enumerate(groups):
            pc = jnp.minimum(jnp.maximum(pcs[g], 0.0), 1.0) * scale
            r = (pc + _MAGIC) - _MAGIC
            ix = r.astype(jnp.int32)
            idx_v[b, c, pl.ds(i * 16, 16)] = (
                jnp.minimum(jnp.maximum(ix, 0), maxv - 1))
        for g in gathers(b):
            g.start()

    @pl.when(lax.axis_index("s") == 0)
    def _():
        pltpu.sync_copy(pe2_hbm, pe2_v)
    plsc.subcore_barrier()
    for k in (0, 1):
        in_copy(k, k).start()
        pos_copy(k, k).start()
    front(0)

    def chunk_body(k, carry):
        b2 = k % 2
        b3 = k % 3

        @pl.when(k + 1 < NCHUNK)
        def _():
            front(k + 1)

        @pl.when(k + 2 < NCHUNK)
        def _():
            in_copy(k + 2, (k + 2) % 3).start()
            pos_copy(k + 2, (k + 2) % 2).start()

        for g in gathers(b2):
            g.wait()
        in_copy(k, b3).wait()

        def tok(t, tc):
            xs = [x_v[b3, t, pl.ds(j * 16, 16)] for j in range(8)]
            r1s = [r1_v[b2, t, pl.ds(j * 16, 16)] for j in range(4)]
            r2s = [r2_v[b2, t, pl.ds(j * 16, 16)] for j in range(4)]
            r3s = [r3_v[b2, t, pl.ds(j * 16, 16)] for j in range(4)]
            lo = [xs[j] + (r1s[j] + r2s[j]) for j in range(4)]
            hi = [xs[4 + j] + r3s[j] for j in range(4)]
            for j in range(4):
                o_v[b2, t, pl.ds(j * 16, 16)] = lo[j]
            for j in range(4):
                o_v[b2, t, pl.ds(H + j * 16, 16)] = hi[j]
            return tc

        lax.fori_loop(0, C, tok, 0, unroll=4)
        out_copy(k, b2).start()

        @pl.when(k >= 1)
        def _():
            out_copy(k - 1, (k - 1) % 2).wait()

        return carry

    lax.fori_loop(0, NCHUNK, chunk_body, 0)
    out_copy(NCHUNK - 1, (NCHUNK - 1) % 2).wait()


_sc_call = pl.kernel(
    _sc_body,
    out_type=jax.ShapeDtypeStruct((N, D), jnp.float32),
    mesh=plsc.VectorSubcoreMesh(core_axis_name="c", subcore_axis_name="s"),
    scratch_types=[
        pltpu.VMEM_SHARED((512, H), jnp.float32),
        pltpu.VMEM((2, 3, C), jnp.float32),
        pltpu.VMEM((2, 3, C), jnp.int32),
        pltpu.VMEM((3, C, D), jnp.float32),
        pltpu.VMEM((2, C, D), jnp.float32),
        pltpu.VMEM((2, C, H), jnp.float32),
        pltpu.VMEM((2, C, H), jnp.float32),
        pltpu.VMEM((2, C, H), jnp.float32),
        pltpu.SemaphoreType.DMA((3,)),
        pltpu.SemaphoreType.DMA((2,)),
        pltpu.SemaphoreType.DMA((2,)),
        pltpu.SemaphoreType.DMA((2,)),
        pltpu.SemaphoreType.DMA((2,)),
        pltpu.SemaphoreType.DMA((2,)),
    ],
    compiler_params=pltpu.CompilerParams(use_tc_tiling_on_sc=False),
)


@jax.jit
def kernel(inputs, pos, pe1, pe2, pe3):
    x2 = inputs.reshape(N, D)
    pos2 = pos.reshape(N, 3).T
    out = _sc_call(x2, pos2, pe1, pe2, pe3)
    return out.reshape(inputs.shape)

# --- scband reference (transcript-rebuilt; emitter-appended) ---
"""Pipeline reference for scband-learned-rel-pos-emb-74217034874959 (READ-ONLY COPY).

The authoritative reference and input builder live on the scoring server;
editing this copy changes nothing except your own understanding.
"""

import jax, jax.numpy as jnp
import numpy as np

MAX_POSITIONS = [100000, 512, 100000]
EMBEDDING_DIM = 128
HALF = EMBEDDING_DIM // 2


def setup_inputs(seed: int = 0) -> dict:
    key = jax.random.key(seed)
    k1, k2, k3, k4, k5 = jax.random.split(key, 5)
    inputs = jax.random.normal(k1, (1024, 200, EMBEDDING_DIM), dtype=jnp.float32)
    pos = jax.random.uniform(k2, (1024, 200, 3), dtype=jnp.float32)  # coords in [0, 1]
    # learned embedding tables (nn.Embedding default init ~ N(0, 1))
    pe1 = jax.random.normal(k3, (MAX_POSITIONS[0], HALF), dtype=jnp.float32)
    pe2 = jax.random.normal(k4, (MAX_POSITIONS[1], HALF), dtype=jnp.float32)
    pe3 = jax.random.normal(k5, (MAX_POSITIONS[2], HALF), dtype=jnp.float32)
    return {"inputs": inputs, "pos": pos, "pe1": pe1, "pe2": pe2, "pe3": pe3}


def _scaled_lookup(table, pos_coord, max_pos):
    pc = jnp.clip(pos_coord, 0.0, 1.0)
    scale = float(max_pos - 1)
    idx = jnp.round(pc * scale).astype(jnp.int32)
    idx = jnp.clip(idx, 0, max_pos - 1)
    return jnp.take(table, idx, axis=0)


def reference(inputs, pos, pe1, pe2, pe3):
    pos_emb1 = _scaled_lookup(pe1, pos[:, :, 0], MAX_POSITIONS[0])
    pos_emb2 = _scaled_lookup(pe2, pos[:, :, 1], MAX_POSITIONS[1])
    pos_emb3 = _scaled_lookup(pe3, pos[:, :, 2], MAX_POSITIONS[2])
    pos_emb = jnp.concatenate([pos_emb1 + pos_emb2, pos_emb3], axis=2)
    return inputs + pos_emb

if __name__ == "__main__":
    import jax
    _d = setup_inputs()
    print(jax.jit(kernel)(*tuple(_d.values())))

</pallas_src>

<mosaic_0001>
#map = affine_map<(d0, d1) -> (0, 0)>
module attributes {stable_mosaic.version = 14 : i64} {
  func.func @_sc_body(%arg0: i32, %arg1: i32, %arg2: memref<204800x128xf32, #tpu.memory_space<hbm>>, %arg3: memref<3x204800xf32, #tpu.memory_space<hbm>>, %arg4: memref<100000x64xf32, #tpu.memory_space<hbm>>, %arg5: memref<512x64xf32, #tpu.memory_space<hbm>>, %arg6: memref<100000x64xf32, #tpu.memory_space<hbm>>, %arg7: memref<204800x128xf32, #tpu.memory_space<hbm>>, %arg8: memref<512x64xf32, #tpu.memory_space<vmem_shared>>, %arg9: memref<2x3x64xf32, #tpu.memory_space<vmem>>, %arg10: memref<2x3x64xi32, #tpu.memory_space<vmem>>, %arg11: memref<3x64x128xf32, #tpu.memory_space<vmem>>, %arg12: memref<2x64x128xf32, #tpu.memory_space<vmem>>, %arg13: memref<2x64x64xf32, #tpu.memory_space<vmem>>, %arg14: memref<2x64x64xf32, #tpu.memory_space<vmem>>, %arg15: memref<2x64x64xf32, #tpu.memory_space<vmem>>, %arg16: memref<3x!tpu.dma_semaphore, #tpu.memory_space<semaphore_mem>>, %arg17: memref<2x!tpu.dma_semaphore, #tpu.memory_space<semaphore_mem>>, %arg18: memref<2x!tpu.dma_semaphore, #tpu.memory_space<semaphore_mem>>, %arg19: memref<2x!tpu.dma_semaphore, #tpu.memory_space<semaphore_mem>>, %arg20: memref<2x!tpu.dma_semaphore, #tpu.memory_space<semaphore_mem>>, %arg21: memref<2x!tpu.dma_semaphore, #tpu.memory_space<semaphore_mem>>) attributes {dimension_semantics = [#tpu.dimension_semantics<core_parallel>, #tpu.dimension_semantics<subcore_parallel>], iteration_bounds = array<i64: 2, 16>, scalar_prefetch = 0 : i64, scratch_operands = 14 : i64, tpu.core_type = #tpu.core_type<sc_vector_subcore>, window_params = [{transform_indices = #map}, {transform_indices = #map}, {transform_indices = #map}, {transform_indices = #map}, {transform_indices = #map}, {transform_indices = #map}]} {
    %mul3A = arith.constant 16 : i32
    %mul3A_0 = arith.muli %arg0, %mul3A : i32
    %add3A = arith.addi %mul3A_0, %arg1 : i32
    %mul3A_1 = arith.constant 6400 : i32
    %mul3A_2 = arith.muli %add3A, %mul3A_1 : i32
    %eq3A = arith.constant 0 : i32
    %eq3A_3 = arith.cmpi eq, %arg1, %eq3A : i32
    %convert_element_type3A = arith.extui %eq3A_3 : i1 to i32
    %cond3A = arith.constant 0 : i32
    %cond3A_4 = arith.cmpi ne, %convert_element_type3A, %cond3A : i32
    scf.if %cond3A_4 {
      "tpu.region"() ({
        %run_scoped3A = tpu.sem_alloc : memref<!tpu.dma_semaphore, #tpu.memory_space<semaphore_mem>>
        tpu.enqueue_dma source(%arg5 : memref<512x64xf32, #tpu.memory_space<hbm>>) target(%arg8 : memref<512x64xf32, #tpu.memory_space<vmem_shared>>) target_semaphore(%run_scoped3A : memref<!tpu.dma_semaphore, #tpu.memory_space<semaphore_mem>>)
        tpu.wait_dma2 semaphore(%run_scoped3A : memref<!tpu.dma_semaphore, #tpu.memory_space<semaphore_mem>>) src(%arg5 : memref<512x64xf32, #tpu.memory_space<hbm>>) dst(%arg8 : memref<512x64xf32, #tpu.memory_space<vmem_shared>>)
        tpu.yield
      }) : () -> ()
    } else {
    }
    %barrier3A = arith.constant 0 : index
    tpu.barrier barrier_id(%barrier3A)
    %add3A_5 = arith.constant 0 : i32
    %add3A_6 = arith.addi %mul3A_2, %add3A_5 : i32
    %dma_start3A = arith.constant 0 : i32
    %dma_start3A_7 = arith.constant 0 : i32
    %dma_start3A_8 = arith.constant 0 : i32
    %dma_start3A_9 = arith.constant 0 : i32
    %dma_start3A_10 = tpu.memref_slice %arg11[%dma_start3A, %dma_start3A_8, %dma_start3A_9] : memref<3x64x128xf32, #tpu.memory_space<vmem>> -> memref<1x64x128xf32, #tpu.memory_space<vmem>>
    %dma_start3A_11 = tpu.memref_squeeze %dma_start3A_10 : memref<1x64x128xf32, #tpu.memory_space<vmem>> -> memref<64x128xf32, #tpu.memory_space<vmem>>
    %dma_start3A_12 = arith.constant 0 : i32
    %dma_start3A_13 = tpu.memref_slice %arg2[%add3A_6, %dma_start3A_12] : memref<204800x128xf32, #tpu.memory_space<hbm>> -> memref<64x128xf32, #tpu.memory_space<hbm>>
    %dma_start3A_14 = tpu.memref_slice %arg16[%dma_start3A_7] : memref<3x!tpu.dma_semaphore, #tpu.memory_space<semaphore_mem>> -> memref<1x!tpu.dma_semaphore, #tpu.memory_space<semaphore_mem>>
    %dma_start3A_15 = tpu.memref_squeeze %dma_start3A_14 : memref<1x!tpu.dma_semaphore, #tpu.memory_space<semaphore_mem>> -> memref<!tpu.dma_semaphore, #tpu.memory_space<semaphore_mem>>
    %dma_start3A_16 = arith.constant 0 : i32
    %dma_start3A_17 = arith.constant 0 : i32
    %dma_start3A_18 = tpu.memref_slice %arg11[%dma_start3A, %dma_start3A_16, %dma_start3A_17] : memref<3x64x128xf32, #tpu.memory_space<vmem>> -> memref<1x64x128xf32, #tpu.memory_space<vmem>>
    %dma_start3A_19 = tpu.memref_squeeze %dma_start3A_18 : memref<1x64x128xf32, #tpu.memory_space<vmem>> -> memref<64x128xf32, #tpu.memory_space<vmem>>
    %dma_start3A_20 = arith.constant 0 : i32
    %dma_start3A_21 = tpu.memref_slice %arg2[%add3A_6, %dma_start3A_20] : memref<204800x128xf32, #tpu.memory_space<hbm>> -> memref<64x128xf32, #tpu.memory_space<hbm>>
    tpu.enqueue_dma source(%dma_start3A_21 : memref<64x128xf32, #tpu.memory_space<hbm>>) target(%dma_start3A_19 : memref<64x128xf32, #tpu.memory_space<vmem>>) target_semaphore(%dma_start3A_15 : memref<!tpu.dma_semaphore, #tpu.memory_space<semaphore_mem>>)
    %add3A_22 = arith.constant 0 : i32
    %add3A_23 = arith.addi %mul3A_2, %add3A_22 : i32
    %dma_start3A_24 = arith.constant 0 : i32
    %dma_start3A_25 = arith.constant 0 : i32
    %dma_start3A_26 = arith.constant 0 : i32
    %dma_start3A_27 = arith.constant 0 : i32
    %dma_start3A_28 = tpu.memref_slice %arg9[%dma_start3A_24, %dma_start3A_26, %dma_start3A_27] : memref<2x3x64xf32, #tpu.memory_space<vmem>> -> memref<1x3x64xf32, #tpu.memory_space<vmem>>
    %dma_start3A_29 = tpu.memref_squeeze %dma_start3A_28 : memref<1x3x64xf32, #tpu.memory_space<vmem>> -> memref<3x64xf32, #tpu.memory_space<vmem>>
    %dma_start3A_30 = arith.constant 0 : i32
    %dma_start3A_31 = tpu.memref_slice %arg3[%dma_start3A_30, %add3A_23] : memref<3x204800xf32, #tpu.memory_space<hbm>> -> memref<3x64xf32, #tpu.memory_space<hbm>>
    %dma_start3A_32 = tpu.memref_slice %arg17[%dma_start3A_25] : memref<2x!tpu.dma_semaphore, #tpu.memory_space<semaphore_mem>> -> memref<1x!tpu.dma_semaphore, #tpu.memory_space<semaphore_mem>>
    %dma_start3A_33 = tpu.memref_squeeze %dma_start3A_32 : memref<1x!tpu.dma_semaphore, #tpu.memory_space<semaphore_mem>> -> memref<!tpu.dma_semaphore, #tpu.memory_space<semaphore_mem>>
    %dma_start3A_34 = arith.constant 0 : i32
    %dma_start3A_35 = arith.constant 0 : i32
    %dma_start3A_36 = tpu.memref_slice %arg9[%dma_start3A_24, %dma_start3A_34, %dma_start3A_35] : memref<2x3x64xf32, #tpu.memory_space<vmem>> -> memref<1x3x64xf32, #tpu.memory_space<vmem>>
    %dma_start3A_37 = tpu.memref_squeeze %dma_start3A_36 : memref<1x3x64xf32, #tpu.memory_space<vmem>> -> memref<3x64xf32, #tpu.memory_space<vmem>>
    %dma_start3A_38 = arith.constant 0 : i32
    %dma_start3A_39 = tpu.memref_slice %arg3[%dma_start3A_38, %add3A_23] : memref<3x204800xf32, #tpu.memory_space<hbm>> -> memref<3x64xf32, #tpu.memory_space<hbm>>
    tpu.enqueue_dma source(%dma_start3A_39 : memref<3x64xf32, #tpu.memory_space<hbm>>) target(%dma_start3A_37 : memref<3x64xf32, #tpu.memory_space<vmem>>) target_semaphore(%dma_start3A_33 : memref<!tpu.dma_semaphore, #tpu.memory_space<semaphore_mem>>)
    %add3A_40 = arith.constant 64 : i32
    %add3A_41 = arith.addi %mul3A_2, %add3A_40 : i32
    %dma_start3A_42 = arith.constant 1 : i32
    %dma_start3A_43 = arith.constant 1 : i32
    %dma_start3A_44 = arith.constant 0 : i32
    %dma_start3A_45 = arith.constant 0 : i32
    %dma_start3A_46 = tpu.memref_slice %arg11[%dma_start3A_42, %dma_start3A_44, %dma_start3A_45] : memref<3x64x128xf32, #tpu.memory_space<vmem>> -> memref<1x64x128xf32, #tpu.memory_space<vmem>>
    %dma_start3A_47 = tpu.memref_squeeze %dma_start3A_46 : memref<1x64x128xf32, #tpu.memory_space<vmem>> -> memref<64x128xf32, #tpu.memory_space<vmem>>
    %dma_start3A_48 = arith.constant 0 : i32
    %dma_start3A_49 = tpu.memref_slice %arg2[%add3A_41, %dma_start3A_48] : memref<204800x128xf32, #tpu.memory_space<hbm>> -> memref<64x128xf32, #tpu.memory_space<hbm>>
    %dma_start3A_50 = tpu.memref_slice %arg16[%dma_start3A_43] : memref<3x!tpu.dma_semaphore, #tpu.memory_space<semaphore_mem>> -> memref<1x!tpu.dma_semaphore, #tpu.memory_space<semaphore_mem>>
    %dma_start3A_51 = tpu.memref_squeeze %dma_start3A_50 : memref<1x!tpu.dma_semaphore, #tpu.memory_space<semaphore_mem>> -> memref<!tpu.dma_semaphore, #tpu.memory_space<semaphore_mem>>
    %dma_start3A_52 = arith.constant 0 : i32
    %dma_start3A_53 = arith.constant 0 : i32
    %dma_start3A_54 = tpu.memref_slice %arg11[%dma_start3A_42, %dma_start3A_52, %dma_start3A_53] : memref<3x64x128xf32, #tpu.memory_space<vmem>> -> memref<1x64x128xf32, #tpu.memory_space<vmem>>
    %dma_start3A_55 = tpu.memref_squeeze %dma_start3A_54 : memref<1x64x128xf32, #tpu.memory_space<vmem>> -> memref<64x128xf32, #tpu.memory_space<vmem>>
    %dma_start3A_56 = arith.constant 0 : i32
    %dma_start3A_57 = tpu.memref_slice %arg2[%add3A_41, %dma_start3A_56] : memref<204800x128xf32, #tpu.memory_space<hbm>> -> memref<64x128xf32, #tpu.memory_space<hbm>>
    tpu.enqueue_dma source(%dma_start3A_57 : memref<64x128xf32, #tpu.memory_space<hbm>>) target(%dma_start3A_55 : memref<64x128xf32, #tpu.memory_space<vmem>>) target_semaphore(%dma_start3A_51 : memref<!tpu.dma_semaphore, #tpu.memory_space<semaphore_mem>>)
    %add3A_58 = arith.constant 64 : i32
    %add3A_59 = arith.addi %mul3A_2, %add3A_58 : i32
    %dma_start3A_60 = arith.constant 1 : i32
    %dma_start3A_61 = arith.constant 1 : i32
    %dma_start3A_62 = arith.constant 0 : i32
    %dma_start3A_63 = arith.constant 0 : i32
    %dma_start3A_64 = tpu.memref_slice %arg9[%dma_start3A_60, %dma_start3A_62, %dma_start3A_63] : memref<2x3x64xf32, #tpu.memory_space<vmem>> -> memref<1x3x64xf32, #tpu.memory_space<vmem>>
    %dma_start3A_65 = tpu.memref_squeeze %dma_start3A_64 : memref<1x3x64xf32, #tpu.memory_space<vmem>> -> memref<3x64xf32, #tpu.memory_space<vmem>>
    %dma_start3A_66 = arith.constant 0 : i32
    %dma_start3A_67 = tpu.memref_slice %arg3[%dma_start3A_66, %add3A_59] : memref<3x204800xf32, #tpu.memory_space<hbm>> -> memref<3x64xf32, #tpu.memory_space<hbm>>
    %dma_start3A_68 = tpu.memref_slice %arg17[%dma_start3A_61] : memref<2x!tpu.dma_semaphore, #tpu.memory_space<semaphore_mem>> -> memref<1x!tpu.dma_semaphore, #tpu.memory_space<semaphore_mem>>
    %dma_start3A_69 = tpu.memref_squeeze %dma_start3A_68 : memref<1x!tpu.dma_semaphore, #tpu.memory_space<semaphore_mem>> -> memref<!tpu.dma_semaphore, #tpu.memory_space<semaphore_mem>>
    %dma_start3A_70 = arith.constant 0 : i32
    %dma_start3A_71 = arith.constant 0 : i32
    %dma_start3A_72 = tpu.memref_slice %arg9[%dma_start3A_60, %dma_start3A_70, %dma_start3A_71] : memref<2x3x64xf32, #tpu.memory_space<vmem>> -> memref<1x3x64xf32, #tpu.memory_space<vmem>>
    %dma_start3A_73 = tpu.memref_squeeze %dma_start3A_72 : memref<1x3x64xf32, #tpu.memory_space<vmem>> -> memref<3x64xf32, #tpu.memory_space<vmem>>
    %dma_start3A_74 = arith.constant 0 : i32
    %dma_start3A_75 = tpu.memref_slice %arg3[%dma_start3A_74, %add3A_59] : memref<3x204800xf32, #tpu.memory_space<hbm>> -> memref<3x64xf32, #tpu.memory_space<hbm>>
    tpu.enqueue_dma source(%dma_start3A_75 : memref<3x64xf32, #tpu.memory_space<hbm>>) target(%dma_start3A_73 : memref<3x64xf32, #tpu.memory_space<vmem>>) target_semaphore(%dma_start3A_69 : memref<!tpu.dma_semaphore, #tpu.memory_space<semaphore_mem>>)
    %add3A_76 = arith.constant 0 : i32
    %add3A_77 = arith.addi %mul3A_2, %add3A_76 : i32
    %dma_wait3A = arith.constant 0 : i32
    %dma_wait3A_78 = arith.constant 0 : i32
    %dma_wait3A_79 = arith.constant 0 : i32
    %dma_wait3A_80 = arith.constant 0 : i32
    %dma_wait3A_81 = tpu.memref_slice %arg9[%dma_wait3A, %dma_wait3A_79, %dma_wait3A_80] : memref<2x3x64xf32, #tpu.memory_space<vmem>> -> memref<1x3x64xf32, #tpu.memory_space<vmem>>
    %dma_wait3A_82 = tpu.memref_squeeze %dma_wait3A_81 : memref<1x3x64xf32, #tpu.memory_space<vmem>> -> memref<3x64xf32, #tpu.memory_space<vmem>>
    %dma_wait3A_83 = arith.constant 0 : i32
    %dma_wait3A_84 = tpu.memref_slice %arg3[%dma_wait3A_83, %add3A_77] : memref<3x204800xf32, #tpu.memory_space<hbm>> -> memref<3x64xf32, #tpu.memory_space<hbm>>
    %dma_wait3A_85 = tpu.memref_slice %arg17[%dma_wait3A_78] : memref<2x!tpu.dma_semaphore, #tpu.memory_space<semaphore_mem>> -> memref<1x!tpu.dma_semaphore, #tpu.memory_space<semaphore_mem>>
    %dma_wait3A_86 = tpu.memref_squeeze %dma_wait3A_85 : memref<1x!tpu.dma_semaphore, #tpu.memory_space<semaphore_mem>> -> memref<!tpu.dma_semaphore, #tpu.memory_space<semaphore_mem>>
    %dma_wait3A_87 = arith.constant 0 : i32
    %dma_wait3A_88 = arith.constant 0 : i32
    %dma_wait3A_89 = tpu.memref_slice %arg9[%dma_wait3A, %dma_wait3A_87, %dma_wait3A_88] : memref<2x3x64xf32, #tpu.memory_space<vmem>> -> memref<1x3x64xf32, #tpu.memory_space<vmem>>
    %dma_wait3A_90 = tpu.memref_squeeze %dma_wait3A_89 : memref<1x3x64xf32, #tpu.memory_space<vmem>> -> memref<3x64xf32, #tpu.memory_space<vmem>>
    %dma_wait3A_91 = arith.constant 0 : i32
    %dma_wait3A_92 = tpu.memref_slice %arg3[%dma_wait3A_91, %add3A_77] : memref<3x204800xf32, #tpu.memory_space<hbm>> -> memref<3x64xf32, #tpu.memory_space<hbm>>
    tpu.wait_dma2 semaphore(%dma_wait3A_86 : memref<!tpu.dma_semaphore, #tpu.memory_space<semaphore_mem>>) src(%dma_wait3A_92 : memref<3x64xf32, #tpu.memory_space<hbm>>) dst(%dma_wait3A_90 : memref<3x64xf32, #tpu.memory_space<vmem>>)
    %get3A = arith.constant 0 : i32
    %get3A_93 = arith.constant 0 : i32
    %get3A_94 = arith.index_cast %get3A : i32 to index
    %get3A_95 = arith.index_cast %get3A_93 : i32 to index
    %get3A_96 = arith.constant 0 : index
    %get3A_97 = tpu.vector_load %arg9[%get3A_94, %get3A_95, %get3A_96] {strides = array<i32>} : memref<2x3x64xf32, #tpu.memory_space<vmem>>, vector<1x1x16xf32>,
    %get3A_98 = vector.shape_cast %get3A_97 : vector<1x1x16xf32> to vector<16xf32>
    %get3A_99 = arith.constant 0 : i32
    %get3A_100 = arith.constant 1 : i32
    %get3A_101 = arith.index_cast %get3A_99 : i32 to index
    %get3A_102 = arith.index_cast %get3A_100 : i32 to index
    %get3A_103 = arith.constant 0 : index
    %get3A_104 = tpu.vector_load %arg9[%get3A_101, %get3A_102, %get3A_103] {strides = array<i32>} : memref<2x3x64xf32, #tpu.memory_space<vmem>>, vector<1x1x16xf32>,
    %get3A_105 = vector.shape_cast %get3A_104 : vector<1x1x16xf32> to vector<16xf32>
    %get3A_106 = arith.constant 0 : i32
    %get3A_107 = arith.constant 2 : i32
    %get3A_108 = arith.index_cast %get3A_106 : i32 to index
    %get3A_109 = arith.index_cast %get3A_107 : i32 to index
    %get3A_110 = arith.constant 0 : index
    %get3A_111 = tpu.vector_load %arg9[%get3A_108, %get3A_109, %get3A_110] {strides = array<i32>} : memref<2x3x64xf32, #tpu.memory_space<vmem>>, vector<1x1x16xf32>,
    %get3A_112 = vector.shape_cast %get3A_111 : vector<1x1x16xf32> to vector<16xf32>
    %get3A_113 = arith.constant 0 : i32
    %get3A_114 = arith.constant 0 : i32
    %get3A_115 = arith.index_cast %get3A_113 : i32 to index
    %get3A_116 = arith.index_cast %get3A_114 : i32 to index
    %get3A_117 = arith.constant 16 : index
    %get3A_118 = tpu.vector_load %arg9[%get3A_115, %get3A_116, %get3A_117] {strides = array<i32>} : memref<2x3x64xf32, #tpu.memory_space<vmem>>, vector<1x1x16xf32>,
    %get3A_119 = vector.shape_cast %get3A_118 : vector<1x1x16xf32> to vector<16xf32>
    %get3A_120 = arith.constant 0 : i32
    %get3A_121 = arith.constant 1 : i32
    %get3A_122 = arith.index_cast %get3A_120 : i32 to index
    %get3A_123 = arith.index_cast %get3A_121 : i32 to index
    %get3A_124 = arith.constant 16 : index
    %get3A_125 = tpu.vector_load %arg9[%get3A_122, %get3A_123, %get3A_124] {strides = array<i32>} : memref<2x3x64xf32, #tpu.memory_space<vmem>>, vector<1x1x16xf32>,
    %get3A_126 = vector.shape_cast %get3A_125 : vector<1x1x16xf32> to vector<16xf32>
    %get3A_127 = arith.constant 0 : i32
    %get3A_128 = arith.constant 2 : i32
    %get3A_129 = arith.index_cast %get3A_127 : i32 to index
    %get3A_130 = arith.index_cast %get3A_128 : i32 to index
    %get3A_131 = arith.constant 16 : index
    %get3A_132 = tpu.vector_load %arg9[%get3A_129, %get3A_130, %get3A_131] {strides = array<i32>} : memref<2x3x64xf32, #tpu.memory_space<vmem>>, vector<1x1x16xf32>,
    %get3A_133 = vector.shape_cast %get3A_132 : vector<1x1x16xf32> to vector<16xf32>
    %get3A_134 = arith.constant 0 : i32
    %get3A_135 = arith.constant 0 : i32
    %get3A_136 = arith.index_cast %get3A_134 : i32 to index
    %get3A_137 = arith.index_cast %get3A_135 : i32 to index
    %get3A_138 = arith.constant 32 : index
    %get3A_139 = tpu.vector_load %arg9[%get3A_136, %get3A_137, %get3A_138] {strides = array<i32>} : memref<2x3x64xf32, #tpu.memory_space<vmem>>, vector<1x1x16xf32>,
    %get3A_140 = vector.shape_cast %get3A_139 : vector<1x1x16xf32> to vector<16xf32>
    %get3A_141 = arith.constant 0 : i32
    %get3A_142 = arith.constant 1 : i32
    %get3A_143 = arith.index_cast %get3A_141 : i32 to index
    %get3A_144 = arith.index_cast %get3A_142 : i32 to index
    %get3A_145 = arith.constant 32 : index
    %get3A_146 = tpu.vector_load %arg9[%get3A_143, %get3A_144, %get3A_145] {strides = array<i32>} : memref<2x3x64xf32, #tpu.memory_space<vmem>>, vector<1x1x16xf32>,
    %get3A_147 = vector.shape_cast %get3A_146 : vector<1x1x16xf32> to vector<16xf32>
    %get3A_148 = arith.constant 0 : i32
    %get3A_149 = arith.constant 2 : i32
    %get3A_150 = arith.index_cast %get3A_148 : i32 to index
    %get3A_151 = arith.index_cast %get3A_149 : i32 to index
    %get3A_152 = arith.constant 32 : index
    %get3A_153 = tpu.vector_load %arg9[%get3A_150, %get3A_151, %get3A_152] {strides = array<i32>} : memref<2x3x64xf32, #tpu.memory_space<vmem>>, vector<1x1x16xf32>,
    %get3A_154 = vector.shape_cast %get3A_153 : vector<1x1x16xf32> to vector<16xf32>
    %get3A_155 = arith.constant 0 : i32
    %get3A_156 = arith.constant 0 : i32
    %get3A_157 = arith.index_cast %get3A_155 : i32 to index
    %get3A_158 = arith.index_cast %get3A_156 : i32 to index
    %get3A_159 = arith.constant 48 : index
    %get3A_160 = tpu.vector_load %arg9[%get3A_157, %get3A_158, %get3A_159] {strides = array<i32>} : memref<2x3x64xf32, #tpu.memory_space<vmem>>, vector<1x1x16xf32>,
    %get3A_161 = vector.shape_cast %get3A_160 : vector<1x1x16xf32> to vector<16xf32>
    %get3A_162 = arith.constant 0 : i32
    %get3A_163 = arith.constant 1 : i32
    %get3A_164 = arith.index_cast %get3A_162 : i32 to index
    %get3A_165 = arith.index_cast %get3A_163 : i32 to index
    %get3A_166 = arith.constant 48 : index
    %get3A_167 = tpu.vector_load %arg9[%get3A_164, %get3A_165, %get3A_166] {strides = array<i32>} : memref<2x3x64xf32, #tpu.memory_space<vmem>>, vector<1x1x16xf32>,
    %get3A_168 = vector.shape_cast %get3A_167 : vector<1x1x16xf32> to vector<16xf32>
    %get3A_169 = arith.constant 0 : i32
    %get3A_170 = arith.constant 2 : i32
    %get3A_171 = arith.index_cast %get3A_169 : i32 to index
    %get3A_172 = arith.index_cast %get3A_170 : i32 to index
    %get3A_173 = arith.constant 48 : index
    %get3A_174 = tpu.vector_load %arg9[%get3A_171, %get3A_172, %get3A_173] {strides = array<i32>} : memref<2x3x64xf32, #tpu.memory_space<vmem>>, vector<1x1x16xf32>,
    %get3A_175 = vector.shape_cast %get3A_174 : vector<1x1x16xf32> to vector<16xf32>
    %max3A = arith.constant 0.000000e+00 : f32
    %max3A_176 = vector.broadcast %max3A : f32 to vector<16xf32>
    %max3A_177 = arith.maximumf %get3A_98, %max3A_176 : vector<16xf32>
    %min3A = arith.constant 1.000000e+00 : f32
    %min3A_178 = vector.broadcast %min3A : f32 to vector<16xf32>
    %min3A_179 = arith.minimumf %max3A_177, %min3A_178 : vector<16xf32>
    %mul3A_180 = arith.constant 9.999900e+04 : f32
    %mul3A_181 = vector.broadcast %mul3A_180 : f32 to vector<16xf32>
    %mul3A_182 = arith.mulf %min3A_179, %mul3A_181 : vector<16xf32>
    %add3A_183 = arith.constant 0x4B000000 : f32
    %add3A_184 = vector.broadcast %add3A_183 : f32 to vector<16xf32>
    %add3A_185 = arith.addf %mul3A_182, %add3A_184 : vector<16xf32>
    %sub3A = arith.constant 0x4B000000 : f32
    %sub3A_186 = vector.broadcast %sub3A : f32 to vector<16xf32>
    %sub3A_187 = arith.subf %add3A_185, %sub3A_186 : vector<16xf32>
    %convert_element_type3A_188 = arith.fptosi %sub3A_187 : vector<16xf32> to vector<16xi32>
    %max3A_189 = arith.constant 0 : i32
    %max3A_190 = vector.broadcast %max3A_189 : i32 to vector<16xi32>
    %max3A_191 = arith.maxsi %convert_element_type3A_188, %max3A_190 : vector<16xi32>
    %min3A_192 = arith.constant 99999 : i32
    %min3A_193 = vector.broadcast %min3A_192 : i32 to vector<16xi32>
    %min3A_194 = arith.minsi %max3A_191, %min3A_193 : vector<16xi32>
    %swap3A = arith.constant 0 : i32
    %swap3A_195 = arith.constant 0 : i32
    %swap3A_196 = arith.index_cast %swap3A : i32 to index
    %swap3A_197 = arith.index_cast %swap3A_195 : i32 to index
    %swap3A_198 = arith.constant 0 : index
    %swap3A_199 = tpu.vector_load %arg10[%swap3A_196, %swap3A_197, %swap3A_198] {strides = array<i32>} : memref<2x3x64xi32, #tpu.memory_space<vmem>>, vector<1x1x16xi32>,
    %swap3A_200 = vector.shape_cast %swap3A_199 : vector<1x1x16xi32> to vector<16xi32>
    %swap3A_201 = vector.shape_cast %min3A_194 : vector<16xi32> to vector<1x1x16xi32>
    tpu.vector_store %arg10[%swap3A_196, %swap3A_197, %swap3A_198], %swap3A_201 {strides = array<i32>} : memref<2x3x64xi32, #tpu.memory_space<vmem>>, vector<1x1x16xi32>,
    %max3A_202 = arith.constant 0.000000e+00 : f32
    %max3A_203 = vector.broadcast %max3A_202 : f32 to vector<16xf32>
    %max3A_204 = arith.maximumf %get3A_105, %max3A_203 : vector<16xf32>
    %min3A_205 = arith.constant 1.000000e+00 : f32
    %min3A_206 = vector.broadcast %min3A_205 : f32 to vector<16xf32>
    %min3A_207 = arith.minimumf %max3A_204, %min3A_206 : vector<16xf32>
    %mul3A_208 = arith.constant 5.110000e+02 : f32
    %mul3A_209 = vector.broadcast %mul3A_208 : f32 to vector<16xf32>
    %mul3A_210 = arith.mulf %min3A_207, %mul3A_209 : vector<16xf32>
    %add3A_211 = arith.constant 0x4B000000 : f32
    %add3A_212 = vector.broadcast %add3A_211 : f32 to vector<16xf32>
    %add3A_213 = arith.addf %mul3A_210, %add3A_212 : vector<16xf32>
    %sub3A_214 = arith.constant 0x4B000000 : f32
    %sub3A_215 = vector.broadcast %sub3A_214 : f32 to vector<16xf32>
    %sub3A_216 = arith.subf %add3A_213, %sub3A_215 : vector<16xf32>
    %convert_element_type3A_217 = arith.fptosi %sub3A_216 : vector<16xf32> to vector<16xi32>
    %max3A_218 = arith.constant 0 : i32
    %max3A_219 = vector.broadcast %max3A_218 : i32 to vector<16xi32>
    %max3A_220 = arith.maxsi %convert_element_type3A_217, %max3A_219 : vector<16xi32>
    %min3A_221 = arith.constant 511 : i32
    %min3A_222 = vector.broadcast %min3A_221 : i32 to vector<16xi32>
    %min3A_223 = arith.minsi %max3A_220, %min3A_222 : vector<16xi32>
    %swap3A_224 = arith.constant 0 : i32
    %swap3A_225 = arith.constant 1 : i32
    %swap3A_226 = arith.index_cast %swap3A_224 : i32 to index
    %swap3A_227 = arith.index_cast %swap3A_225 : i32 to index
    %swap3A_228 = arith.constant 0 : index
    %swap3A_229 = tpu.vector_load %arg10[%swap3A_226, %swap3A_227, %swap3A_228] {strides = array<i32>} : memref<2x3x64xi32, #tpu.memory_space<vmem>>, vector<1x1x16xi32>,
    %swap3A_230 = vector.shape_cast %swap3A_229 : vector<1x1x16xi32> to vector<16xi32>
    %swap3A_231 = vector.shape_cast %min3A_223 : vector<16xi32> to vector<1x1x16xi32>
    tpu.vector_store %arg10[%swap3A_226, %swap3A_227, %swap3A_228], %swap3A_231 {strides = array<i32>} : memref<2x3x64xi32, #tpu.memory_space<vmem>>, vector<1x1x16xi32>,
    %max3A_232 = arith.constant 0.000000e+00 : f32
    %max3A_233 = vector.broadcast %max3A_232 : f32 to vector<16xf32>
    %max3A_234 = arith.maximumf %get3A_112, %max3A_233 : vector<16xf32>
    %min3A_235 = arith.constant 1.000000e+00 : f32
    %min3A_236 = vector.broadcast %min3A_235 : f32 to vector<16xf32>
    %min3A_237 = arith.minimumf %max3A_234, %min3A_236 : vector<16xf32>
    %mul3A_238 = arith.constant 9.999900e+04 : f32
    %mul3A_239 = vector.broadcast %mul3A_238 : f32 to vector<16xf32>
    %mul3A_240 = arith.mulf %min3A_237, %mul3A_239 : vector<16xf32>
    %add3A_241 = arith.constant 0x4B000000 : f32
    %add3A_242 = vector.broadcast %add3A_241 : f32 to vector<16xf32>
    %add3A_243 = arith.addf %mul3A_240, %add3A_242 : vector<16xf32>
    %sub3A_244 = arith.constant 0x4B000000 : f32
    %sub3A_245 = vector.broadcast %sub3A_244 : f32 to vector<16xf32>
    %sub3A_246 = arith.subf %add3A_243, %sub3A_245 : vector<16xf32>
    %convert_element_type3A_247 = arith.fptosi %sub3A_246 : vector<16xf32> to vector<16xi32>
    %max3A_248 = arith.constant 0 : i32
    %max3A_249 = vector.broadcast %max3A_248 : i32 to vector<16xi32>
    %max3A_250 = arith.maxsi %convert_element_type3A_247, %max3A_249 : vector<16xi32>
    %min3A_251 = arith.constant 99999 : i32
    %min3A_252 = vector.broadcast %min3A_251 : i32 to vector<16xi32>
    %min3A_253 = arith.minsi %max3A_250, %min3A_252 : vector<16xi32>
    %swap3A_254 = arith.constant 0 : i32
    %swap3A_255 = arith.constant 2 : i32
    %swap3A_256 = arith.index_cast %swap3A_254 : i32 to index
    %swap3A_257 = arith.index_cast %swap3A_255 : i32 to index
    %swap3A_258 = arith.constant 0 : index
    %swap3A_259 = tpu.vector_load %arg10[%swap3A_256, %swap3A_257, %swap3A_258] {strides = array<i32>} : memref<2x3x64xi32, #tpu.memory_space<vmem>>, vector<1x1x16xi32>,
    %swap3A_260 = vector.shape_cast %swap3A_259 : vector<1x1x16xi32> to vector<16xi32>
    %swap3A_261 = vector.shape_cast %min3A_253 : vector<16xi32> to vector<1x1x16xi32>
    tpu.vector_store %arg10[%swap3A_256, %swap3A_257, %swap3A_258], %swap3A_261 {strides = array<i32>} : memref<2x3x64xi32, #tpu.memory_space<vmem>>, vector<1x1x16xi32>,
    %max3A_262 = arith.constant 0.000000e+00 : f32
    %max3A_263 = vector.broadcast %max3A_262 : f32 to vector<16xf32>
    %max3A_264 = arith.maximumf %get3A_119, %max3A_263 : vector<16xf32>
    %min3A_265 = arith.constant 1.000000e+00 : f32
    %min3A_266 = vector.broadcast %min3A_265 : f32 to vector<16xf32>
    %min3A_267 = arith.minimumf %max3A_264, %min3A_266 : vector<16xf32>
    %mul3A_268 = arith.constant 9.999900e+04 : f32
    %mul3A_269 = vector.broadcast %mul3A_268 : f32 to vector<16xf32>
    %mul3A_270 = arith.mulf %min3A_267, %mul3A_269 : vector<16xf32>
    %add3A_271 = arith.constant 0x4B000000 : f32
    %add3A_272 = vector.broadcast %add3A_271 : f32 to vector<16xf32>
    %add3A_273 = arith.addf %mul3A_270, %add3A_272 : vector<16xf32>
    %sub3A_274 = arith.constant 0x4B000000 : f32
    %sub3A_275 = vector.broadcast %sub3A_274 : f32 to vector<16xf32>
    %sub3A_276 = arith.subf %add3A_273, %sub3A_275 : vector<16xf32>
    %convert_element_type3A_277 = arith.fptosi %sub3A_276 : vector<16xf32> to vector<16xi32>
    %max3A_278 = arith.constant 0 : i32
    %max3A_279 = vector.broadcast %max3A_278 : i32 to vector<16xi32>
    %max3A_280 = arith.maxsi %convert_element_type3A_277, %max3A_279 : vector<16xi32>
    %min3A_281 = arith.constant 99999 : i32
    %min3A_282 = vector.broadcast %min3A_281 : i32 to vector<16xi32>
    %min3A_283 = arith.minsi %max3A_280, %min3A_282 : vector<16xi32>
    %swap3A_284 = arith.constant 0 : i32
    %swap3A_285 = arith.constant 0 : i32
    %swap3A_286 = arith.index_cast %swap3A_284 : i32 to index
    %swap3A_287 = arith.index_cast %swap3A_285 : i32 to index
    %swap3A_288 = arith.constant 16 : index
    %swap3A_289 = tpu.vector_load %arg10[%swap3A_286, %swap3A_287, %swap3A_288] {strides = array<i32>} : memref<2x3x64xi32, #tpu.memory_space<vmem>>, vector<1x1x16xi32>,
    %swap3A_290 = vector.shape_cast %swap3A_289 : vector<1x1x16xi32> to vector<16xi32>
    %swap3A_291 = vector.shape_cast %min3A_283 : vector<16xi32> to vector<1x1x16xi32>
    tpu.vector_store %arg10[%swap3A_286, %swap3A_287, %swap3A_288], %swap3A_291 {strides = array<i32>} : memref<2x3x64xi32, #tpu.memory_space<vmem>>, vector<1x1x16xi32>,
    %max3A_292 = arith.constant 0.000000e+00 : f32
    %max3A_293 = vector.broadcast %max3A_292 : f32 to vector<16xf32>
    %max3A_294 = arith.maximumf %get3A_126, %max3A_293 : vector<16xf32>
    %min3A_295 = arith.constant 1.000000e+00 : f32
    %min3A_296 = vector.broadcast %min3A_295 : f32 to vector<16xf32>
    %min3A_297 = arith.minimumf %max3A_294, %min3A_296 : vector<16xf32>
    %mul3A_298 = arith.constant 5.110000e+02 : f32
    %mul3A_299 = vector.broadcast %mul3A_298 : f32 to vector<16xf32>
    %mul3A_300 = arith.mulf %min3A_297, %mul3A_299 : vector<16xf32>
    %add3A_301 = arith.constant 0x4B000000 : f32
    %add3A_302 = vector.broadcast %add3A_301 : f32 to vector<16xf32>
    %add3A_303 = arith.addf %mul3A_300, %add3A_302 : vector<16xf32>
    %sub3A_304 = arith.constant 0x4B000000 : f32
    %sub3A_305 = vector.broadcast %sub3A_304 : f32 to vector<16xf32>
    %sub3A_306 = arith.subf %add3A_303, %sub3A_305 : vector<16xf32>
    %convert_element_type3A_307 = arith.fptosi %sub3A_306 : vector<16xf32> to vector<16xi32>
    %max3A_308 = arith.constant 0 : i32
    %max3A_309 = vector.broadcast %max3A_308 : i32 to vector<16xi32>
    %max3A_310 = arith.maxsi %convert_element_type3A_307, %max3A_309 : vector<16xi32>
    %min3A_311 = arith.constant 511 : i32
    %min3A_312 = vector.broadcast %min3A_311 : i32 to vector<16xi32>
    %min3A_313 = arith.minsi %max3A_310, %min3A_312 : vector<16xi32>
    %swap3A_314 = arith.constant 0 : i32
    %swap3A_315 = arith.constant 1 : i32
    %swap3A_316 = arith.index_cast %swap3A_314 : i32 to index
    %swap3A_317 = arith.index_cast %swap3A_315 : i32 to index
    %swap3A_318 = arith.constant 16 : index
    %swap3A_319 = tpu.vector_load %arg10[%swap3A_316, %swap3A_317, %swap3A_318] {strides = array<i32>} : memref<2x3x64xi32, #tpu.memory_space<vmem>>, vector<1x1x16xi32>,
    %swap3A_320 = vector.shape_cast %swap3A_319 : vector<1x1x16xi32> to vector<16xi32>
    %swap3A_321 = vector.shape_cast %min3A_313 : vector<16xi32> to vector<1x1x16xi32>
    tpu.vector_store %arg10[%swap3A_316, %swap3A_317, %swap3A_318], %swap3A_321 {strides = array<i32>} : memref<2x3x64xi32, #tpu.memory_space<vmem>>, vector<1x1x16xi32>,
    %max3A_322 = arith.constant 0.000000e+00 : f32
    %max3A_323 = vector.broadcast %max3A_322 : f32 to vector<16xf32>
    %max3A_324 = arith.maximumf %get3A_133, %max3A_323 : vector<16xf32>
    %min3A_325 = arith.constant 1.000000e+00 : f32
    %min3A_326 = vector.broadcast %min3A_325 : f32 to vector<16xf32>
    %min3A_327 = arith.minimumf %max3A_324, %min3A_326 : vector<16xf32>
    %mul3A_328 = arith.constant 9.999900e+04 : f32
    %mul3A_329 = vector.broadcast %mul3A_328 : f32 to vector<16xf32>
    %mul3A_330 = arith.mulf %min3A_327, %mul3A_329 : vector<16xf32>
    %add3A_331 = arith.constant 0x4B000000 : f32
    %add3A_332 = vector.broadcast %add3A_331 : f32 to vector<16xf32>
    %add3A_333 = arith.addf %mul3A_330, %add3A_332 : vector<16xf32>
    %sub3A_334 = arith.constant 0x4B000000 : f32
    %sub3A_335 = vector.broadcast %sub3A_334 : f32 to vector<16xf32>
    %sub3A_336 = arith.subf %add3A_333, %sub3A_335 : vector<16xf32>
    %convert_element_type3A_337 = arith.fptosi %sub3A_336 : vector<16xf32> to vector<16xi32>
    %max3A_338 = arith.constant 0 : i32
    %max3A_339 = vector.broadcast %max3A_338 : i32 to vector<16xi32>
    %max3A_340 = arith.maxsi %convert_element_type3A_337, %max3A_339 : vector<16xi32>
    %min3A_341 = arith.constant 99999 : i32
    %min3A_342 = vector.broadcast %min3A_341 : i32 to vector<16xi32>
    %min3A_343 = arith.minsi %max3A_340, %min3A_342 : vector<16xi32>
    %swap3A_344 = arith.constant 0 : i32
    %swap3A_345 = arith.constant 2 : i32
    %swap3A_346 = arith.index_cast %swap3A_344 : i32 to index
    %swap3A_347 = arith.index_cast %swap3A_345 : i32 to index
    %swap3A_348 = arith.constant 16 : index
    %swap3A_349 = tpu.vector_load %arg10[%swap3A_346, %swap3A_347, %swap3A_348] {strides = array<i32>} : memref<2x3x64xi32, #tpu.memory_space<vmem>>, vector<1x1x16xi32>,
    %swap3A_350 = vector.shape_cast %swap3A_349 : vector<1x1x16xi32> to vector<16xi32>
    %swap3A_351 = vector.shape_cast %min3A_343 : vector<16xi32> to vector<1x1x16xi32>
    tpu.vector_store %arg10[%swap3A_346, %swap3A_347, %swap3A_348], %swap3A_351 {strides = array<i32>} : memref<2x3x64xi32, #tpu.memory_space<vmem>>, vector<1x1x16xi32>,
    %max3A_352 = arith.constant 0.000000e+00 : f32
    %max3A_353 = vector.broadcast %max3A_352 : f32 to vector<16xf32>
    %max3A_354 = arith.maximumf %get3A_140, %max3A_353 : vector<16xf32>
    %min3A_355 = arith.constant 1.000000e+00 : f32
    %min3A_356 = vector.broadcast %min3A_355 : f32 to vector<16xf32>
    %min3A_357 = arith.minimumf %max3A_354, %min3A_356 : vector<16xf32>
    %mul3A_358 = arith.constant 9.999900e+04 : f32
    %mul3A_359 = vector.broadcast %mul3A_358 : f32 to vector<16xf32>
    %mul3A_360 = arith.mulf %min3A_357, %mul3A_359 : vector<16xf32>
    %add3A_361 = arith.constant 0x4B000000 : f32
    %add3A_362 = vector.broadcast %add3A_361 : f32 to vector<16xf32>
    %add3A_363 = arith.addf %mul3A_360, %add3A_362 : vector<16xf32>
    %sub3A_364 = arith.constant 0x4B000000 : f32
    %sub3A_365 = vector.broadcast %sub3A_364 : f32 to vector<16xf32>
    %sub3A_366 = arith.subf %add3A_363, %sub3A_365 : vector<16xf32>
    %convert_element_type3A_367 = arith.fptosi %sub3A_366 : vector<16xf32> to vector<16xi32>
    %max3A_368 = arith.constant 0 : i32
    %max3A_369 = vector.broadcast %max3A_368 : i32 to vector<16xi32>
    %max3A_370 = arith.maxsi %convert_element_type3A_367, %max3A_369 : vector<16xi32>
    %min3A_371 = arith.constant 99999 : i32
    %min3A_372 = vector.broadcast %min3A_371 : i32 to vector<16xi32>
    %min3A_373 = arith.minsi %max3A_370, %min3A_372 : vector<16xi32>
    %swap3A_374 = arith.constant 0 : i32
    %swap3A_375 = arith.constant 0 : i32
    %swap3A_376 = arith.index_cast %swap3A_374 : i32 to index
    %swap3A_377 = arith.index_cast %swap3A_375 : i32 to index
    %swap3A_378 = arith.constant 32 : index
    %swap3A_379 = tpu.vector_load %arg10[%swap3A_376, %swap3A_377, %swap3A_378] {strides = array<i32>} : memref<2x3x64xi32, #tpu.memory_space<vmem>>, vector<1x1x16xi32>,
    %swap3A_380 = vector.shape_cast %swap3A_379 : vector<1x1x16xi32> to vector<16xi32>
    %swap3A_381 = vector.shape_cast %min3A_373 : vector<16xi32> to vector<1x1x16xi32>
    tpu.vector_store %arg10[%swap3A_376, %swap3A_377, %swap3A_378], %swap3A_381 {strides = array<i32>} : memref<2x3x64xi32, #tpu.memory_space<vmem>>, vector<1x1x16xi32>,
    %max3A_382 = arith.constant 0.000000e+00 : f32
    %max3A_383 = vector.broadcast %max3A_382 : f32 to vector<16xf32>
    %max3A_384 = arith.maximumf %get3A_147, %max3A_383 : vector<16xf32>
    %min3A_385 = arith.constant 1.000000e+00 : f32
    %min3A_386 = vector.broadcast %min3A_385 : f32 to vector<16xf32>
    %min3A_387 = arith.minimumf %max3A_384, %min3A_386 : vector<16xf32>
    %mul3A_388 = arith.constant 5.110000e+02 : f32
    %mul3A_389 = vector.broadcast %mul3A_388 : f32 to vector<16xf32>
    %mul3A_390 = arith.mulf %min3A_387, %mul3A_389 : vector<16xf32>
    %add3A_391 = arith.constant 0x4B000000 : f32
    %add3A_392 = vector.broadcast %add3A_391 : f32 to vector<16xf32>
    %add3A_393 = arith.addf %mul3A_390, %add3A_392 : vector<16xf32>
    %sub3A_394 = arith.constant 0x4B000000 : f32
    %sub3A_395 = vector.broadcast %sub3A_394 : f32 to vector<16xf32>
    %sub3A_396 = arith.subf %add3A_393, %sub3A_395 : vector<16xf32>
    %convert_element_type3A_397 = arith.fptosi %sub3A_396 : vector<16xf32> to vector<16xi32>
    %max3A_398 = arith.constant 0 : i32
    %max3A_399 = vector.broadcast %max3A_398 : i32 to vector<16xi32>
    %max3A_400 = arith.maxsi %convert_element_type3A_397, %max3A_399 : vector<16xi32>
    %min3A_401 = arith.constant 511 : i32
    %min3A_402 = vector.broadcast %min3A_401 : i32 to vector<16xi32>
    %min3A_403 = arith.minsi %max3A_400, %min3A_402 : vector<16xi32>
    %swap3A_404 = arith.constant 0 : i32
    %swap3A_405 = arith.constant 1 : i32
    %swap3A_406 = arith.index_cast %swap3A_404 : i32 to index
    %swap3A_407 = arith.index_cast %swap3A_405 : i32 to index
    %swap3A_408 = arith.constant 32 : index
    %swap3A_409 = tpu.vector_load %arg10[%swap3A_406, %swap3A_407, %swap3A_408] {strides = array<i32>} : memref<2x3x64xi32, #tpu.memory_space<vmem>>, vector<1x1x16xi32>,
    %swap3A_410 = vector.shape_cast %swap3A_409 : vector<1x1x16xi32> to vector<16xi32>
    %swap3A_411 = vector.shape_cast %min3A_403 : vector<16xi32> to vector<1x1x16xi32>
    tpu.vector_store %arg10[%swap3A_406, %swap3A_407, %swap3A_408], %swap3A_411 {strides = array<i32>} : memref<2x3x64xi32, #tpu.memory_space<vmem>>, vector<1x1x16xi32>,
    %max3A_412 = arith.constant 0.000000e+00 : f32
    %max3A_413 = vector.broadcast %max3A_412 : f32 to vector<16xf32>
    %max3A_414 = arith.maximumf %get3A_154, %max3A_413 : vector<16xf32>
    %min3A_415 = arith.constant 1.000000e+00 : f32
    %min3A_416 = vector.broadcast %min3A_415 : f32 to vector<16xf32>
    %min3A_417 = arith.minimumf %max3A_414, %min3A_416 : vector<16xf32>
    %mul3A_418 = arith.constant 9.999900e+04 : f32
    %mul3A_419 = vector.broadcast %mul3A_418 : f32 to vector<16xf32>
    %mul3A_420 = arith.mulf %min3A_417, %mul3A_419 : vector<16xf32>
    %add3A_421 = arith.constant 0x4B000000 : f32
    %add3A_422 = vector.broadcast %add3A_421 : f32 to vector<16xf32>
    %add3A_423 = arith.addf %mul3A_420, %add3A_422 : vector<16xf32>
    %sub3A_424 = arith.constant 0x4B000000 : f32
    %sub3A_425 = vector.broadcast %sub3A_424 : f32 to vector<16xf32>
    %sub3A_426 = arith.subf %add3A_423, %sub3A_425 : vector<16xf32>
    %convert_element_type3A_427 = arith.fptosi %sub3A_426 : vector<16xf32> to vector<16xi32>
    %max3A_428 = arith.constant 0 : i32
    %max3A_429 = vector.broadcast %max3A_428 : i32 to vector<16xi32>
    %max3A_430 = arith.maxsi %convert_element_type3A_427, %max3A_429 : vector<16xi32>
    %min3A_431 = arith.constant 99999 : i32
    %min3A_432 = vector.broadcast %min3A_431 : i32 to vector<16xi32>
    %min3A_433 = arith.minsi %max3A_430, %min3A_432 : vector<16xi32>
    %swap3A_434 = arith.constant 0 : i32
    %swap3A_435 = arith.constant 2 : i32
    %swap3A_436 = arith.index_cast %swap3A_434 : i32 to index
    %swap3A_437 = arith.index_cast %swap3A_435 : i32 to index
    %swap3A_438 = arith.constant 32 : index
    %swap3A_439 = tpu.vector_load %arg10[%swap3A_436, %swap3A_437, %swap3A_438] {strides = array<i32>} : memref<2x3x64xi32, #tpu.memory_space<vmem>>, vector<1x1x16xi32>,
    %swap3A_440 = vector.shape_cast %swap3A_439 : vector<1x1x16xi32> to vector<16xi32>
    %swap3A_441 = vector.shape_cast %min3A_433 : vector<16xi32> to vector<1x1x16xi32>
    tpu.vector_store %arg10[%swap3A_436, %swap3A_437, %swap3A_438], %swap3A_441 {strides = array<i32>} : memref<2x3x64xi32, #tpu.memory_space<vmem>>, vector<1x1x16xi32>,
    %max3A_442 = arith.constant 0.000000e+00 : f32
    %max3A_443 = vector.broadcast %max3A_442 : f32 to vector<16xf32>
    %max3A_444 = arith.maximumf %get3A_161, %max3A_443 : vector<16xf32>
    %min3A_445 = arith.constant 1.000000e+00 : f32
    %min3A_446 = vector.broadcast %min3A_445 : f32 to vector<16xf32>
    %min3A_447 = arith.minimumf %max3A_444, %min3A_446 : vector<16xf32>
    %mul3A_448 = arith.constant 9.999900e+04 : f32
    %mul3A_449 = vector.broadcast %mul3A_448 : f32 to vector<16xf32>
    %mul3A_450 = arith.mulf %min3A_447, %mul3A_449 : vector<16xf32>
    %add3A_451 = arith.constant 0x4B000000 : f32
    %add3A_452 = vector.broadcast %add3A_451 : f32 to vector<16xf32>
    %add3A_453 = arith.addf %mul3A_450, %add3A_452 : vector<16xf32>
    %sub3A_454 = arith.constant 0x4B000000 : f32
    %sub3A_455 = vector.broadcast %sub3A_454 : f32 to vector<16xf32>
    %sub3A_456 = arith.subf %add3A_453, %sub3A_455 : vector<16xf32>
    %convert_element_type3A_457 = arith.fptosi %sub3A_456 : vector<16xf32> to vector<16xi32>
    %max3A_458 = arith.constant 0 : i32
    %max3A_459 = vector.broadcast %max3A_458 : i32 to vector<16xi32>
    %max3A_460 = arith.maxsi %convert_element_type3A_457, %max3A_459 : vector<16xi32>
    %min3A_461 = arith.constant 99999 : i32
    %min3A_462 = vector.broadcast %min3A_461 : i32 to vector<16xi32>
    %min3A_463 = arith.minsi %max3A_460, %min3A_462 : vector<16xi32>
    %swap3A_464 = arith.constant 0 : i32
    %swap3A_465 = arith.constant 0 : i32
    %swap3A_466 = arith.index_cast %swap3A_464 : i32 to index
    %swap3A_467 = arith.index_cast %swap3A_465 : i32 to index
    %swap3A_468 = arith.constant 48 : index
    %swap3A_469 = tpu.vector_load %arg10[%swap3A_466, %swap3A_467, %swap3A_468] {strides = array<i32>} : memref<2x3x64xi32, #tpu.memory_space<vmem>>, vector<1x1x16xi32>,
    %swap3A_470 = vector.shape_cast %swap3A_469 : vector<1x1x16xi32> to vector<16xi32>
    %swap3A_471 = vector.shape_cast %min3A_463 : vector<16xi32> to vector<1x1x16xi32>
    tpu.vector_store %arg10[%swap3A_466, %swap3A_467, %swap3A_468], %swap3A_471 {strides = array<i32>} : memref<2x3x64xi32, #tpu.memory_space<vmem>>, vector<1x1x16xi32>,
    %max3A_472 = arith.constant 0.000000e+00 : f32
    %max3A_473 = vector.broadcast %max3A_472 : f32 to vector<16xf32>
    %max3A_474 = arith.maximumf %get3A_168, %max3A_473 : vector<16xf32>
    %min3A_475 = arith.constant 1.000000e+00 : f32
    %min3A_476 = vector.broadcast %min3A_475 : f32 to vector<16xf32>
    %min3A_477 = arith.minimumf %max3A_474, %min3A_476 : vector<16xf32>
    %mul3A_478 = arith.constant 5.110000e+02 : f32
    %mul3A_479 = vector.broadcast %mul3A_478 : f32 to vector<16xf32>
    %mul3A_480 = arith.mulf %min3A_477, %mul3A_479 : vector<16xf32>
    %add3A_481 = arith.constant 0x4B000000 : f32
    %add3A_482 = vector.broadcast %add3A_481 : f32 to vector<16xf32>
    %add3A_483 = arith.addf %mul3A_480, %add3A_482 : vector<16xf32>
    %sub3A_484 = arith.constant 0x4B000000 : f32
    %sub3A_485 = vector.broadcast %sub3A_484 : f32 to vector<16xf32>
    %sub3A_486 = arith.subf %add3A_483, %sub3A_485 : vector<16xf32>
    %convert_element_type3A_487 = arith.fptosi %sub3A_486 : vector<16xf32> to vector<16xi32>
    %max3A_488 = arith.constant 0 : i32
    %max3A_489 = vector.broadcast %max3A_488 : i32 to vector<16xi32>
    %max3A_490 = arith.maxsi %convert_element_type3A_487, %max3A_489 : vector<16xi32>
    %min3A_491 = arith.constant 511 : i32
    %min3A_492 = vector.broadcast %min3A_491 : i32 to vector<16xi32>
    %min3A_493 = arith.minsi %max3A_490, %min3A_492 : vector<16xi32>
    %swap3A_494 = arith.constant 0 : i32
    %swap3A_495 = arith.constant 1 : i32
    %swap3A_496 = arith.index_cast %swap3A_494 : i32 to index
    %swap3A_497 = arith.index_cast %swap3A_495 : i32 to index
    %swap3A_498 = arith.constant 48 : index
    %swap3A_499 = tpu.vector_load %arg10[%swap3A_496, %swap3A_497, %swap3A_498] {strides = array<i32>} : memref<2x3x64xi32, #tpu.memory_space<vmem>>, vector<1x1x16xi32>,
    %swap3A_500 = vector.shape_cast %swap3A_499 : vector<1x1x16xi32> to vector<16xi32>
    %swap3A_501 = vector.shape_cast %min3A_493 : vector<16xi32> to vector<1x1x16xi32>
    tpu.vector_store %arg10[%swap3A_496, %swap3A_497, %swap3A_498], %swap3A_501 {strides = array<i32>} : memref<2x3x64xi32, #tpu.memory_space<vmem>>, vector<1x1x16xi32>,
    %max3A_502 = arith.constant 0.000000e+00 : f32
    %max3A_503 = vector.broadcast %max3A_502 : f32 to vector<16xf32>
    %max3A_504 = arith.maximumf %get3A_175, %max3A_503 : vector<16xf32>
    %min3A_505 = arith.constant 1.000000e+00 : f32
    %min3A_506 = vector.broadcast %min3A_505 : f32 to vector<16xf32>
    %min3A_507 = arith.minimumf %max3A_504, %min3A_506 : vector<16xf32>
    %mul3A_508 = arith.constant 9.999900e+04 : f32
    %mul3A_509 = vector.broadcast %mul3A_508 : f32 to vector<16xf32>
    %mul3A_510 = arith.mulf %min3A_507, %mul3A_509 : vector<16xf32>
    %add3A_511 = arith.constant 0x4B000000 : f32
    %add3A_512 = vector.broadcast %add3A_511 : f32 to vector<16xf32>
    %add3A_513 = arith.addf %mul3A_510, %add3A_512 : vector<16xf32>
    %sub3A_514 = arith.constant 0x4B000000 : f32
    %sub3A_515 = vector.broadcast %sub3A_514 : f32 to vector<16xf32>
    %sub3A_516 = arith.subf %add3A_513, %sub3A_515 : vector<16xf32>
    %convert_element_type3A_517 = arith.fptosi %sub3A_516 : vector<16xf32> to vector<16xi32>
    %max3A_518 = arith.constant 0 : i32
    %max3A_519 = vector.broadcast %max3A_518 : i32 to vector<16xi32>
    %max3A_520 = arith.maxsi %convert_element_type3A_517, %max3A_519 : vector<16xi32>
    %min3A_521 = arith.constant 99999 : i32
    %min3A_522 = vector.broadcast %min3A_521 : i32 to vector<16xi32>
    %min3A_523 = arith.minsi %max3A_520, %min3A_522 : vector<16xi32>
    %swap3A_524 = arith.constant 0 : i32
    %swap3A_525 = arith.constant 2 : i32
    %swap3A_526 = arith.index_cast %swap3A_524 : i32 to index
    %swap3A_527 = arith.index_cast %swap3A_525 : i32 to index
    %swap3A_528 = arith.constant 48 : index
    %swap3A_529 = tpu.vector_load %arg10[%swap3A_526, %swap3A_527, %swap3A_528] {strides = array<i32>} : memref<2x3x64xi32, #tpu.memory_space<vmem>>, vector<1x1x16xi32>,
    %swap3A_530 = vector.shape_cast %swap3A_529 : vector<1x1x16xi32> to vector<16xi32>
    %swap3A_531 = vector.shape_cast %min3A_523 : vector<16xi32> to vector<1x1x16xi32>
    tpu.vector_store %arg10[%swap3A_526, %swap3A_527, %swap3A_528], %swap3A_531 {strides = array<i32>} : memref<2x3x64xi32, #tpu.memory_space<vmem>>, vector<1x1x16xi32>,
    %dma_start3A_532 = arith.constant 0 : i32
    %dma_start3A_533 = arith.constant 0 : i32
    %dma_start3A_534 = arith.constant 0 : i32
    %dma_start3A_535 = arith.constant 0 : i32
    %dma_start3A_536 = arith.constant 0 : i32
    %dma_start3A_537 = arith.constant 0 : i32
    %dma_start3A_538 = tpu.memref_slice %arg13[%dma_start3A_534, %dma_start3A_536, %dma_start3A_537] : memref<2x64x64xf32, #tpu.memory_space<vmem>> -> memref<1x64x64xf32, #tpu.memory_space<vmem>>
    %dma_start3A_539 = tpu.memref_squeeze %dma_start3A_538 : memref<1x64x64xf32, #tpu.memory_space<vmem>> -> memref<64x64xf32, #tpu.memory_space<vmem>>
    %dma_start3A_540 = arith.constant 0 : i32
    %dma_start3A_541 = tpu.memref_slice %arg10[%dma_start3A_532, %dma_start3A_533, %dma_start3A_540] : memref<2x3x64xi32, #tpu.memory_space<vmem>> -> memref<1x1x64xi32, #tpu.memory_space<vmem>>
    %dma_start3A_542 = tpu.memref_squeeze %dma_start3A_541 : memref<1x1x64xi32, #tpu.memory_space<vmem>> -> memref<64xi32, #tpu.memory_space<vmem>>
    %dma_start3A_543 = arith.constant 0 : i32
    %dma_start3A_544 = arith.constant 0 : i32
    %dma_start3A_545 = tpu.memref_slice %arg4[%dma_start3A_543, %dma_start3A_544] : memref<100000x64xf32, #tpu.memory_space<hbm>> -> memref<100000x64xf32, #tpu.memory_space<hbm>>
    %dma_start3A_546 = tpu.memref_slice %arg18[%dma_start3A_535] : memref<2x!tpu.dma_semaphore, #tpu.memory_space<semaphore_mem>> -> memref<1x!tpu.dma_semaphore, #tpu.memory_space<semaphore_mem>>
    %dma_start3A_547 = tpu.memref_squeeze %dma_start3A_546 : memref<1x!tpu.dma_semaphore, #tpu.memory_space<semaphore_mem>> -> memref<!tpu.dma_semaphore, #tpu.memory_space<semaphore_mem>>
    tpu.enqueue_indirect_dma source(%dma_start3A_545 : memref<100000x64xf32, #tpu.memory_space<hbm>>) target(%dma_start3A_539 : memref<64x64xf32, #tpu.memory_space<vmem>>) offsets(%dma_start3A_542 : memref<64xi32, #tpu.memory_space<vmem>>) semaphore(%dma_start3A_547 : memref<!tpu.dma_semaphore, #tpu.memory_space<semaphore_mem>>)
    %dma_start3A_548 = arith.constant 0 : i32
    %dma_start3A_549 = arith.constant 1 : i32
    %dma_start3A_550 = arith.constant 0 : i32
    %dma_start3A_551 = arith.constant 0 : i32
    %dma_start3A_552 = arith.constant 0 : i32
    %dma_start3A_553 = arith.constant 0 : i32
    %dma_start3A_554 = tpu.memref_slice %arg14[%dma_start3A_550, %dma_start3A_552, %dma_start3A_553] : memref<2x64x64xf32, #tpu.memory_space<vmem>> -> memref<1x64x64xf32, #tpu.memory_space<vmem>>
    %dma_start3A_555 = tpu.memref_squeeze %dma_start3A_554 : memref<1x64x64xf32, #tpu.memory_space<vmem>> -> memref<64x64xf32, #tpu.memory_space<vmem>>
    %dma_start3A_556 = arith.constant 0 : i32
    %dma_start3A_557 = tpu.memref_slice %arg10[%dma_start3A_548, %dma_start3A_549, %dma_start3A_556] : memref<2x3x64xi32, #tpu.memory_space<vmem>> -> memref<1x1x64xi32, #tpu.memory_space<vmem>>
    %dma_start3A_558 = tpu.memref_squeeze %dma_start3A_557 : memref<1x1x64xi32, #tpu.memory_space<vmem>> -> memref<64xi32, #tpu.memory_space<vmem>>
    %dma_start3A_559 = arith.constant 0 : i32
    %dma_start3A_560 = arith.constant 0 : i32
    %dma_start3A_561 = tpu.memref_slice %arg8[%dma_start3A_559, %dma_start3A_560] : memref<512x64xf32, #tpu.memory_space<vmem_shared>> -> memref<512x64xf32, #tpu.memory_space<vmem_shared>>
    %dma_start3A_562 = tpu.memref_slice %arg19[%dma_start3A_551] : memref<2x!tpu.dma_semaphore, #tpu.memory_space<semaphore_mem>> -> memref<1x!tpu.dma_semaphore, #tpu.memory_space<semaphore_mem>>
    %dma_start3A_563 = tpu.memref_squeeze %dma_start3A_562 : memref<1x!tpu.dma_semaphore, #tpu.memory_space<semaphore_mem>> -> memref<!tpu.dma_semaphore, #tpu.memory_space<semaphore_mem>>
    tpu.enqueue_indirect_dma source(%dma_start3A_561 : memref<512x64xf32, #tpu.memory_space<vmem_shared>>) target(%dma_start3A_555 : memref<64x64xf32, #tpu.memory_space<vmem>>) offsets(%dma_start3A_558 : memref<64xi32, #tpu.memory_space<vmem>>) semaphore(%dma_start3A_563 : memref<!tpu.dma_semaphore, #tpu.memory_space<semaphore_mem>>)
    %dma_start3A_564 = arith.constant 0 : i32
    %dma_start3A_565 = arith.constant 2 : i32
    %dma_start3A_566 = arith.constant 0 : i32
    %dma_start3A_567 = arith.constant 0 : i32
    %dma_start3A_568 = arith.constant 0 : i32
    %dma_start3A_569 = arith.constant 0 : i32
    %dma_start3A_570 = tpu.memref_slice %arg15[%dma_start3A_566, %dma_start3A_568, %dma_start3A_569] : memref<2x64x64xf32, #tpu.memory_space<vmem>> -> memref<1x64x64xf32, #tpu.memory_space<vmem>>
    %dma_start3A_571 = tpu.memref_squeeze %dma_start3A_570 : memref<1x64x64xf32, #tpu.memory_space<vmem>> -> memref<64x64xf32, #tpu.memory_space<vmem>>
    %dma_start3A_572 = arith.constant 0 : i32
    %dma_start3A_573 = tpu.memref_slice %arg10[%dma_start3A_564, %dma_start3A_565, %dma_start3A_572] : memref<2x3x64xi32, #tpu.memory_space<vmem>> -> memref<1x1x64xi32, #tpu.memory_space<vmem>>
    %dma_start3A_574 = tpu.memref_squeeze %dma_start3A_573 : memref<1x1x64xi32, #tpu.memory_space<vmem>> -> memref<64xi32, #tpu.memory_space<vmem>>
    %dma_start3A_575 = arith.constant 0 : i32
    %dma_start3A_576 = arith.constant 0 : i32
    %dma_start3A_577 = tpu.memref_slice %arg6[%dma_start3A_575, %dma_start3A_576] : memref<100000x64xf32, #tpu.memory_space<hbm>> -> memref<100000x64xf32, #tpu.memory_space<hbm>>
    %dma_start3A_578 = tpu.memref_slice %arg20[%dma_start3A_567] : memref<2x!tpu.dma_semaphore, #tpu.memory_space<semaphore_mem>> -> memref<1x!tpu.dma_semaphore, #tpu.memory_space<semaphore_mem>>
    %dma_start3A_579 = tpu.memref_squeeze %dma_start3A_578 : memref<1x!tpu.dma_semaphore, #tpu.memory_space<semaphore_mem>> -> memref<!tpu.dma_semaphore, #tpu.memory_space<semaphore_mem>>
    tpu.enqueue_indirect_dma source(%dma_start3A_577 : memref<100000x64xf32, #tpu.memory_space<hbm>>) target(%dma_start3A_571 : memref<64x64xf32, #tpu.memory_space<vmem>>) offsets(%dma_start3A_574 : memref<64xi32, #tpu.memory_space<vmem>>) semaphore(%dma_start3A_579 : memref<!tpu.dma_semaphore, #tpu.memory_space<semaphore_mem>>)
    %scan3A = arith.constant 0 : i32
    %scan3A_580 = arith.constant 0 : i32
    %scan3A_581 = arith.constant 100 : i32
    %scan3A_582 = arith.addi %scan3A_580, %scan3A_581 : i32
    %scan3A_583 = arith.constant 1 : i32
    scf.for %scan3A_603 = %scan3A_580 to %scan3A_582 step %scan3A_583  : i32 {
      %jit3A = arith.constant 2 : i32
      %eq3A_604 = arith.constant 0 : i32
      %eq3A_605 = arith.cmpi eq, %jit3A, %eq3A_604 : i32
      %jit3A_606 = arith.constant 1 : i32
      %select_n3A = arith.select %eq3A_605, %jit3A_606, %jit3A : i32
      %rem3A = arith.remsi %scan3A_603, %select_n3A : i32
      %ne3A = arith.constant 0 : i32
      %ne3A_607 = arith.cmpi ne, %rem3A, %ne3A : i32
      %lt3A = arith.constant 0 : i32
      %lt3A_608 = arith.cmpi slt, %rem3A, %lt3A : i32
      %lt3A_609 = arith.constant 0 : i32
      %lt3A_610 = arith.cmpi slt, %select_n3A, %lt3A_609 : i32
      %ne3A_611 = arith.xori %lt3A_608, %lt3A_610 : i1
      %and3A = arith.andi %ne3A_611, %ne3A_607 : i1
      %add3A_612 = arith.addi %rem3A, %select_n3A : i32
      %select_n3A_613 = arith.select %and3A, %add3A_612, %rem3A : i32
      %jit3A_614 = arith.constant 3 : i32
      %eq3A_615 = arith.constant 0 : i32
      %eq3A_616 = arith.cmpi eq, %jit3A_614, %eq3A_615 : i32
      %jit3A_617 = arith.constant 1 : i32
      %select_n3A_618 = arith.select %eq3A_616, %jit3A_617, %jit3A_614 : i32
      %rem3A_619 = arith.remsi %scan3A_603, %select_n3A_618 : i32
      %ne3A_620 = arith.constant 0 : i32
      %ne3A_621 = arith.cmpi ne, %rem3A_619, %ne3A_620 : i32
      %lt3A_622 = arith.constant 0 : i32
      %lt3A_623 = arith.cmpi slt, %rem3A_619, %lt3A_622 : i32
      %lt3A_624 = arith.constant 0 : i32
      %lt3A_625 = arith.cmpi slt, %select_n3A_618, %lt3A_624 : i32
      %ne3A_626 = arith.xori %lt3A_623, %lt3A_625 : i1
      %and3A_627 = arith.andi %ne3A_626, %ne3A_621 : i1
      %add3A_628 = arith.addi %rem3A_619, %select_n3A_618 : i32
      %select_n3A_629 = arith.select %and3A_627, %add3A_628, %rem3A_619 : i32
      %add3A_630 = arith.constant 1 : i32
      %add3A_631 = arith.addi %scan3A_603, %add3A_630 : i32
      %lt3A_632 = arith.constant 100 : i32
      %lt3A_633 = arith.cmpi slt, %add3A_631, %lt3A_632 : i32
      %convert_element_type3A_634 = arith.extui %lt3A_633 : i1 to i32
      %cond3A_635 = arith.constant 0 : i32
      %cond3A_636 = arith.cmpi ne, %convert_element_type3A_634, %cond3A_635 : i32
      scf.if %cond3A_636 {
        %add3A_727 = arith.constant 1 : i32
        %add3A_728 = arith.addi %scan3A_603, %add3A_727 : i32
        %jit3A_729 = arith.constant 2 : i32
        %eq3A_730 = arith.constant 0 : i32
        %eq3A_731 = arith.cmpi eq, %jit3A_729, %eq3A_730 : i32
        %jit3A_732 = arith.constant 1 : i32
        %select_n3A_733 = arith.select %eq3A_731, %jit3A_732, %jit3A_729 : i32
        %rem3A_734 = arith.remsi %add3A_728, %select_n3A_733 : i32
        %ne3A_735 = arith.constant 0 : i32
        %ne3A_736 = arith.cmpi ne, %rem3A_734, %ne3A_735 : i32
        %lt3A_737 = arith.constant 0 : i32
        %lt3A_738 = arith.cmpi slt, %rem3A_734, %lt3A_737 : i32
        %lt3A_739 = arith.constant 0 : i32
        %lt3A_740 = arith.cmpi slt, %select_n3A_733, %lt3A_739 : i32
        %ne3A_741 = arith.xori %lt3A_738, %lt3A_740 : i1
        %and3A_742 = arith.andi %ne3A_741, %ne3A_736 : i1
        %add3A_743 = arith.addi %rem3A_734, %select_n3A_733 : i32
        %select_n3A_744 = arith.select %and3A_742, %add3A_743, %rem3A_734 : i32
        %mul3A_745 = arith.constant 64 : i32
        %mul3A_746 = arith.muli %add3A_728, %mul3A_745 : i32
        %add3A_747 = arith.addi %mul3A_2, %mul3A_746 : i32
        %dma_wait3A_748 = arith.constant 0 : i32
        %dma_wait3A_749 = arith.constant 0 : i32
        %dma_wait3A_750 = tpu.memref_slice %arg9[%select_n3A_744, %dma_wait3A_748, %dma_wait3A_749] : memref<2x3x64xf32, #tpu.memory_space<vmem>> -> memref<1x3x64xf32, #tpu.memory_space<vmem>>
        %dma_wait3A_751 = tpu.memref_squeeze %dma_wait3A_750 : memref<1x3x64xf32, #tpu.memory_space<vmem>> -> memref<3x64xf32, #tpu.memory_space<vmem>>
        %dma_wait3A_752 = arith.constant 0 : i32
        %dma_wait3A_753 = tpu.memref_slice %arg3[%dma_wait3A_752, %add3A_747] : memref<3x204800xf32, #tpu.memory_space<hbm>> -> memref<3x64xf32, #tpu.memory_space<hbm>>
        %dma_wait3A_754 = tpu.memref_slice %arg17[%select_n3A_744] : memref<2x!tpu.dma_semaphore, #tpu.memory_space<semaphore_mem>> -> memref<1x!tpu.dma_semaphore, #tpu.memory_space<semaphore_mem>>
        %dma_wait3A_755 = tpu.memref_squeeze %dma_wait3A_754 : memref<1x!tpu.dma_semaphore, #tpu.memory_space<semaphore_mem>> -> memref<!tpu.dma_semaphore, #tpu.memory_space<semaphore_mem>>
        %dma_wait3A_756 = arith.constant 0 : i32
        %dma_wait3A_757 = arith.constant 0 : i32
        %dma_wait3A_758 = tpu.memref_slice %arg9[%select_n3A_744, %dma_wait3A_756, %dma_wait3A_757] : memref<2x3x64xf32, #tpu.memory_space<vmem>> -> memref<1x3x64xf32, #tpu.memory_space<vmem>>
        %dma_wait3A_759 = tpu.memref_squeeze %dma_wait3A_758 : memref<1x3x64xf32, #tpu.memory_space<vmem>> -> memref<3x64xf32, #tpu.memory_space<vmem>>
        %dma_wait3A_760 = arith.constant 0 : i32
        %dma_wait3A_761 = tpu.memref_slice %arg3[%dma_wait3A_760, %add3A_747] : memref<3x204800xf32, #tpu.memory_space<hbm>> -> memref<3x64xf32, #tpu.memory_space<hbm>>
        tpu.wait_dma2 semaphore(%dma_wait3A_755 : memref<!tpu.dma_semaphore, #tpu.memory_space<semaphore_mem>>) src(%dma_wait3A_761 : memref<3x64xf32, #tpu.memory_space<hbm>>) dst(%dma_wait3A_759 : memref<3x64xf32, #tpu.memory_space<vmem>>)
        %get3A_762 = arith.constant 0 : i32
        %get3A_763 = arith.index_cast %select_n3A_744 : i32 to index
        %get3A_764 = arith.index_cast %get3A_762 : i32 to index
        %get3A_765 = arith.constant 0 : index
        %get3A_766 = tpu.vector_load %arg9[%get3A_763, %get3A_764, %get3A_765] {strides = array<i32>} : memref<2x3x64xf32, #tpu.memory_space<vmem>>, vector<1x1x16xf32>,
        %get3A_767 = vector.shape_cast %get3A_766 : vector<1x1x16xf32> to vector<16xf32>
        %get3A_768 = arith.constant 1 : i32
        %get3A_769 = arith.index_cast %select_n3A_744 : i32 to index
        %get3A_770 = arith.index_cast %get3A_768 : i32 to index
        %get3A_771 = arith.constant 0 : index
        %get3A_772 = tpu.vector_load %arg9[%get3A_769, %get3A_770, %get3A_771] {strides = array<i32>} : memref<2x3x64xf32, #tpu.memory_space<vmem>>, vector<1x1x16xf32>,
        %get3A_773 = vector.shape_cast %get3A_772 : vector<1x1x16xf32> to vector<16xf32>
        %get3A_774 = arith.constant 2 : i32
        %get3A_775 = arith.index_cast %select_n3A_744 : i32 to index
        %get3A_776 = arith.index_cast %get3A_774 : i32 to index
        %get3A_777 = arith.constant 0 : index
        %get3A_778 = tpu.vector_load %arg9[%get3A_775, %get3A_776, %get3A_777] {strides = array<i32>} : memref<2x3x64xf32, #tpu.memory_space<vmem>>, vector<1x1x16xf32>,
        %get3A_779 = vector.shape_cast %get3A_778 : vector<1x1x16xf32> to vector<16xf32>
        %get3A_780 = arith.constant 0 : i32
        %get3A_781 = arith.index_cast %select_n3A_744 : i32 to index
        %get3A_782 = arith.index_cast %get3A_780 : i32 to index
        %get3A_783 = arith.constant 16 : index
        %get3A_784 = tpu.vector_load %arg9[%get3A_781, %get3A_782, %get3A_783] {strides = array<i32>} : memref<2x3x64xf32, #tpu.memory_space<vmem>>, vector<1x1x16xf32>,
        %get3A_785 = vector.shape_cast %get3A_784 : vector<1x1x16xf32> to vector<16xf32>
        %get3A_786 = arith.constant 1 : i32
        %get3A_787 = arith.index_cast %select_n3A_744 : i32 to index
        %get3A_788 = arith.index_cast %get3A_786 : i32 to index
        %get3A_789 = arith.constant 16 : index
        %get3A_790 = tpu.vector_load %arg9[%get3A_787, %get3A_788, %get3A_789] {strides = array<i32>} : memref<2x3x64xf32, #tpu.memory_space<vmem>>, vector<1x1x16xf32>,
        %get3A_791 = vector.shape_cast %get3A_790 : vector<1x1x16xf32> to vector<16xf32>
        %get3A_792 = arith.constant 2 : i32
        %get3A_793 = arith.index_cast %select_n3A_744 : i32 to index
        %get3A_794 = arith.index_cast %get3A_792 : i32 to index
        %get3A_795 = arith.constant 16 : index
        %get3A_796 = tpu.vector_load %arg9[%get3A_793, %get3A_794, %get3A_795] {strides = array<i32>} : memref<2x3x64xf32, #tpu.memory_space<vmem>>, vector<1x1x16xf32>,
        %get3A_797 = vector.shape_cast %get3A_796 : vector<1x1x16xf32> to vector<16xf32>
        %get3A_798 = arith.constant 0 : i32
        %get3A_799 = arith.index_cast %select_n3A_744 : i32 to index
        %get3A_800 = arith.index_cast %get3A_798 : i32 to index
        %get3A_801 = arith.constant 32 : index
        %get3A_802 = tpu.vector_load %arg9[%get3A_799, %get3A_800, %get3A_801] {strides = array<i32>} : memref<2x3x64xf32, #tpu.memory_space<vmem>>, vector<1x1x16xf32>,
        %get3A_803 = vector.shape_cast %get3A_802 : vector<1x1x16xf32> to vector<16xf32>
        %get3A_804 = arith.constant 1 : i32
        %get3A_805 = arith.index_cast %select_n3A_744 : i32 to index
        %get3A_806 = arith.index_cast %get3A_804 : i32 to index
        %get3A_807 = arith.constant 32 : index
        %get3A_808 = tpu.vector_load %arg9[%get3A_805, %get3A_806, %get3A_807] {strides = array<i32>} : memref<2x3x64xf32, #tpu.memory_space<vmem>>, vector<1x1x16xf32>,
        %get3A_809 = vector.shape_cast %get3A_808 : vector<1x1x16xf32> to vector<16xf32>
        %get3A_810 = arith.constant 2 : i32
        %get3A_811 = arith.index_cast %select_n3A_744 : i32 to index
        %get3A_812 = arith.index_cast %get3A_810 : i32 to index
        %get3A_813 = arith.constant 32 : index
        %get3A_814 = tpu.vector_load %arg9[%get3A_811, %get3A_812, %get3A_813] {strides = array<i32>} : memref<2x3x64xf32, #tpu.memory_space<vmem>>, vector<1x1x16xf32>,
        %get3A_815 = vector.shape_cast %get3A_814 : vector<1x1x16xf32> to vector<16xf32>
        %get3A_816 = arith.constant 0 : i32
        %get3A_817 = arith.index_cast %select_n3A_744 : i32 to index
        %get3A_818 = arith.index_cast %get3A_816 : i32 to index
        %get3A_819 = arith.constant 48 : index
        %get3A_820 = tpu.vector_load %arg9[%get3A_817, %get3A_818, %get3A_819] {strides = array<i32>} : memref<2x3x64xf32, #tpu.memory_space<vmem>>, vector<1x1x16xf32>,
        %get3A_821 = vector.shape_cast %get3A_820 : vector<1x1x16xf32> to vector<16xf32>
        %get3A_822 = arith.constant 1 : i32
        %get3A_823 = arith.index_cast %select_n3A_744 : i32 to index
        %get3A_824 = arith.index_cast %get3A_822 : i32 to index
        %get3A_825 = arith.constant 48 : index
        %get3A_826 = tpu.vector_load %arg9[%get3A_823, %get3A_824, %get3A_825] {strides = array<i32>} : memref<2x3x64xf32, #tpu.memory_space<vmem>>, vector<1x1x16xf32>,
        %get3A_827 = vector.shape_cast %get3A_826 : vector<1x1x16xf32> to vector<16xf32>
        %get3A_828 = arith.constant 2 : i32
        %get3A_829 = arith.index_cast %select_n3A_744 : i32 to index
        %get3A_830 = arith.index_cast %get3A_828 : i32 to index
        %get3A_831 = arith.constant 48 : index
        %get3A_832 = tpu.vector_load %arg9[%get3A_829, %get3A_830, %get3A_831] {strides = array<i32>} : memref<2x3x64xf32, #tpu.memory_space<vmem>>, vector<1x1x16xf32>,
        %get3A_833 = vector.shape_cast %get3A_832 : vector<1x1x16xf32> to vector<16xf32>
        %max3A_834 = arith.constant 0.000000e+00 : f32
        %max3A_835 = vector.broadcast %max3A_834 : f32 to vector<16xf32>
        %max3A_836 = arith.maximumf %get3A_767, %max3A_835 : vector<16xf32>
        %min3A_837 = arith.constant 1.000000e+00 : f32
        %min3A_838 = vector.broadcast %min3A_837 : f32 to vector<16xf32>
        %min3A_839 = arith.minimumf %max3A_836, %min3A_838 : vector<16xf32>
        %mul3A_840 = arith.constant 9.999900e+04 : f32
        %mul3A_841 = vector.broadcast %mul3A_840 : f32 to vector<16xf32>
        %mul3A_842 = arith.mulf %min3A_839, %mul3A_841 : vector<16xf32>
        %add3A_843 = arith.constant 0x4B000000 : f32
        %add3A_844 = vector.broadcast %add3A_843 : f32 to vector<16xf32>
        %add3A_845 = arith.addf %mul3A_842, %add3A_844 : vector<16xf32>
        %sub3A_846 = arith.constant 0x4B000000 : f32
        %sub3A_847 = vector.broadcast %sub3A_846 : f32 to vector<16xf32>
        %sub3A_848 = arith.subf %add3A_845, %sub3A_847 : vector<16xf32>
        %convert_element_type3A_849 = arith.fptosi %sub3A_848 : vector<16xf32> to vector<16xi32>
        %max3A_850 = arith.constant 0 : i32
        %max3A_851 = vector.broadcast %max3A_850 : i32 to vector<16xi32>
        %max3A_852 = arith.maxsi %convert_element_type3A_849, %max3A_851 : vector<16xi32>
        %min3A_853 = arith.constant 99999 : i32
        %min3A_854 = vector.broadcast %min3A_853 : i32 to vector<16xi32>
        %min3A_855 = arith.minsi %max3A_852, %min3A_854 : vector<16xi32>
        %swap3A_856 = arith.constant 0 : i32
        %swap3A_857 = arith.index_cast %select_n3A_744 : i32 to index
        %swap3A_858 = arith.index_cast %swap3A_856 : i32 to index
        %swap3A_859 = arith.constant 0 : index
        %swap3A_860 = tpu.vector_load %arg10[%swap3A_857, %swap3A_858, %swap3A_859] {strides = array<i32>} : memref<2x3x64xi32, #tpu.memory_space<vmem>>, vector<1x1x16xi32>,
        %swap3A_861 = vector.shape_cast %swap3A_860 : vector<1x1x16xi32> to vector<16xi32>
        %swap3A_862 = vector.shape_cast %min3A_855 : vector<16xi32> to vector<1x1x16xi32>
        tpu.vector_store %arg10[%swap3A_857, %swap3A_858, %swap3A_859], %swap3A_862 {strides = array<i32>} : memref<2x3x64xi32, #tpu.memory_space<vmem>>, vector<1x1x16xi32>,
        %max3A_863 = arith.constant 0.000000e+00 : f32
        %max3A_864 = vector.broadcast %max3A_863 : f32 to vector<16xf32>
        %max3A_865 = arith.maximumf %get3A_773, %max3A_864 : vector<16xf32>
        %min3A_866 = arith.constant 1.000000e+00 : f32
        %min3A_867 = vector.broadcast %min3A_866 : f32 to vector<16xf32>
        %min3A_868 = arith.minimumf %max3A_865, %min3A_867 : vector<16xf32>
        %mul3A_869 = arith.constant 5.110000e+02 : f32
        %mul3A_870 = vector.broadcast %mul3A_869 : f32 to vector<16xf32>
        %mul3A_871 = arith.mulf %min3A_868, %mul3A_870 : vector<16xf32>
        %add3A_872 = arith.constant 0x4B000000 : f32
        %add3A_873 = vector.broadcast %add3A_872 : f32 to vector<16xf32>
        %add3A_874 = arith.addf %mul3A_871, %add3A_873 : vector<16xf32>
        %sub3A_875 = arith.constant 0x4B000000 : f32
        %sub3A_876 = vector.broadcast %sub3A_875 : f32 to vector<16xf32>
        %sub3A_877 = arith.subf %add3A_874, %sub3A_876 : vector<16xf32>
        %convert_element_type3A_878 = arith.fptosi %sub3A_877 : vector<16xf32> to vector<16xi32>
        %max3A_879 = arith.constant 0 : i32
        %max3A_880 = vector.broadcast %max3A_879 : i32 to vector<16xi32>
        %max3A_881 = arith.maxsi %convert_element_type3A_878, %max3A_880 : vector<16xi32>
        %min3A_882 = arith.constant 511 : i32
        %min3A_883 = vector.broadcast %min3A_882 : i32 to vector<16xi32>
        %min3A_884 = arith.minsi %max3A_881, %min3A_883 : vector<16xi32>
        %swap3A_885 = arith.constant 1 : i32
        %swap3A_886 = arith.index_cast %select_n3A_744 : i32 to index
        %swap3A_887 = arith.index_cast %swap3A_885 : i32 to index
        %swap3A_888 = arith.constant 0 : index
        %swap3A_889 = tpu.vector_load %arg10[%swap3A_886, %swap3A_887, %swap3A_888] {strides = array<i32>} : memref<2x3x64xi32, #tpu.memory_space<vmem>>, vector<1x1x16xi32>,
        %swap3A_890 = vector.shape_cast %swap3A_889 : vector<1x1x16xi32> to vector<16xi32>
        %swap3A_891 = vector.shape_cast %min3A_884 : vector<16xi32> to vector<1x1x16xi32>
        tpu.vector_store %arg10[%swap3A_886, %swap3A_887, %swap3A_888], %swap3A_891 {strides = array<i32>} : memref<2x3x64xi32, #tpu.memory_space<vmem>>, vector<1x1x16xi32>,
        %max3A_892 = arith.constant 0.000000e+00 : f32
        %max3A_893 = vector.broadcast %max3A_892 : f32 to vector<16xf32>
        %max3A_894 = arith.maximumf %get3A_779, %max3A_893 : vector<16xf32>
        %min3A_895 = arith.constant 1.000000e+00 : f32
        %min3A_896 = vector.broadcast %min3A_895 : f32 to vector<16xf32>
        %min3A_897 = arith.minimumf %max3A_894, %min3A_896 : vector<16xf32>
        %mul3A_898 = arith.constant 9.999900e+04 : f32
        %mul3A_899 = vector.broadcast %mul3A_898 : f32 to vector<16xf32>
        %mul3A_900 = arith.mulf %min3A_897, %mul3A_899 : vector<16xf32>
        %add3A_901 = arith.constant 0x4B000000 : f32
        %add3A_902 = vector.broadcast %add3A_901 : f32 to vector<16xf32>
        %add3A_903 = arith.addf %mul3A_900, %add3A_902 : vector<16xf32>
        %sub3A_904 = arith.constant 0x4B000000 : f32
        %sub3A_905 = vector.broadcast %sub3A_904 : f32 to vector<16xf32>
        %sub3A_906 = arith.subf %add3A_903, %sub3A_905 : vector<16xf32>
        %convert_element_type3A_907 = arith.fptosi %sub3A_906 : vector<16xf32> to vector<16xi32>
        %max3A_908 = arith.constant 0 : i32
        %max3A_909 = vector.broadcast %max3A_908 : i32 to vector<16xi32>
        %max3A_910 = arith.maxsi %convert_element_type3A_907, %max3A_909 : vector<16xi32>
        %min3A_911 = arith.constant 99999 : i32
        %min3A_912 = vector.broadcast %min3A_911 : i32 to vector<16xi32>
        %min3A_913 = arith.minsi %max3A_910, %min3A_912 : vector<16xi32>
        %swap3A_914 = arith.constant 2 : i32
        %swap3A_915 = arith.index_cast %select_n3A_744 : i32 to index
        %swap3A_916 = arith.index_cast %swap3A_914 : i32 to index
        %swap3A_917 = arith.constant 0 : index
        %swap3A_918 = tpu.vector_load %arg10[%swap3A_915, %swap3A_916, %swap3A_917] {strides = array<i32>} : memref<2x3x64xi32, #tpu.memory_space<vmem>>, vector<1x1x16xi32>,
        %swap3A_919 = vector.shape_cast %swap3A_918 : vector<1x1x16xi32> to vector<16xi32>
        %swap3A_920 = vector.shape_cast %min3A_913 : vector<16xi32> to vector<1x1x16xi32>
        tpu.vector_store %arg10[%swap3A_915, %swap3A_916, %swap3A_917], %swap3A_920 {strides = array<i32>} : memref<2x3x64xi32, #tpu.memory_space<vmem>>, vector<1x1x16xi32>,
        %max3A_921 = arith.constant 0.000000e+00 : f32
        %max3A_922 = vector.broadcast %max3A_921 : f32 to vector<16xf32>
        %max3A_923 = arith.maximumf %get3A_785, %max3A_922 : vector<16xf32>
        %min3A_924 = arith.constant 1.000000e+00 : f32
        %min3A_925 = vector.broadcast %min3A_924 : f32 to vector<16xf32>
        %min3A_926 = arith.minimumf %max3A_923, %min3A_925 : vector<16xf32>
        %mul3A_927 = arith.constant 9.999900e+04 : f32
        %mul3A_928 = vector.broadcast %mul3A_927 : f32 to vector<16xf32>
        %mul3A_929 = arith.mulf %min3A_926, %mul3A_928 : vector<16xf32>
        %add3A_930 = arith.constant 0x4B000000 : f32
        %add3A_931 = vector.broadcast %add3A_930 : f32 to vector<16xf32>
        %add3A_932 = arith.addf %mul3A_929, %add3A_931 : vector<16xf32>
        %sub3A_933 = arith.constant 0x4B000000 : f32
        %sub3A_934 = vector.broadcast %sub3A_933 : f32 to vector<16xf32>
        %sub3A_935 = arith.subf %add3A_932, %sub3A_934 : vector<16xf32>
        %convert_element_type3A_936 = arith.fptosi %sub3A_935 : vector<16xf32> to vector<16xi32>
        %max3A_937 = arith.constant 0 : i32
        %max3A_938 = vector.broadcast %max3A_937 : i32 to vector<16xi32>
        %max3A_939 = arith.maxsi %convert_element_type3A_936, %max3A_938 : vector<16xi32>
        %min3A_940 = arith.constant 99999 : i32
        %min3A_941 = vector.broadcast %min3A_940 : i32 to vector<16xi32>
        %min3A_942 = arith.minsi %max3A_939, %min3A_941 : vector<16xi32>
        %swap3A_943 = arith.constant 0 : i32
        %swap3A_944 = arith.index_cast %select_n3A_744 : i32 to index
        %swap3A_945 = arith.index_cast %swap3A_943 : i32 to index
        %swap3A_946 = arith.constant 16 : index
        %swap3A_947 = tpu.vector_load %arg10[%swap3A_944, %swap3A_945, %swap3A_946] {strides = array<i32>} : memref<2x3x64xi32, #tpu.memory_space<vmem>>, vector<1x1x16xi32>,
        %swap3A_948 = vector.shape_cast %swap3A_947 : vector<1x1x16xi32> to vector<16xi32>
        %swap3A_949 = vector.shape_cast %min3A_942 : vector<16xi32> to vector<1x1x16xi32>
        tpu.vector_store %arg10[%swap3A_944, %swap3A_945, %swap3A_946], %swap3A_949 {strides = array<i32>} : memref<2x3x64xi32, #tpu.memory_space<vmem>>, vector<1x1x16xi32>,
        %max3A_950 = arith.constant 0.000000e+00 : f32
        %max3A_951 = vector.broadcast %max3A_950 : f32 to vector<16xf32>
        %max3A_952 = arith.maximumf %get3A_791, %max3A_951 : vector<16xf32>
        %min3A_953 = arith.constant 1.000000e+00 : f32
        %min3A_954 = vector.broadcast %min3A_953 : f32 to vector<16xf32>
        %min3A_955 = arith.minimumf %max3A_952, %min3A_954 : vector<16xf32>
        %mul3A_956 = arith.constant 5.110000e+02 : f32
        %mul3A_957 = vector.broadcast %mul3A_956 : f32 to vector<16xf32>
        %mul3A_958 = arith.mulf %min3A_955, %mul3A_957 : vector<16xf32>
        %add3A_959 = arith.constant 0x4B000000 : f32
        %add3A_960 = vector.broadcast %add3A_959 : f32 to vector<16xf32>
        %add3A_961 = arith.addf %mul3A_958, %add3A_960 : vector<16xf32>
        %sub3A_962 = arith.constant 0x4B000000 : f32
        %sub3A_963 = vector.broadcast %sub3A_962 : f32 to vector<16xf32>
        %sub3A_964 = arith.subf %add3A_961, %sub3A_963 : vector<16xf32>
        %convert_element_type3A_965 = arith.fptosi %sub3A_964 : vector<16xf32> to vector<16xi32>
        %max3A_966 = arith.constant 0 : i32
        %max3A_967 = vector.broadcast %max3A_966 : i32 to vector<16xi32>
        %max3A_968 = arith.maxsi %convert_element_type3A_965, %max3A_967 : vector<16xi32>
        %min3A_969 = arith.constant 511 : i32
        %min3A_970 = vector.broadcast %min3A_969 : i32 to vector<16xi32>
        %min3A_971 = arith.minsi %max3A_968, %min3A_970 : vector<16xi32>
        %swap3A_972 = arith.constant 1 : i32
        %swap3A_973 = arith.index_cast %select_n3A_744 : i32 to index
        %swap3A_974 = arith.index_cast %swap3A_972 : i32 to index
        %swap3A_975 = arith.constant 16 : index
        %swap3A_976 = tpu.vector_load %arg10[%swap3A_973, %swap3A_974, %swap3A_975] {strides = array<i32>} : memref<2x3x64xi32, #tpu.memory_space<vmem>>, vector<1x1x16xi32>,
        %swap3A_977 = vector.shape_cast %swap3A_976 : vector<1x1x16xi32> to vector<16xi32>
        %swap3A_978 = vector.shape_cast %min3A_971 : vector<16xi32> to vector<1x1x16xi32>
        tpu.vector_store %arg10[%swap3A_973, %swap3A_974, %swap3A_975], %swap3A_978 {strides = array<i32>} : memref<2x3x64xi32, #tpu.memory_space<vmem>>, vector<1x1x16xi32>,
        %max3A_979 = arith.constant 0.000000e+00 : f32
        %max3A_980 = vector.broadcast %max3A_979 : f32 to vector<16xf32>
        %max3A_981 = arith.maximumf %get3A_797, %max3A_980 : vector<16xf32>
        %min3A_982 = arith.constant 1.000000e+00 : f32
        %min3A_983 = vector.broadcast %min3A_982 : f32 to vector<16xf32>
        %min3A_984 = arith.minimumf %max3A_981, %min3A_983 : vector<16xf32>
        %mul3A_985 = arith.constant 9.999900e+04 : f32
        %mul3A_986 = vector.broadcast %mul3A_985 : f32 to vector<16xf32>
        %mul3A_987 = arith.mulf %min3A_984, %mul3A_986 : vector<16xf32>
        %add3A_988 = arith.constant 0x4B000000 : f32
        %add3A_989 = vector.broadcast %add3A_988 : f32 to vector<16xf32>
        %add3A_990 = arith.addf %mul3A_987, %add3A_989 : vector<16xf32>
        %sub3A_991 = arith.constant 0x4B000000 : f32
        %sub3A_992 = vector.broadcast %sub3A_991 : f32 to vector<16xf32>
        %sub3A_993 = arith.subf %add3A_990, %sub3A_992 : vector<16xf32>
        %convert_element_type3A_994 = arith.fptosi %sub3A_993 : vector<16xf32> to vector<16xi32>
        %max3A_995 = arith.constant 0 : i32
        %max3A_996 = vector.broadcast %max3A_995 : i32 to vector<16xi32>
        %max3A_997 = arith.maxsi %convert_element_type3A_994, %max3A_996 : vector<16xi32>
        %min3A_998 = arith.constant 99999 : i32
        %min3A_999 = vector.broadcast %min3A_998 : i32 to vector<16xi32>
        %min3A_1000 = arith.minsi %max3A_997, %min3A_999 : vector<16xi32>
        %swap3A_1001 = arith.constant 2 : i32
        %swap3A_1002 = arith.index_cast %select_n3A_744 : i32 to index
        %swap3A_1003 = arith.index_cast %swap3A_1001 : i32 to index
        %swap3A_1004 = arith.constant 16 : index
        %swap3A_1005 = tpu.vector_load %arg10[%swap3A_1002, %swap3A_1003, %swap3A_1004] {strides = array<i32>} : memref<2x3x64xi32, #tpu.memory_space<vmem>>, vector<1x1x16xi32>,
        %swap3A_1006 = vector.shape_cast %swap3A_1005 : vector<1x1x16xi32> to vector<16xi32>
        %swap3A_1007 = vector.shape_cast %min3A_1000 : vector<16xi32> to vector<1x1x16xi32>
        tpu.vector_store %arg10[%swap3A_1002, %swap3A_1003, %swap3A_1004], %swap3A_1007 {strides = array<i32>} : memref<2x3x64xi32, #tpu.memory_space<vmem>>, vector<1x1x16xi32>,
        %max3A_1008 = arith.constant 0.000000e+00 : f32
        %max3A_1009 = vector.broadcast %max3A_1008 : f32 to vector<16xf32>
        %max3A_1010 = arith.maximumf %get3A_803, %max3A_1009 : vector<16xf32>
        %min3A_1011 = arith.constant 1.000000e+00 : f32
        %min3A_1012 = vector.broadcast %min3A_1011 : f32 to vector<16xf32>
        %min3A_1013 = arith.minimumf %max3A_1010, %min3A_1012 : vector<16xf32>
        %mul3A_1014 = arith.constant 9.999900e+04 : f32
        %mul3A_1015 = vector.broadcast %mul3A_1014 : f32 to vector<16xf32>
        %mul3A_1016 = arith.mulf %min3A_1013, %mul3A_1015 : vector<16xf32>
        %add3A_1017 = arith.constant 0x4B000000 : f32
        %add3A_1018 = vector.broadcast %add3A_1017 : f32 to vector<16xf32>
        %add3A_1019 = arith.addf %mul3A_1016, %add3A_1018 : vector<16xf32>
        %sub3A_1020 = arith.constant 0x4B000000 : f32
        %sub3A_1021 = vector.broadcast %sub3A_1020 : f32 to vector<16xf32>
        %sub3A_1022 = arith.subf %add3A_1019, %sub3A_1021 : vector<16xf32>
        %convert_element_type3A_1023 = arith.fptosi %sub3A_1022 : vector<16xf32> to vector<16xi32>
        %max3A_1024 = arith.constant 0 : i32
        %max3A_1025 = vector.broadcast %max3A_1024 : i32 to vector<16xi32>
        %max3A_1026 = arith.maxsi %convert_element_type3A_1023, %max3A_1025 : vector<16xi32>
        %min3A_1027 = arith.constant 99999 : i32
        %min3A_1028 = vector.broadcast %min3A_1027 : i32 to vector<16xi32>
        %min3A_1029 = arith.minsi %max3A_1026, %min3A_1028 : vector<16xi32>
        %swap3A_1030 = arith.constant 0 : i32
        %swap3A_1031 = arith.index_cast %select_n3A_744 : i32 to index
        %swap3A_1032 = arith.index_cast %swap3A_1030 : i32 to index
        %swap3A_1033 = arith.constant 32 : index
        %swap3A_1034 = tpu.vector_load %arg10[%swap3A_1031, %swap3A_1032, %swap3A_1033] {strides = array<i32>} : memref<2x3x64xi32, #tpu.memory_space<vmem>>, vector<1x1x16xi32>,
        %swap3A_1035 = vector.shape_cast %swap3A_1034 : vector<1x1x16xi32> to vector<16xi32>
        %swap3A_1036 = vector.shape_cast %min3A_1029 : vector<16xi32> to vector<1x1x16xi32>
        tpu.vector_store %arg10[%swap3A_1031, %swap3A_1032, %swap3A_1033], %swap3A_1036 {strides = array<i32>} : memref<2x3x64xi32, #tpu.memory_space<vmem>>, vector<1x1x16xi32>,
        %max3A_1037 = arith.constant 0.000000e+00 : f32
        %max3A_1038 = vector.broadcast %max3A_1037 : f32 to vector<16xf32>
        %max3A_1039 = arith.maximumf %get3A_809, %max3A_1038 : vector<16xf32>
        %min3A_1040 = arith.constant 1.000000e+00 : f32
        %min3A_1041 = vector.broadcast %min3A_1040 : f32 to vector<16xf32>
        %min3A_1042 = arith.minimumf %max3A_1039, %min3A_1041 : vector<16xf32>
        %mul3A_1043 = arith.constant 5.110000e+02 : f32
        %mul3A_1044 = vector.broadcast %mul3A_1043 : f32 to vector<16xf32>
        %mul3A_1045 = arith.mulf %min3A_1042, %mul3A_1044 : vector<16xf32>
        %add3A_1046 = arith.constant 0x4B000000 : f32
        %add3A_1047 = vector.broadcast %add3A_1046 : f32 to vector<16xf32>
        %add3A_1048 = arith.addf %mul3A_1045, %add3A_1047 : vector<16xf32>
        %sub3A_1049 = arith.constant 0x4B000000 : f32
        %sub3A_1050 = vector.broadcast %sub3A_1049 : f32 to vector<16xf32>
        %sub3A_1051 = arith.subf %add3A_1048, %sub3A_1050 : vector<16xf32>
        %convert_element_type3A_1052 = arith.fptosi %sub3A_1051 : vector<16xf32> to vector<16xi32>
        %max3A_1053 = arith.constant 0 : i32
        %max3A_1054 = vector.broadcast %max3A_1053 : i32 to vector<16xi32>
        %max3A_1055 = arith.maxsi %convert_element_type3A_1052, %max3A_1054 : vector<16xi32>
        %min3A_1056 = arith.constant 511 : i32
        %min3A_1057 = vector.broadcast %min3A_1056 : i32 to vector<16xi32>
        %min3A_1058 = arith.minsi %max3A_1055, %min3A_1057 : vector<16xi32>
        %swap3A_1059 = arith.constant 1 : i32
        %swap3A_1060 = arith.index_cast %select_n3A_744 : i32 to index
        %swap3A_1061 = arith.index_cast %swap3A_1059 : i32 to index
        %swap3A_1062 = arith.constant 32 : index
        %swap3A_1063 = tpu.vector_load %arg10[%swap3A_1060, %swap3A_1061, %swap3A_1062] {strides = array<i32>} : memref<2x3x64xi32, #tpu.memory_space<vmem>>, vector<1x1x16xi32>,
        %swap3A_1064 = vector.shape_cast %swap3A_1063 : vector<1x1x16xi32> to vector<16xi32>
        %swap3A_1065 = vector.shape_cast %min3A_1058 : vector<16xi32> to vector<1x1x16xi32>
        tpu.vector_store %arg10[%swap3A_1060, %swap3A_1061, %swap3A_1062], %swap3A_1065 {strides = array<i32>} : memref<2x3x64xi32, #tpu.memory_space<vmem>>, vector<1x1x16xi32>,
        %max3A_1066 = arith.constant 0.000000e+00 : f32
        %max3A_1067 = vector.broadcast %max3A_1066 : f32 to vector<16xf32>
        %max3A_1068 = arith.maximumf %get3A_815, %max3A_1067 : vector<16xf32>
        %min3A_1069 = arith.constant 1.000000e+00 : f32
        %min3A_1070 = vector.broadcast %min3A_1069 : f32 to vector<16xf32>
        %min3A_1071 = arith.minimumf %max3A_1068, %min3A_1070 : vector<16xf32>
        %mul3A_1072 = arith.constant 9.999900e+04 : f32
        %mul3A_1073 = vector.broadcast %mul3A_1072 : f32 to vector<16xf32>
        %mul3A_1074 = arith.mulf %min3A_1071, %mul3A_1073 : vector<16xf32>
        %add3A_1075 = arith.constant 0x4B000000 : f32
        %add3A_1076 = vector.broadcast %add3A_1075 : f32 to vector<16xf32>
        %add3A_1077 = arith.addf %mul3A_1074, %add3A_1076 : vector<16xf32>
        %sub3A_1078 = arith.constant 0x4B000000 : f32
        %sub3A_1079 = vector.broadcast %sub3A_1078 : f32 to vector<16xf32>
        %sub3A_1080 = arith.subf %add3A_1077, %sub3A_1079 : vector<16xf32>
        %convert_element_type3A_1081 = arith.fptosi %sub3A_1080 : vector<16xf32> to vector<16xi32>
        %max3A_1082 = arith.constant 0 : i32
        %max3A_1083 = vector.broadcast %max3A_1082 : i32 to vector<16xi32>
        %max3A_1084 = arith.maxsi %convert_element_type3A_1081, %max3A_1083 : vector<16xi32>
        %min3A_1085 = arith.constant 99999 : i32
        %min3A_1086 = vector.broadcast %min3A_1085 : i32 to vector<16xi32>
        %min3A_1087 = arith.minsi %max3A_1084, %min3A_1086 : vector<16xi32>
        %swap3A_1088 = arith.constant 2 : i32
        %swap3A_1089 = arith.index_cast %select_n3A_744 : i32 to index
        %swap3A_1090 = arith.index_cast %swap3A_1088 : i32 to index
        %swap3A_1091 = arith.constant 32 : index
        %swap3A_1092 = tpu.vector_load %arg10[%swap3A_1089, %swap3A_1090, %swap3A_1091] {strides = array<i32>} : memref<2x3x64xi32, #tpu.memory_space<vmem>>, vector<1x1x16xi32>,
        %swap3A_1093 = vector.shape_cast %swap3A_1092 : vector<1x1x16xi32> to vector<16xi32>
        %swap3A_1094 = vector.shape_cast %min3A_1087 : vector<16xi32> to vector<1x1x16xi32>
        tpu.vector_store %arg10[%swap3A_1089, %swap3A_1090, %swap3A_1091], %swap3A_1094 {strides = array<i32>} : memref<2x3x64xi32, #tpu.memory_space<vmem>>, vector<1x1x16xi32>,
        %max3A_1095 = arith.constant 0.000000e+00 : f32
        %max3A_1096 = vector.broadcast %max3A_1095 : f32 to vector<16xf32>
        %max3A_1097 = arith.maximumf %get3A_821, %max3A_1096 : vector<16xf32>
        %min3A_1098 = arith.constant 1.000000e+00 : f32
        %min3A_1099 = vector.broadcast %min3A_1098 : f32 to vector<16xf32>
        %min3A_1100 = arith.minimumf %max3A_1097, %min3A_1099 : vector<16xf32>
        %mul3A_1101 = arith.constant 9.999900e+04 : f32
        %mul3A_1102 = vector.broadcast %mul3A_1101 : f32 to vector<16xf32>
        %mul3A_1103 = arith.mulf %min3A_1100, %mul3A_1102 : vector<16xf32>
        %add3A_1104 = arith.constant 0x4B000000 : f32
        %add3A_1105 = vector.broadcast %add3A_1104 : f32 to vector<16xf32>
        %add3A_1106 = arith.addf %mul3A_1103, %add3A_1105 : vector<16xf32>
        %sub3A_1107 = arith.constant 0x4B000000 : f32
        %sub3A_1108 = vector.broadcast %sub3A_1107 : f32 to vector<16xf32>
        %sub3A_1109 = arith.subf %add3A_1106, %sub3A_1108 : vector<16xf32>
        %convert_element_type3A_1110 = arith.fptosi %sub3A_1109 : vector<16xf32> to vector<16xi32>
        %max3A_1111 = arith.constant 0 : i32
        %max3A_1112 = vector.broadcast %max3A_1111 : i32 to vector<16xi32>
        %max3A_1113 = arith.maxsi %convert_element_type3A_1110, %max3A_1112 : vector<16xi32>
        %min3A_1114 = arith.constant 99999 : i32
        %min3A_1115 = vector.broadcast %min3A_1114 : i32 to vector<16xi32>
        %min3A_1116 = arith.minsi %max3A_1113, %min3A_1115 : vector<16xi32>
        %swap3A_1117 = arith.constant 0 : i32
        %swap3A_1118 = arith.index_cast %select_n3A_744 : i32 to index
        %swap3A_1119 = arith.index_cast %swap3A_1117 : i32 to index
        %swap3A_1120 = arith.constant 48 : index
        %swap3A_1121 = tpu.vector_load %arg10[%swap3A_1118, %swap3A_1119, %swap3A_1120] {strides = array<i32>} : memref<2x3x64xi32, #tpu.memory_space<vmem>>, vector<1x1x16xi32>,
        %swap3A_1122 = vector.shape_cast %swap3A_1121 : vector<1x1x16xi32> to vector<16xi32>
        %swap3A_1123 = vector.shape_cast %min3A_1116 : vector<16xi32> to vector<1x1x16xi32>
        tpu.vector_store %arg10[%swap3A_1118, %swap3A_1119, %swap3A_1120], %swap3A_1123 {strides = array<i32>} : memref<2x3x64xi32, #tpu.memory_space<vmem>>, vector<1x1x16xi32>,
        %max3A_1124 = arith.constant 0.000000e+00 : f32
        %max3A_1125 = vector.broadcast %max3A_1124 : f32 to vector<16xf32>
        %max3A_1126 = arith.maximumf %get3A_827, %max3A_1125 : vector<16xf32>
        %min3A_1127 = arith.constant 1.000000e+00 : f32
        %min3A_1128 = vector.broadcast %min3A_1127 : f32 to vector<16xf32>
        %min3A_1129 = arith.minimumf %max3A_1126, %min3A_1128 : vector<16xf32>
        %mul3A_1130 = arith.constant 5.110000e+02 : f32
        %mul3A_1131 = vector.broadcast %mul3A_1130 : f32 to vector<16xf32>
        %mul3A_1132 = arith.mulf %min3A_1129, %mul3A_1131 : vector<16xf32>
        %add3A_1133 = arith.constant 0x4B000000 : f32
        %add3A_1134 = vector.broadcast %add3A_1133 : f32 to vector<16xf32>
        %add3A_1135 = arith.addf %mul3A_1132, %add3A_1134 : vector<16xf32>
        %sub3A_1136 = arith.constant 0x4B000000 : f32
        %sub3A_1137 = vector.broadcast %sub3A_1136 : f32 to vector<16xf32>
        %sub3A_1138 = arith.subf %add3A_1135, %sub3A_1137 : vector<16xf32>
        %convert_element_type3A_1139 = arith.fptosi %sub3A_1138 : vector<16xf32> to vector<16xi32>
        %max3A_1140 = arith.constant 0 : i32
        %max3A_1141 = vector.broadcast %max3A_1140 : i32 to vector<16xi32>
        %max3A_1142 = arith.maxsi %convert_element_type3A_1139, %max3A_1141 : vector<16xi32>
        %min3A_1143 = arith.constant 511 : i32
        %min3A_1144 = vector.broadcast %min3A_1143 : i32 to vector<16xi32>
        %min3A_1145 = arith.minsi %max3A_1142, %min3A_1144 : vector<16xi32>
        %swap3A_1146 = arith.constant 1 : i32
        %swap3A_1147 = arith.index_cast %select_n3A_744 : i32 to index
        %swap3A_1148 = arith.index_cast %swap3A_1146 : i32 to index
        %swap3A_1149 = arith.constant 48 : index
        %swap3A_1150 = tpu.vector_load %arg10[%swap3A_1147, %swap3A_1148, %swap3A_1149] {strides = array<i32>} : memref<2x3x64xi32, #tpu.memory_space<vmem>>, vector<1x1x16xi32>,
        %swap3A_1151 = vector.shape_cast %swap3A_1150 : vector<1x1x16xi32> to vector<16xi32>
        %swap3A_1152 = vector.shape_cast %min3A_1145 : vector<16xi32> to vector<1x1x16xi32>
        tpu.vector_store %arg10[%swap3A_1147, %swap3A_1148, %swap3A_1149], %swap3A_1152 {strides = array<i32>} : memref<2x3x64xi32, #tpu.memory_space<vmem>>, vector<1x1x16xi32>,
        %max3A_1153 = arith.constant 0.000000e+00 : f32
        %max3A_1154 = vector.broadcast %max3A_1153 : f32 to vector<16xf32>
        %max3A_1155 = arith.maximumf %get3A_833, %max3A_1154 : vector<16xf32>
        %min3A_1156 = arith.constant 1.000000e+00 : f32
        %min3A_1157 = vector.broadcast %min3A_1156 : f32 to vector<16xf32>
        %min3A_1158 = arith.minimumf %max3A_1155, %min3A_1157 : vector<16xf32>
        %mul3A_1159 = arith.constant 9.999900e+04 : f32
        %mul3A_1160 = vector.broadcast %mul3A_1159 : f32 to vector<16xf32>
        %mul3A_1161 = arith.mulf %min3A_1158, %mul3A_1160 : vector<16xf32>
        %add3A_1162 = arith.constant 0x4B000000 : f32
        %add3A_1163 = vector.broadcast %add3A_1162 : f32 to vector<16xf32>
        %add3A_1164 = arith.addf %mul3A_1161, %add3A_1163 : vector<16xf32>
        %sub3A_1165 = arith.constant 0x4B000000 : f32
        %sub3A_1166 = vector.broadcast %sub3A_1165 : f32 to vector<16xf32>
        %sub3A_1167 = arith.subf %add3A_1164, %sub3A_1166 : vector<16xf32>
        %convert_element_type3A_1168 = arith.fptosi %sub3A_1167 : vector<16xf32> to vector<16xi32>
        %max3A_1169 = arith.constant 0 : i32
        %max3A_1170 = vector.broadcast %max3A_1169 : i32 to vector<16xi32>
        %max3A_1171 = arith.maxsi %convert_element_type3A_1168, %max3A_1170 : vector<16xi32>
        %min3A_1172 = arith.constant 99999 : i32
        %min3A_1173 = vector.broadcast %min3A_1172 : i32 to vector<16xi32>
        %min3A_1174 = arith.minsi %max3A_1171, %min3A_1173 : vector<16xi32>
        %swap3A_1175 = arith.constant 2 : i32
        %swap3A_1176 = arith.index_cast %select_n3A_744 : i32 to index
        %swap3A_1177 = arith.index_cast %swap3A_1175 : i32 to index
        %swap3A_1178 = arith.constant 48 : index
        %swap3A_1179 = tpu.vector_load %arg10[%swap3A_1176, %swap3A_1177, %swap3A_1178] {strides = array<i32>} : memref<2x3x64xi32, #tpu.memory_space<vmem>>, vector<1x1x16xi32>,
        %swap3A_1180 = vector.shape_cast %swap3A_1179 : vector<1x1x16xi32> to vector<16xi32>
        %swap3A_1181 = vector.shape_cast %min3A_1174 : vector<16xi32> to vector<1x1x16xi32>
        tpu.vector_store %arg10[%swap3A_1176, %swap3A_1177, %swap3A_1178], %swap3A_1181 {strides = array<i32>} : memref<2x3x64xi32, #tpu.memory_space<vmem>>, vector<1x1x16xi32>,
        %dma_start3A_1182 = arith.constant 0 : i32
        %dma_start3A_1183 = arith.constant 0 : i32
        %dma_start3A_1184 = arith.constant 0 : i32
        %dma_start3A_1185 = tpu.memref_slice %arg13[%select_n3A_744, %dma_start3A_1183, %dma_start3A_1184] : memref<2x64x64xf32, #tpu.memory_space<vmem>> -> memref<1x64x64xf32, #tpu.memory_space<vmem>>
        %dma_start3A_1186 = tpu.memref_squeeze %dma_start3A_1185 : memref<1x64x64xf32, #tpu.memory_space<vmem>> -> memref<64x64xf32, #tpu.memory_space<vmem>>
        %dma_start3A_1187 = arith.constant 0 : i32
        %dma_start3A_1188 = tpu.memref_slice %arg10[%select_n3A_744, %dma_start3A_1182, %dma_start3A_1187] : memref<2x3x64xi32, #tpu.memory_space<vmem>> -> memref<1x1x64xi32, #tpu.memory_space<vmem>>
        %dma_start3A_1189 = tpu.memref_squeeze %dma_start3A_1188 : memref<1x1x64xi32, #tpu.memory_space<vmem>> -> memref<64xi32, #tpu.memory_space<vmem>>
        %dma_start3A_1190 = arith.constant 0 : i32
        %dma_start3A_1191 = arith.constant 0 : i32
        %dma_start3A_1192 = tpu.memref_slice %arg4[%dma_start3A_1190, %dma_start3A_1191] : memref<100000x64xf32, #tpu.memory_space<hbm>> -> memref<100000x64xf32, #tpu.memory_space<hbm>>
        %dma_start3A_1193 = tpu.memref_slice %arg18[%select_n3A_744] : memref<2x!tpu.dma_semaphore, #tpu.memory_space<semaphore_mem>> -> memref<1x!tpu.dma_semaphore, #tpu.memory_space<semaphore_mem>>
        %dma_start3A_1194 = tpu.memref_squeeze %dma_start3A_1193 : memref<1x!tpu.dma_semaphore, #tpu.memory_space<semaphore_mem>> -> memref<!tpu.dma_semaphore, #tpu.memory_space<semaphore_mem>>
        tpu.enqueue_indirect_dma source(%dma_start3A_1192 : memref<100000x64xf32, #tpu.memory_space<hbm>>) target(%dma_start3A_1186 : memref<64x64xf32, #tpu.memory_space<vmem>>) offsets(%dma_start3A_1189 : memref<64xi32, #tpu.memory_space<vmem>>) semaphore(%dma_start3A_1194 : memref<!tpu.dma_semaphore, #tpu.memory_space<semaphore_mem>>)
        %dma_start3A_1195 = arith.constant 1 : i32
        %dma_start3A_1196 = arith.constant 0 : i32
        %dma_start3A_1197 = arith.constant 0 : i32
        %dma_start3A_1198 = tpu.memref_slice %arg14[%select_n3A_744, %dma_start3A_1196, %dma_start3A_1197] : memref<2x64x64xf32, #tpu.memory_space<vmem>> -> memref<1x64x64xf32, #tpu.memory_space<vmem>>
        %dma_start3A_1199 = tpu.memref_squeeze %dma_start3A_1198 : memref<1x64x64xf32, #tpu.memory_space<vmem>> -> memref<64x64xf32, #tpu.memory_space<vmem>>
        %dma_start3A_1200 = arith.constant 0 : i32
        %dma_start3A_1201 = tpu.memref_slice %arg10[%select_n3A_744, %dma_start3A_1195, %dma_start3A_1200] : memref<2x3x64xi32, #tpu.memory_space<vmem>> -> memref<1x1x64xi32, #tpu.memory_space<vmem>>
        %dma_start3A_1202 = tpu.memref_squeeze %dma_start3A_1201 : memref<1x1x64xi32, #tpu.memory_space<vmem>> -> memref<64xi32, #tpu.memory_space<vmem>>
        %dma_start3A_1203 = arith.constant 0 : i32
        %dma_start3A_1204 = arith.constant 0 : i32
        %dma_start3A_1205 = tpu.memref_slice %arg8[%dma_start3A_1203, %dma_start3A_1204] : memref<512x64xf32, #tpu.memory_space<vmem_shared>> -> memref<512x64xf32, #tpu.memory_space<vmem_shared>>
        %dma_start3A_1206 = tpu.memref_slice %arg19[%select_n3A_744] : memref<2x!tpu.dma_semaphore, #tpu.memory_space<semaphore_mem>> -> memref<1x!tpu.dma_semaphore, #tpu.memory_space<semaphore_mem>>
        %dma_start3A_1207 = tpu.memref_squeeze %dma_start3A_1206 : memref<1x!tpu.dma_semaphore, #tpu.memory_space<semaphore_mem>> -> memref<!tpu.dma_semaphore, #tpu.memory_space<semaphore_mem>>
        tpu.enqueue_indirect_dma source(%dma_start3A_1205 : memref<512x64xf32, #tpu.memory_space<vmem_shared>>) target(%dma_start3A_1199 : memref<64x64xf32, #tpu.memory_space<vmem>>) offsets(%dma_start3A_1202 : memref<64xi32, #tpu.memory_space<vmem>>) semaphore(%dma_start3A_1207 : memref<!tpu.dma_semaphore, #tpu.memory_space<semaphore_mem>>)
        %dma_start3A_1208 = arith.constant 2 : i32
        %dma_start3A_1209 = arith.constant 0 : i32
        %dma_start3A_1210 = arith.constant 0 : i32
        %dma_start3A_1211 = tpu.memref_slice %arg15[%select_n3A_744, %dma_start3A_1209, %dma_start3A_1210] : memref<2x64x64xf32, #tpu.memory_space<vmem>> -> memref<1x64x64xf32, #tpu.memory_space<vmem>>
        %dma_start3A_1212 = tpu.memref_squeeze %dma_start3A_1211 : memref<1x64x64xf32, #tpu.memory_space<vmem>> -> memref<64x64xf32, #tpu.memory_space<vmem>>
        %dma_start3A_1213 = arith.constant 0 : i32
        %dma_start3A_1214 = tpu.memref_slice %arg10[%select_n3A_744, %dma_start3A_1208, %dma_start3A_1213] : memref<2x3x64xi32, #tpu.memory_space<vmem>> -> memref<1x1x64xi32, #tpu.memory_space<vmem>>
        %dma_start3A_1215 = tpu.memref_squeeze %dma_start3A_1214 : memref<1x1x64xi32, #tpu.memory_space<vmem>> -> memref<64xi32, #tpu.memory_space<vmem>>
        %dma_start3A_1216 = arith.constant 0 : i32
        %dma_start3A_1217 = arith.constant 0 : i32
        %dma_start3A_1218 = tpu.memref_slice %arg6[%dma_start3A_1216, %dma_start3A_1217] : memref<100000x64xf32, #tpu.memory_space<hbm>> -> memref<100000x64xf32, #tpu.memory_space<hbm>>
        %dma_start3A_1219 = tpu.memref_slice %arg20[%select_n3A_744] : memref<2x!tpu.dma_semaphore, #tpu.memory_space<semaphore_mem>> -> memref<1x!tpu.dma_semaphore, #tpu.memory_space<semaphore_mem>>
        %dma_start3A_1220 = tpu.memref_squeeze %dma_start3A_1219 : memref<1x!tpu.dma_semaphore, #tpu.memory_space<semaphore_mem>> -> memref<!tpu.dma_semaphore, #tpu.memory_space<semaphore_mem>>
        tpu.enqueue_indirect_dma source(%dma_start3A_1218 : memref<100000x64xf32, #tpu.memory_space<hbm>>) target(%dma_start3A_1212 : memref<64x64xf32, #tpu.memory_space<vmem>>) offsets(%dma_start3A_1215 : memref<64xi32, #tpu.memory_space<vmem>>) semaphore(%dma_start3A_1220 : memref<!tpu.dma_semaphore, #tpu.memory_space<semaphore_mem>>)
      } else {
      }
      %add3A_637 = arith.constant 2 : i32
      %add3A_638 = arith.addi %scan3A_603, %add3A_637 : i32
      %lt3A_639 = arith.constant 100 : i32
      %lt3A_640 = arith.cmpi slt, %add3A_638, %lt3A_639 : i32
      %convert_element_type3A_641 = arith.extui %lt3A_640 : i1 to i32
      %cond3A_642 = arith.constant 0 : i32
      %cond3A_643 = arith.cmpi ne, %convert_element_type3A_641, %cond3A_642 : i32
      scf.if %cond3A_643 {
        %add3A_727 = arith.constant 2 : i32
        %add3A_728 = arith.addi %scan3A_603, %add3A_727 : i32
        %add3A_729 = arith.constant 2 : i32
        %add3A_730 = arith.addi %scan3A_603, %add3A_729 : i32
        %jit3A_731 = arith.constant 3 : i32
        %eq3A_732 = arith.constant 0 : i32
        %eq3A_733 = arith.cmpi eq, %jit3A_731, %eq3A_732 : i32
        %jit3A_734 = arith.constant 1 : i32
        %select_n3A_735 = arith.select %eq3A_733, %jit3A_734, %jit3A_731 : i32
        %rem3A_736 = arith.remsi %add3A_730, %select_n3A_735 : i32
        %ne3A_737 = arith.constant 0 : i32
        %ne3A_738 = arith.cmpi ne, %rem3A_736, %ne3A_737 : i32
        %lt3A_739 = arith.constant 0 : i32
        %lt3A_740 = arith.cmpi slt, %rem3A_736, %lt3A_739 : i32
        %lt3A_741 = arith.constant 0 : i32
        %lt3A_742 = arith.cmpi slt, %select_n3A_735, %lt3A_741 : i32
        %ne3A_743 = arith.xori %lt3A_740, %lt3A_742 : i1
        %and3A_744 = arith.andi %ne3A_743, %ne3A_738 : i1
        %add3A_745 = arith.addi %rem3A_736, %select_n3A_735 : i32
        %select_n3A_746 = arith.select %and3A_744, %add3A_745, %rem3A_736 : i32
        %mul3A_747 = arith.constant 64 : i32
        %mul3A_748 = arith.muli %add3A_728, %mul3A_747 : i32
        %add3A_749 = arith.addi %mul3A_2, %mul3A_748 : i32
        %dma_start3A_750 = arith.constant 0 : i32
        %dma_start3A_751 = arith.constant 0 : i32
        %dma_start3A_752 = tpu.memref_slice %arg11[%select_n3A_746, %dma_start3A_750, %dma_start3A_751] : memref<3x64x128xf32, #tpu.memory_space<vmem>> -> memref<1x64x128xf32, #tpu.memory_space<vmem>>
        %dma_start3A_753 = tpu.memref_squeeze %dma_start3A_752 : memref<1x64x128xf32, #tpu.memory_space<vmem>> -> memref<64x128xf32, #tpu.memory_space<vmem>>
        %dma_start3A_754 = arith.constant 0 : i32
        %dma_start3A_755 = tpu.memref_slice %arg2[%add3A_749, %dma_start3A_754] : memref<204800x128xf32, #tpu.memory_space<hbm>> -> memref<64x128xf32, #tpu.memory_space<hbm>>
        %dma_start3A_756 = tpu.memref_slice %arg16[%select_n3A_746] : memref<3x!tpu.dma_semaphore, #tpu.memory_space<semaphore_mem>> -> memref<1x!tpu.dma_semaphore, #tpu.memory_space<semaphore_mem>>
        %dma_start3A_757 = tpu.memref_squeeze %dma_start3A_756 : memref<1x!tpu.dma_semaphore, #tpu.memory_space<semaphore_mem>> -> memref<!tpu.dma_semaphore, #tpu.memory_space<semaphore_mem>>
        %dma_start3A_758 = arith.constant 0 : i32
        %dma_start3A_759 = arith.constant 0 : i32
        %dma_start3A_760 = tpu.memref_slice %arg11[%select_n3A_746, %dma_start3A_758, %dma_start3A_759] : memref<3x64x128xf32, #tpu.memory_space<vmem>> -> memref<1x64x128xf32, #tpu.memory_space<vmem>>
        %dma_start3A_761 = tpu.memref_squeeze %dma_start3A_760 : memref<1x64x128xf32, #tpu.memory_space<vmem>> -> memref<64x128xf32, #tpu.memory_space<vmem>>
        %dma_start3A_762 = arith.constant 0 : i32
        %dma_start3A_763 = tpu.memref_slice %arg2[%add3A_749, %dma_start3A_762] : memref<204800x128xf32, #tpu.memory_space<hbm>> -> memref<64x128xf32, #tpu.memory_space<hbm>>
        tpu.enqueue_dma source(%dma_start3A_763 : memref<64x128xf32, #tpu.memory_space<hbm>>) target(%dma_start3A_761 : memref<64x128xf32, #tpu.memory_space<vmem>>) target_semaphore(%dma_start3A_757 : memref<!tpu.dma_semaphore, #tpu.memory_space<semaphore_mem>>)
        %add3A_764 = arith.constant 2 : i32
        %add3A_765 = arith.addi %scan3A_603, %add3A_764 : i32
        %add3A_766 = arith.constant 2 : i32
        %add3A_767 = arith.addi %scan3A_603, %add3A_766 : i32
        %jit3A_768 = arith.constant 2 : i32
        %eq3A_769 = arith.constant 0 : i32
        %eq3A_770 = arith.cmpi eq, %jit3A_768, %eq3A_769 : i32
        %jit3A_771 = arith.constant 1 : i32
        %select_n3A_772 = arith.select %eq3A_770, %jit3A_771, %jit3A_768 : i32
        %rem3A_773 = arith.remsi %add3A_767, %select_n3A_772 : i32
        %ne3A_774 = arith.constant 0 : i32
        %ne3A_775 = arith.cmpi ne, %rem3A_773, %ne3A_774 : i32
        %lt3A_776 = arith.constant 0 : i32
        %lt3A_777 = arith.cmpi slt, %rem3A_773, %lt3A_776 : i32
        %lt3A_778 = arith.constant 0 : i32
        %lt3A_779 = arith.cmpi slt, %select_n3A_772, %lt3A_778 : i32
        %ne3A_780 = arith.xori %lt3A_777, %lt3A_779 : i1
        %and3A_781 = arith.andi %ne3A_780, %ne3A_775 : i1
        %add3A_782 = arith.addi %rem3A_773, %select_n3A_772 : i32
        %select_n3A_783 = arith.select %and3A_781, %add3A_782, %rem3A_773 : i32
        %mul3A_784 = arith.constant 64 : i32
        %mul3A_785 = arith.muli %add3A_765, %mul3A_784 : i32
        %add3A_786 = arith.addi %mul3A_2, %mul3A_785 : i32
        %dma_start3A_787 = arith.constant 0 : i32
        %dma_start3A_788 = arith.constant 0 : i32
        %dma_start3A_789 = tpu.memref_slice %arg9[%select_n3A_783, %dma_start3A_787, %dma_start3A_788] : memref<2x3x64xf32, #tpu.memory_space<vmem>> -> memref<1x3x64xf32, #tpu.memory_space<vmem>>
        %dma_start3A_790 = tpu.memref_squeeze %dma_start3A_789 : memref<1x3x64xf32, #tpu.memory_space<vmem>> -> memref<3x64xf32, #tpu.memory_space<vmem>>
        %dma_start3A_791 = arith.constant 0 : i32
        %dma_start3A_792 = tpu.memref_slice %arg3[%dma_start3A_791, %add3A_786] : memref<3x204800xf32, #tpu.memory_space<hbm>> -> memref<3x64xf32, #tpu.memory_space<hbm>>
        %dma_start3A_793 = tpu.memref_slice %arg17[%select_n3A_783] : memref<2x!tpu.dma_semaphore, #tpu.memory_space<semaphore_mem>> -> memref<1x!tpu.dma_semaphore, #tpu.memory_space<semaphore_mem>>
        %dma_start3A_794 = tpu.memref_squeeze %dma_start3A_793 : memref<1x!tpu.dma_semaphore, #tpu.memory_space<semaphore_mem>> -> memref<!tpu.dma_semaphore, #tpu.memory_space<semaphore_mem>>
        %dma_start3A_795 = arith.constant 0 : i32
        %dma_start3A_796 = arith.constant 0 : i32
        %dma_start3A_797 = tpu.memref_slice %arg9[%select_n3A_783, %dma_start3A_795, %dma_start3A_796] : memref<2x3x64xf32, #tpu.memory_space<vmem>> -> memref<1x3x64xf32, #tpu.memory_space<vmem>>
        %dma_start3A_798 = tpu.memref_squeeze %dma_start3A_797 : memref<1x3x64xf32, #tpu.memory_space<vmem>> -> memref<3x64xf32, #tpu.memory_space<vmem>>
        %dma_start3A_799 = arith.constant 0 : i32
        %dma_start3A_800 = tpu.memref_slice %arg3[%dma_start3A_799, %add3A_786] : memref<3x204800xf32, #tpu.memory_space<hbm>> -> memref<3x64xf32, #tpu.memory_space<hbm>>
        tpu.enqueue_dma source(%dma_start3A_800 : memref<3x64xf32, #tpu.memory_space<hbm>>) target(%dma_start3A_798 : memref<3x64xf32, #tpu.memory_space<vmem>>) target_semaphore(%dma_start3A_794 : memref<!tpu.dma_semaphore, #tpu.memory_space<semaphore_mem>>)
      } else {
      }
      %dma_wait3A_644 = arith.constant 0 : i32
      %dma_wait3A_645 = arith.constant 0 : i32
      %dma_wait3A_646 = arith.constant 0 : i32
      %dma_wait3A_647 = tpu.memref_slice %arg13[%select_n3A_613, %dma_wait3A_645, %dma_wait3A_646] : memref<2x64x64xf32, #tpu.memory_space<vmem>> -> memref<1x64x64xf32, #tpu.memory_space<vmem>>
      %dma_wait3A_648 = tpu.memref_squeeze %dma_wait3A_647 : memref<1x64x64xf32, #tpu.memory_space<vmem>> -> memref<64x64xf32, #tpu.memory_space<vmem>>
      %dma_wait3A_649 = arith.constant 0 : i32
      %dma_wait3A_650 = tpu.memref_slice %arg10[%select_n3A_613, %dma_wait3A_644, %dma_wait3A_649] : memref<2x3x64xi32, #tpu.memory_space<vmem>> -> memref<1x1x64xi32, #tpu.memory_space<vmem>>
      %dma_wait3A_651 = tpu.memref_squeeze %dma_wait3A_650 : memref<1x1x64xi32, #tpu.memory_space<vmem>> -> memref<64xi32, #tpu.memory_space<vmem>>
      %dma_wait3A_652 = arith.constant 0 : i32
      %dma_wait3A_653 = arith.constant 0 : i32
      %dma_wait3A_654 = tpu.memref_slice %arg4[%dma_wait3A_652, %dma_wait3A_653] : memref<100000x64xf32, #tpu.memory_space<hbm>> -> memref<100000x64xf32, #tpu.memory_space<hbm>>
      %dma_wait3A_655 = tpu.memref_slice %arg18[%select_n3A_613] : memref<2x!tpu.dma_semaphore, #tpu.memory_space<semaphore_mem>> -> memref<1x!tpu.dma_semaphore, #tpu.memory_space<semaphore_mem>>
      %dma_wait3A_656 = tpu.memref_squeeze %dma_wait3A_655 : memref<1x!tpu.dma_semaphore, #tpu.memory_space<semaphore_mem>> -> memref<!tpu.dma_semaphore, #tpu.memory_space<semaphore_mem>>
      tpu.wait_indirect_dma semaphore(%dma_wait3A_656 : memref<!tpu.dma_semaphore, #tpu.memory_space<semaphore_mem>>) src(%dma_wait3A_654 : memref<100000x64xf32, #tpu.memory_space<hbm>>) dst(%dma_wait3A_648 : memref<64x64xf32, #tpu.memory_space<vmem>>)
      %dma_wait3A_657 = arith.constant 1 : i32
      %dma_wait3A_658 = arith.constant 0 : i32
      %dma_wait3A_659 = arith.constant 0 : i32
      %dma_wait3A_660 = tpu.memref_slice %arg14[%select_n3A_613, %dma_wait3A_658, %dma_wait3A_659] : memref<2x64x64xf32, #tpu.memory_space<vmem>> -> memref<1x64x64xf32, #tpu.memory_space<vmem>>
      %dma_wait3A_661 = tpu.memref_squeeze %dma_wait3A_660 : memref<1x64x64xf32, #tpu.memory_space<vmem>> -> memref<64x64xf32, #tpu.memory_space<vmem>>
      %dma_wait3A_662 = arith.constant 0 : i32
      %dma_wait3A_663 = tpu.memref_slice %arg10[%select_n3A_613, %dma_wait3A_657, %dma_wait3A_662] : memref<2x3x64xi32, #tpu.memory_space<vmem>> -> memref<1x1x64xi32, #tpu.memory_space<vmem>>
      %dma_wait3A_664 = tpu.memref_squeeze %dma_wait3A_663 : memref<1x1x64xi32, #tpu.memory_space<vmem>> -> memref<64xi32, #tpu.memory_space<vmem>>
      %dma_wait3A_665 = arith.constant 0 : i32
      %dma_wait3A_666 = arith.constant 0 : i32
      %dma_wait3A_667 = tpu.memref_slice %arg8[%dma_wait3A_665, %dma_wait3A_666] : memref<512x64xf32, #tpu.memory_space<vmem_shared>> -> memref<512x64xf32, #tpu.memory_space<vmem_shared>>
      %dma_wait3A_668 = tpu.memref_slice %arg19[%select_n3A_613] : memref<2x!tpu.dma_semaphore, #tpu.memory_space<semaphore_mem>> -> memref<1x!tpu.dma_semaphore, #tpu.memory_space<semaphore_mem>>
      %dma_wait3A_669 = tpu.memref_squeeze %dma_wait3A_668 : memref<1x!tpu.dma_semaphore, #tpu.memory_space<semaphore_mem>> -> memref<!tpu.dma_semaphore, #tpu.memory_space<semaphore_mem>>
      tpu.wait_indirect_dma semaphore(%dma_wait3A_669 : memref<!tpu.dma_semaphore, #tpu.memory_space<semaphore_mem>>) src(%dma_wait3A_667 : memref<512x64xf32, #tpu.memory_space<vmem_shared>>) dst(%dma_wait3A_661 : memref<64x64xf32, #tpu.memory_space<vmem>>)
      %dma_wait3A_670 = arith.constant 2 : i32
      %dma_wait3A_671 = arith.constant 0 : i32
      %dma_wait3A_672 = arith.constant 0 : i32
      %dma_wait3A_673 = tpu.memref_slice %arg15[%select_n3A_613, %dma_wait3A_671, %dma_wait3A_672] : memref<2x64x64xf32, #tpu.memory_space<vmem>> -> memref<1x64x64xf32, #tpu.memory_space<vmem>>
      %dma_wait3A_674 = tpu.memref_squeeze %dma_wait3A_673 : memref<1x64x64xf32, #tpu.memory_space<vmem>> -> memref<64x64xf32, #tpu.memory_space<vmem>>
      %dma_wait3A_675 = arith.constant 0 : i32
      %dma_wait3A_676 = tpu.memref_slice %arg10[%select_n3A_613, %dma_wait3A_670, %dma_wait3A_675] : memref<2x3x64xi32, #tpu.memory_space<vmem>> -> memref<1x1x64xi32, #tpu.memory_space<vmem>>
      %dma_wait3A_677 = tpu.memref_squeeze %dma_wait3A_676 : memref<1x1x64xi32, #tpu.memory_space<vmem>> -> memref<64xi32, #tpu.memory_space<vmem>>
      %dma_wait3A_678 = arith.constant 0 : i32
      %dma_wait3A_679 = arith.constant 0 : i32
      %dma_wait3A_680 = tpu.memref_slice %arg6[%dma_wait3A_678, %dma_wait3A_679] : memref<100000x64xf32, #tpu.memory_space<hbm>> -> memref<100000x64xf32, #tpu.memory_space<hbm>>
      %dma_wait3A_681 = tpu.memref_slice %arg20[%select_n3A_613] : memref<2x!tpu.dma_semaphore, #tpu.memory_space<semaphore_mem>> -> memref<1x!tpu.dma_semaphore, #tpu.memory_space<semaphore_mem>>
      %dma_wait3A_682 = tpu.memref_squeeze %dma_wait3A_681 : memref<1x!tpu.dma_semaphore, #tpu.memory_space<semaphore_mem>> -> memref<!tpu.dma_semaphore, #tpu.memory_space<semaphore_mem>>
      tpu.wait_indirect_dma semaphore(%dma_wait3A_682 : memref<!tpu.dma_semaphore, #tpu.memory_space<semaphore_mem>>) src(%dma_wait3A_680 : memref<100000x64xf32, #tpu.memory_space<hbm>>) dst(%dma_wait3A_674 : memref<64x64xf32, #tpu.memory_space<vmem>>)
      %mul3A_683 = arith.constant 64 : i32
      %mul3A_684 = arith.muli %scan3A_603, %mul3A_683 : i32
      %add3A_685 = arith.addi %mul3A_2, %mul3A_684 : i32
      %dma_wait3A_686 = arith.constant 0 : i32
      %dma_wait3A_687 = arith.constant 0 : i32
      %dma_wait3A_688 = tpu.memref_slice %arg11[%select_n3A_629, %dma_wait3A_686, %dma_wait3A_687] : memref<3x64x128xf32, #tpu.memory_space<vmem>> -> memref<1x64x128xf32, #tpu.memory_space<vmem>>
      %dma_wait3A_689 = tpu.memref_squeeze %dma_wait3A_688 : memref<1x64x128xf32, #tpu.memory_space<vmem>> -> memref<64x128xf32, #tpu.memory_space<vmem>>
      %dma_wait3A_690 = arith.constant 0 : i32
      %dma_wait3A_691 = tpu.memref_slice %arg2[%add3A_685, %dma_wait3A_690] : memref<204800x128xf32, #tpu.memory_space<hbm>> -> memref<64x128xf32, #tpu.memory_space<hbm>>
      %dma_wait3A_692 = tpu.memref_slice %arg16[%select_n3A_629] : memref<3x!tpu.dma_semaphore, #tpu.memory_space<semaphore_mem>> -> memref<1x!tpu.dma_semaphore, #tpu.memory_space<semaphore_mem>>
      %dma_wait3A_693 = tpu.memref_squeeze %dma_wait3A_692 : memref<1x!tpu.dma_semaphore, #tpu.memory_space<semaphore_mem>> -> memref<!tpu.dma_semaphore, #tpu.memory_space<semaphore_mem>>
      %dma_wait3A_694 = arith.constant 0 : i32
      %dma_wait3A_695 = arith.constant 0 : i32
      %dma_wait3A_696 = tpu.memref_slice %arg11[%select_n3A_629, %dma_wait3A_694, %dma_wait3A_695] : memref<3x64x128xf32, #tpu.memory_space<vmem>> -> memref<1x64x128xf32, #tpu.memory_space<vmem>>
      %dma_wait3A_697 = tpu.memref_squeeze %dma_wait3A_696 : memref<1x64x128xf32, #tpu.memory_space<vmem>> -> memref<64x128xf32, #tpu.memory_space<vmem>>
      %dma_wait3A_698 = arith.constant 0 : i32
      %dma_wait3A_699 = tpu.memref_slice %arg2[%add3A_685, %dma_wait3A_698] : memref<204800x128xf32, #tpu.memory_space<hbm>> -> memref<64x128xf32, #tpu.memory_space<hbm>>
      tpu.wait_dma2 semaphore(%dma_wait3A_693 : memref<!tpu.dma_semaphore, #tpu.memory_space<semaphore_mem>>) src(%dma_wait3A_699 : memref<64x128xf32, #tpu.memory_space<hbm>>) dst(%dma_wait3A_697 : memref<64x128xf32, #tpu.memory_space<vmem>>)
      %scan3A_700 = arith.constant 0 : i32
      %scan3A_701 = arith.constant 0 : i32
      %scan3A_702 = arith.constant 64 : i32
      %scan3A_703 = arith.addi %scan3A_701, %scan3A_702 : i32
      %scan3A_704 = arith.constant 4 : i32
      scf.for %scan3A_727 = %scan3A_701 to %scan3A_703 step %scan3A_704  : i32 {
        %get3A_728 = arith.index_cast %select_n3A_629 : i32 to index
        %get3A_729 = arith.index_cast %scan3A_727 : i32 to index
        %get3A_730 = arith.constant 0 : index
        %get3A_731 = tpu.vector_load %arg11[%get3A_728, %get3A_729, %get3A_730] {strides = array<i32>} : memref<3x64x128xf32, #tpu.memory_space<vmem>>, vector<1x1x16xf32>,
        %get3A_732 = vector.shape_cast %get3A_731 : vector<1x1x16xf32> to vector<16xf32>
        %get3A_733 = arith.index_cast %select_n3A_629 : i32 to index
        %get3A_734 = arith.index_cast %scan3A_727 : i32 to index
        %get3A_735 = arith.constant 16 : index
        %get3A_736 = tpu.vector_load %arg11[%get3A_733, %get3A_734, %get3A_735] {strides = array<i32>} : memref<3x64x128xf32, #tpu.memory_space<vmem>>, vector<1x1x16xf32>,
        %get3A_737 = vector.shape_cast %get3A_736 : vector<1x1x16xf32> to vector<16xf32>
        %get3A_738 = arith.index_cast %select_n3A_629 : i32 to index
        %get3A_739 = arith.index_cast %scan3A_727 : i32 to index
        %get3A_740 = arith.constant 32 : index
        %get3A_741 = tpu.vector_load %arg11[%get3A_738, %get3A_739, %get3A_740] {strides = array<i32>} : memref<3x64x128xf32, #tpu.memory_space<vmem>>, vector<1x1x16xf32>,
        %get3A_742 = vector.shape_cast %get3A_741 : vector<1x1x16xf32> to vector<16xf32>
        %get3A_743 = arith.index_cast %select_n3A_629 : i32 to index
        %get3A_744 = arith.index_cast %scan3A_727 : i32 to index
        %get3A_745 = arith.constant 48 : index
        %get3A_746 = tpu.vector_load %arg11[%get3A_743, %get3A_744, %get3A_745] {strides = array<i32>} : memref<3x64x128xf32, #tpu.memory_space<vmem>>, vector<1x1x16xf32>,
        %get3A_747 = vector.shape_cast %get3A_746 : vector<1x1x16xf32> to vector<16xf32>
        %get3A_748 = arith.index_cast %select_n3A_629 : i32 to index
        %get3A_749 = arith.index_cast %scan3A_727 : i32 to index
        %get3A_750 = arith.constant 64 : index
        %get3A_751 = tpu.vector_load %arg11[%get3A_748, %get3A_749, %get3A_750] {strides = array<i32>} : memref<3x64x128xf32, #tpu.memory_space<vmem>>, vector<1x1x16xf32>,
        %get3A_752 = vector.shape_cast %get3A_751 : vector<1x1x16xf32> to vector<16xf32>
        %get3A_753 = arith.index_cast %select_n3A_629 : i32 to index
        %get3A_754 = arith.index_cast %scan3A_727 : i32 to index
        %get3A_755 = arith.constant 80 : index
        %get3A_756 = tpu.vector_load %arg11[%get3A_753, %get3A_754, %get3A_755] {strides = array<i32>} : memref<3x64x128xf32, #tpu.memory_space<vmem>>, vector<1x1x16xf32>,
        %get3A_757 = vector.shape_cast %get3A_756 : vector<1x1x16xf32> to vector<16xf32>
        %get3A_758 = arith.index_cast %select_n3A_629 : i32 to index
        %get3A_759 = arith.index_cast %scan3A_727 : i32 to index
        %get3A_760 = arith.constant 96 : index
        %get3A_761 = tpu.vector_load %arg11[%get3A_758, %get3A_759, %get3A_760] {strides = array<i32>} : memref<3x64x128xf32, #tpu.memory_space<vmem>>, vector<1x1x16xf32>,
        %get3A_762 = vector.shape_cast %get3A_761 : vector<1x1x16xf32> to vector<16xf32>
        %get3A_763 = arith.index_cast %select_n3A_629 : i32 to index
        %get3A_764 = arith.index_cast %scan3A_727 : i32 to index
        %get3A_765 = arith.constant 112 : index
        %get3A_766 = tpu.vector_load %arg11[%get3A_763, %get3A_764, %get3A_765] {strides = array<i32>} : memref<3x64x128xf32, #tpu.memory_space<vmem>>, vector<1x1x16xf32>,
        %get3A_767 = vector.shape_cast %get3A_766 : vector<1x1x16xf32> to vector<16xf32>
        %get3A_768 = arith.index_cast %select_n3A_613 : i32 to index
        %get3A_769 = arith.index_cast %scan3A_727 : i32 to index
        %get3A_770 = arith.constant 0 : index
        %get3A_771 = tpu.vector_load %arg13[%get3A_768, %get3A_769, %get3A_770] {strides = array<i32>} : memref<2x64x64xf32, #tpu.memory_space<vmem>>, vector<1x1x16xf32>,
        %get3A_772 = vector.shape_cast %get3A_771 : vector<1x1x16xf32> to vector<16xf32>
        %get3A_773 = arith.index_cast %select_n3A_613 : i32 to index
        %get3A_774 = arith.index_cast %scan3A_727 : i32 to index
        %get3A_775 = arith.constant 16 : index
        %get3A_776 = tpu.vector_load %arg13[%get3A_773, %get3A_774, %get3A_775] {strides = array<i32>} : memref<2x64x64xf32, #tpu.memory_space<vmem>>, vector<1x1x16xf32>,
        %get3A_777 = vector.shape_cast %get3A_776 : vector<1x1x16xf32> to vector<16xf32>
        %get3A_778 = arith.index_cast %select_n3A_613 : i32 to index
        %get3A_779 = arith.index_cast %scan3A_727 : i32 to index
        %get3A_780 = arith.constant 32 : index
        %get3A_781 = tpu.vector_load %arg13[%get3A_778, %get3A_779, %get3A_780] {strides = array<i32>} : memref<2x64x64xf32, #tpu.memory_space<vmem>>, vector<1x1x16xf32>,
        %get3A_782 = vector.shape_cast %get3A_781 : vector<1x1x16xf32> to vector<16xf32>
        %get3A_783 = arith.index_cast %select_n3A_613 : i32 to index
        %get3A_784 = arith.index_cast %scan3A_727 : i32 to index
        %get3A_785 = arith.constant 48 : index
        %get3A_786 = tpu.vector_load %arg13[%get3A_783, %get3A_784, %get3A_785] {strides = array<i32>} : memref<2x64x64xf32, #tpu.memory_space<vmem>>, vector<1x1x16xf32>,
        %get3A_787 = vector.shape_cast %get3A_786 : vector<1x1x16xf32> to vector<16xf32>
        %get3A_788 = arith.index_cast %select_n3A_613 : i32 to index
        %get3A_789 = arith.index_cast %scan3A_727 : i32 to index
        %get3A_790 = arith.constant 0 : index
        %get3A_791 = tpu.vector_load %arg14[%get3A_788, %get3A_789, %get3A_790] {strides = array<i32>} : memref<2x64x64xf32, #tpu.memory_space<vmem>>, vector<1x1x16xf32>,
        %get3A_792 = vector.shape_cast %get3A_791 : vector<1x1x16xf32> to vector<16xf32>
        %get3A_793 = arith.index_cast %select_n3A_613 : i32 to index
        %get3A_794 = arith.index_cast %scan3A_727 : i32 to index
        %get3A_795 = arith.constant 16 : index
        %get3A_796 = tpu.vector_load %arg14[%get3A_793, %get3A_794, %get3A_795] {strides = array<i32>} : memref<2x64x64xf32, #tpu.memory_space<vmem>>, vector<1x1x16xf32>,
        %get3A_797 = vector.shape_cast %get3A_796 : vector<1x1x16xf32> to vector<16xf32>
        %get3A_798 = arith.index_cast %select_n3A_613 : i32 to index
        %get3A_799 = arith.index_cast %scan3A_727 : i32 to index
        %get3A_800 = arith.constant 32 : index
        %get3A_801 = tpu.vector_load %arg14[%get3A_798, %get3A_799, %get3A_800] {strides = array<i32>} : memref<2x64x64xf32, #tpu.memory_space<vmem>>, vector<1x1x16xf32>,
        %get3A_802 = vector.shape_cast %get3A_801 : vector<1x1x16xf32> to vector<16xf32>
        %get3A_803 = arith.index_cast %select_n3A_613 : i32 to index
        %get3A_804 = arith.index_cast %scan3A_727 : i32 to index
        %get3A_805 = arith.constant 48 : index
        %get3A_806 = tpu.vector_load %arg14[%get3A_803, %get3A_804, %get3A_805] {strides = array<i32>} : memref<2x64x64xf32, #tpu.memory_space<vmem>>, vector<1x1x16xf32>,
        %get3A_807 = vector.shape_cast %get3A_806 : vector<1x1x16xf32> to vector<16xf32>
        %get3A_808 = arith.index_cast %select_n3A_613 : i32 to index
        %get3A_809 = arith.index_cast %scan3A_727 : i32 to index
        %get3A_810 = arith.constant 0 : index
        %get3A_811 = tpu.vector_load %arg15[%get3A_808, %get3A_809, %get3A_810] {strides = array<i32>} : memref<2x64x64xf32, #tpu.memory_space<vmem>>, vector<1x1x16xf32>,
        %get3A_812 = vector.shape_cast %get3A_811 : vector<1x1x16xf32> to vector<16xf32>
        %get3A_813 = arith.index_cast %select_n3A_613 : i32 to index
        %get3A_814 = arith.index_cast %scan3A_727 : i32 to index
        %get3A_815 = arith.constant 16 : index
        %get3A_816 = tpu.vector_load %arg15[%get3A_813, %get3A_814, %get3A_815] {strides = array<i32>} : memref<2x64x64xf32, #tpu.memory_space<vmem>>, vector<1x1x16xf32>,
        %get3A_817 = vector.shape_cast %get3A_816 : vector<1x1x16xf32> to vector<16xf32>
        %get3A_818 = arith.index_cast %select_n3A_613 : i32 to index
        %get3A_819 = arith.index_cast %scan3A_727 : i32 to index
        %get3A_820 = arith.constant 32 : index
        %get3A_821 = tpu.vector_load %arg15[%get3A_818, %get3A_819, %get3A_820] {strides = array<i32>} : memref<2x64x64xf32, #tpu.memory_space<vmem>>, vector<1x1x16xf32>,
        %get3A_822 = vector.shape_cast %get3A_821 : vector<1x1x16xf32> to vector<16xf32>
        %get3A_823 = arith.index_cast %select_n3A_613 : i32 to index
        %get3A_824 = arith.index_cast %scan3A_727 : i32 to index
        %get3A_825 = arith.constant 48 : index
        %get3A_826 = tpu.vector_load %arg15[%get3A_823, %get3A_824, %get3A_825] {strides = array<i32>} : memref<2x64x64xf32, #tpu.memory_space<vmem>>, vector<1x1x16xf32>,
        %get3A_827 = vector.shape_cast %get3A_826 : vector<1x1x16xf32> to vector<16xf32>
        %add3A_828 = arith.addf %get3A_772, %get3A_792 : vector<16xf32>
        %add3A_829 = arith.addf %get3A_732, %add3A_828 : vector<16xf32>
        %add3A_830 = arith.addf %get3A_777, %get3A_797 : vector<16xf32>
        %add3A_831 = arith.addf %get3A_737, %add3A_830 : vector<16xf32>
        %add3A_832 = arith.addf %get3A_782, %get3A_802 : vector<16xf32>
        %add3A_833 = arith.addf %get3A_742, %add3A_832 : vector<16xf32>
        %add3A_834 = arith.addf %get3A_787, %get3A_807 : vector<16xf32>
        %add3A_835 = arith.addf %get3A_747, %add3A_834 : vector<16xf32>
        %add3A_836 = arith.addf %get3A_752, %get3A_812 : vector<16xf32>
        %add3A_837 = arith.addf %get3A_757, %get3A_817 : vector<16xf32>
        %add3A_838 = arith.addf %get3A_762, %get3A_822 : vector<16xf32>
        %add3A_839 = arith.addf %get3A_767, %get3A_827 : vector<16xf32>
        %swap3A_840 = arith.index_cast %select_n3A_613 : i32 to index
        %swap3A_841 = arith.index_cast %scan3A_727 : i32 to index
        %swap3A_842 = arith.constant 0 : index
        %swap3A_843 = tpu.vector_load %arg12[%swap3A_840, %swap3A_841, %swap3A_842] {strides = array<i32>} : memref<2x64x128xf32, #tpu.memory_space<vmem>>, vector<1x1x16xf32>,
        %swap3A_844 = vector.shape_cast %swap3A_843 : vector<1x1x16xf32> to vector<16xf32>
        %swap3A_845 = vector.shape_cast %add3A_829 : vector<16xf32> to vector<1x1x16xf32>
        tpu.vector_store %arg12[%swap3A_840, %swap3A_841, %swap3A_842], %swap3A_845 {strides = array<i32>} : memref<2x64x128xf32, #tpu.memory_space<vmem>>, vector<1x1x16xf32>,
        %swap3A_846 = arith.index_cast %select_n3A_613 : i32 to index
        %swap3A_847 = arith.index_cast %scan3A_727 : i32 to index
        %swap3A_848 = arith.constant 16 : index
        %swap3A_849 = tpu.vector_load %arg12[%swap3A_846, %swap3A_847, %swap3A_848] {strides = array<i32>} : memref<2x64x128xf32, #tpu.memory_space<vmem>>, vector<1x1x16xf32>,
        %swap3A_850 = vector.shape_cast %swap3A_849 : vector<1x1x16xf32> to vector<16xf32>
        %swap3A_851 = vector.shape_cast %add3A_831 : vector<16xf32> to vector<1x1x16xf32>
        tpu.vector_store %arg12[%swap3A_846, %swap3A_847, %swap3A_848], %swap3A_851 {strides = array<i32>} : memref<2x64x128xf32, #tpu.memory_space<vmem>>, vector<1x1x16xf32>,
        %swap3A_852 = arith.index_cast %select_n3A_613 : i32 to index
        %swap3A_853 = arith.index_cast %scan3A_727 : i32 to index
        %swap3A_854 = arith.constant 32 : index
        %swap3A_855 = tpu.vector_load %arg12[%swap3A_852, %swap3A_853, %swap3A_854] {strides = array<i32>} : memref<2x64x128xf32, #tpu.memory_space<vmem>>, vector<1x1x16xf32>,
        %swap3A_856 = vector.shape_cast %swap3A_855 : vector<1x1x16xf32> to vector<16xf32>
        %swap3A_857 = vector.shape_cast %add3A_833 : vector<16xf32> to vector<1x1x16xf32>
        tpu.vector_store %arg12[%swap3A_852, %swap3A_853, %swap3A_854], %swap3A_857 {strides = array<i32>} : memref<2x64x128xf32, #tpu.memory_space<vmem>>, vector<1x1x16xf32>,
        %swap3A_858 = arith.index_cast %select_n3A_613 : i32 to index
        %swap3A_859 = arith.index_cast %scan3A_727 : i32 to index
        %swap3A_860 = arith.constant 48 : index
        %swap3A_861 = tpu.vector_load %arg12[%swap3A_858, %swap3A_859, %swap3A_860] {strides = array<i32>} : memref<2x64x128xf32, #tpu.memory_space<vmem>>, vector<1x1x16xf32>,
        %swap3A_862 = vector.shape_cast %swap3A_861 : vector<1x1x16xf32> to vector<16xf32>
        %swap3A_863 = vector.shape_cast %add3A_835 : vector<16xf32> to vector<1x1x16xf32>
        tpu.vector_store %arg12[%swap3A_858, %swap3A_859, %swap3A_860], %swap3A_863 {strides = array<i32>} : memref<2x64x128xf32, #tpu.memory_space<vmem>>, vector<1x1x16xf32>,
        %swap3A_864 = arith.index_cast %select_n3A_613 : i32 to index
        %swap3A_865 = arith.index_cast %scan3A_727 : i32 to index
        %swap3A_866 = arith.constant 64 : index
        %swap3A_867 = tpu.vector_load %arg12[%swap3A_864, %swap3A_865, %swap3A_866] {strides = array<i32>} : memref<2x64x128xf32, #tpu.memory_space<vmem>>, vector<1x1x16xf32>,
        %swap3A_868 = vector.shape_cast %swap3A_867 : vector<1x1x16xf32> to vector<16xf32>
        %swap3A_869 = vector.shape_cast %add3A_836 : vector<16xf32> to vector<1x1x16xf32>
        tpu.vector_store %arg12[%swap3A_864, %swap3A_865, %swap3A_866], %swap3A_869 {strides = array<i32>} : memref<2x64x128xf32, #tpu.memory_space<vmem>>, vector<1x1x16xf32>,
        %swap3A_870 = arith.index_cast %select_n3A_613 : i32 to index
        %swap3A_871 = arith.index_cast %scan3A_727 : i32 to index
        %swap3A_872 = arith.constant 80 : index
        %swap3A_873 = tpu.vector_load %arg12[%swap3A_870, %swap3A_871, %swap3A_872] {strides = array<i32>} : memref<2x64x128xf32, #tpu.memory_space<vmem>>, vector<1x1x16xf32>,
        %swap3A_874 = vector.shape_cast %swap3A_873 : vector<1x1x16xf32> to vector<16xf32>
        %swap3A_875 = vector.shape_cast %add3A_837 : vector<16xf32> to vector<1x1x16xf32>
        tpu.vector_store %arg12[%swap3A_870, %swap3A_871, %swap3A_872], %swap3A_875 {strides = array<i32>} : memref<2x64x128xf32, #tpu.memory_space<vmem>>, vector<1x1x16xf32>,
        %swap3A_876 = arith.index_cast %select_n3A_613 : i32 to index
        %swap3A_877 = arith.index_cast %scan3A_727 : i32 to index
        %swap3A_878 = arith.constant 96 : index
        %swap3A_879 = tpu.vector_load %arg12[%swap3A_876, %swap3A_877, %swap3A_878] {strides = array<i32>} : memref<2x64x128xf32, #tpu.memory_space<vmem>>, vector<1x1x16xf32>,
        %swap3A_880 = vector.shape_cast %swap3A_879 : vector<1x1x16xf32> to vector<16xf32>
        %swap3A_881 = vector.shape_cast %add3A_838 : vector<16xf32> to vector<1x1x16xf32>
        tpu.vector_store %arg12[%swap3A_876, %swap3A_877, %swap3A_878], %swap3A_881 {strides = array<i32>} : memref<2x64x128xf32, #tpu.memory_space<vmem>>, vector<1x1x16xf32>,
        %swap3A_882 = arith.index_cast %select_n3A_613 : i32 to index
        %swap3A_883 = arith.index_cast %scan3A_727 : i32 to index
        %swap3A_884 = arith.constant 112 : index
        %swap3A_885 = tpu.vector_load %arg12[%swap3A_882, %swap3A_883, %swap3A_884] {strides = array<i32>} : memref<2x64x128xf32, #tpu.memory_space<vmem>>, vector<1x1x16xf32>,
        %swap3A_886 = vector.shape_cast %swap3A_885 : vector<1x1x16xf32> to vector<16xf32>
        %swap3A_887 = vector.shape_cast %add3A_839 : vector<16xf32> to vector<1x1x16xf32>
        tpu.vector_store %arg12[%swap3A_882, %swap3A_883, %swap3A_884], %swap3A_887 {strides = array<i32>} : memref<2x64x128xf32, #tpu.memory_space<vmem>>, vector<1x1x16xf32>,
        %scan3A_888 = arith.constant 1 : i32
        %scan3A_889 = arith.addi %scan3A_727, %scan3A_888 : i32
        %get3A_890 = arith.index_cast %select_n3A_629 : i32 to index
        %get3A_891 = arith.index_cast %scan3A_889 : i32 to index
        %get3A_892 = arith.constant 0 : index
        %get3A_893 = tpu.vector_load %arg11[%get3A_890, %get3A_891, %get3A_892] {strides = array<i32>} : memref<3x64x128xf32, #tpu.memory_space<vmem>>, vector<1x1x16xf32>,
        %get3A_894 = vector.shape_cast %get3A_893 : vector<1x1x16xf32> to vector<16xf32>
        %get3A_895 = arith.index_cast %select_n3A_629 : i32 to index
        %get3A_896 = arith.index_cast %scan3A_889 : i32 to index
        %get3A_897 = arith.constant 16 : index
        %get3A_898 = tpu.vector_load %arg11[%get3A_895, %get3A_896, %get3A_897] {strides = array<i32>} : memref<3x64x128xf32, #tpu.memory_space<vmem>>, vector<1x1x16xf32>,
        %get3A_899 = vector.shape_cast %get3A_898 : vector<1x1x16xf32> to vector<16xf32>
        %get3A_900 = arith.index_cast %select_n3A_629 : i32 to index
        %get3A_901 = arith.index_cast %scan3A_889 : i32 to index
        %get3A_902 = arith.constant 32 : index
        %get3A_903 = tpu.vector_load %arg11[%get3A_900, %get3A_901, %get3A_902] {strides = array<i32>} : memref<3x64x128xf32, #tpu.memory_space<vmem>>, vector<1x1x16xf32>,
        %get3A_904 = vector.shape_cast %get3A_903 : vector<1x1x16xf32> to vector<16xf32>
        %get3A_905 = arith.index_cast %select_n3A_629 : i32 to index
        %get3A_906 = arith.index_cast %scan3A_889 : i32 to index
        %get3A_907 = arith.constant 48 : index
        %get3A_908 = tpu.vector_load %arg11[%get3A_905, %get3A_906, %get3A_907] {strides = array<i32>} : memref<3x64x128xf32, #tpu.memory_space<vmem>>, vector<1x1x16xf32>,
        %get3A_909 = vector.shape_cast %get3A_908 : vector<1x1x16xf32> to vector<16xf32>
        %get3A_910 = arith.index_cast %select_n3A_629 : i32 to index
        %get3A_911 = arith.index_cast %scan3A_889 : i32 to index
        %get3A_912 = arith.constant 64 : index
        %get3A_913 = tpu.vector_load %arg11[%get3A_910, %get3A_911, %get3A_912] {strides = array<i32>} : memref<3x64x128xf32, #tpu.memory_space<vmem>>, vector<1x1x16xf32>,
        %get3A_914 = vector.shape_cast %get3A_913 : vector<1x1x16xf32> to vector<16xf32>
        %get3A_915 = arith.index_cast %select_n3A_629 : i32 to index
        %get3A_916 = arith.index_cast %scan3A_889 : i32 to index
        %get3A_917 = arith.constant 80 : index
        %get3A_918 = tpu.vector_load %arg11[%get3A_915, %get3A_916, %get3A_917] {strides = array<i32>} : memref<3x64x128xf32, #tpu.memory_space<vmem>>, vector<1x1x16xf32>,
        %get3A_919 = vector.shape_cast %get3A_918 : vector<1x1x16xf32> to vector<16xf32>
        %get3A_920 = arith.index_cast %select_n3A_629 : i32 to index
        %get3A_921 = arith.index_cast %scan3A_889 : i32 to index
        %get3A_922 = arith.constant 96 : index
        %get3A_923 = tpu.vector_load %arg11[%get3A_920, %get3A_921, %get3A_922] {strides = array<i32>} : memref<3x64x128xf32, #tpu.memory_space<vmem>>, vector<1x1x16xf32>,
        %get3A_924 = vector.shape_cast %get3A_923 : vector<1x1x16xf32> to vector<16xf32>
        %get3A_925 = arith.index_cast %select_n3A_629 : i32 to index
        %get3A_926 = arith.index_cast %scan3A_889 : i32 to index
        %get3A_927 = arith.constant 112 : index
        %get3A_928 = tpu.vector_load %arg11[%get3A_925, %get3A_926, %get3A_927] {strides = array<i32>} : memref<3x64x128xf32, #tpu.memory_space<vmem>>, vector<1x1x16xf32>,
        %get3A_929 = vector.shape_cast %get3A_928 : vector<1x1x16xf32> to vector<16xf32>
        %get3A_930 = arith.index_cast %select_n3A_613 : i32 to index
        %get3A_931 = arith.index_cast %scan3A_889 : i32 to index
        %get3A_932 = arith.constant 0 : index
        %get3A_933 = tpu.vector_load %arg13[%get3A_930, %get3A_931, %get3A_932] {strides = array<i32>} : memref<2x64x64xf32, #tpu.memory_space<vmem>>, vector<1x1x16xf32>,
        %get3A_934 = vector.shape_cast %get3A_933 : vector<1x1x16xf32> to vector<16xf32>
        %get3A_935 = arith.index_cast %select_n3A_613 : i32 to index
        %get3A_936 = arith.index_cast %scan3A_889 : i32 to index
        %get3A_937 = arith.constant 16 : index
        %get3A_938 = tpu.vector_load %arg13[%get3A_935, %get3A_936, %get3A_937] {strides = array<i32>} : memref<2x64x64xf32, #tpu.memory_space<vmem>>, vector<1x1x16xf32>,
        %get3A_939 = vector.shape_cast %get3A_938 : vector<1x1x16xf32> to vector<16xf32>
        %get3A_940 = arith.index_cast %select_n3A_613 : i32 to index
        %get3A_941 = arith.index_cast %scan3A_889 : i32 to index
        %get3A_942 = arith.constant 32 : index
        %get3A_943 = tpu.vector_load %arg13[%get3A_940, %get3A_941, %get3A_942] {strides = array<i32>} : memref<2x64x64xf32, #tpu.memory_space<vmem>>, vector<1x1x16xf32>,
        %get3A_944 = vector.shape_cast %get3A_943 : vector<1x1x16xf32> to vector<16xf32>
        %get3A_945 = arith.index_cast %select_n3A_613 : i32 to index
        %get3A_946 = arith.index_cast %scan3A_889 : i32 to index
        %get3A_947 = arith.constant 48 : index
        %get3A_948 = tpu.vector_load %arg13[%get3A_945, %get3A_946, %get3A_947] {strides = array<i32>} : memref<2x64x64xf32, #tpu.memory_space<vmem>>, vector<1x1x16xf32>,
        %get3A_949 = vector.shape_cast %get3A_948 : vector<1x1x16xf32> to vector<16xf32>
        %get3A_950 = arith.index_cast %select_n3A_613 : i32 to index
        %get3A_951 = arith.index_cast %scan3A_889 : i32 to index
        %get3A_952 = arith.constant 0 : index
        %get3A_953 = tpu.vector_load %arg14[%get3A_950, %get3A_951, %get3A_952] {strides = array<i32>} : memref<2x64x64xf32, #tpu.memory_space<vmem>>, vector<1x1x16xf32>,
        %get3A_954 = vector.shape_cast %get3A_953 : vector<1x1x16xf32> to vector<16xf32>
        %get3A_955 = arith.index_cast %select_n3A_613 : i32 to index
        %get3A_956 = arith.index_cast %scan3A_889 : i32 to index
        %get3A_957 = arith.constant 16 : index
        %get3A_958 = tpu.vector_load %arg14[%get3A_955, %get3A_956, %get3A_957] {strides = array<i32>} : memref<2x64x64xf32, #tpu.memory_space<vmem>>, vector<1x1x16xf32>,
        %get3A_959 = vector.shape_cast %get3A_958 : vector<1x1x16xf32> to vector<16xf32>
        %get3A_960 = arith.index_cast %select_n3A_613 : i32 to index
        %get3A_961 = arith.index_cast %scan3A_889 : i32 to index
        %get3A_962 = arith.constant 32 : index
        %get3A_963 = tpu.vector_load %arg14[%get3A_960, %get3A_961, %get3A_962] {strides = array<i32>} : memref<2x64x64xf32, #tpu.memory_space<vmem>>, vector<1x1x16xf32>,
        %get3A_964 = vector.shape_cast %get3A_963 : vector<1x1x16xf32> to vector<16xf32>
        %get3A_965 = arith.index_cast %select_n3A_613 : i32 to index
        %get3A_966 = arith.index_cast %scan3A_889 : i32 to index
        %get3A_967 = arith.constant 48 : index
        %get3A_968 = tpu.vector_load %arg14[%get3A_965, %get3A_966, %get3A_967] {strides = array<i32>} : memref<2x64x64xf32, #tpu.memory_space<vmem>>, vector<1x1x16xf32>,
        %get3A_969 = vector.shape_cast %get3A_968 : vector<1x1x16xf32> to vector<16xf32>
        %get3A_970 = arith.index_cast %select_n3A_613 : i32 to index
        %get3A_971 = arith.index_cast %scan3A_889 : i32 to index
        %get3A_972 = arith.constant 0 : index
        %get3A_973 = tpu.vector_load %arg15[%get3A_970, %get3A_971, %get3A_972] {strides = array<i32>} : memref<2x64x64xf32, #tpu.memory_space<vmem>>, vector<1x1x16xf32>,
        %get3A_974 = vector.shape_cast %get3A_973 : vector<1x1x16xf32> to vector<16xf32>
        %get3A_975 = arith.index_cast %select_n3A_613 : i32 to index
        %get3A_976 = arith.index_cast %scan3A_889 : i32 to index
        %get3A_977 = arith.constant 16 : index
        %get3A_978 = tpu.vector_load %arg15[%get3A_975, %get3A_976, %get3A_977] {strides = array<i32>} : memref<2x64x64xf32, #tpu.memory_space<vmem>>, vector<1x1x16xf32>,
        %get3A_979 = vector.shape_cast %get3A_978 : vector<1x1x16xf32> to vector<16xf32>
        %get3A_980 = arith.index_cast %select_n3A_613 : i32 to index
        %get3A_981 = arith.index_cast %scan3A_889 : i32 to index
        %get3A_982 = arith.constant 32 : index
        %get3A_983 = tpu.vector_load %arg15[%get3A_980, %get3A_981, %get3A_982] {strides = array<i32>} : memref<2x64x64xf32, #tpu.memory_space<vmem>>, vector<1x1x16xf32>,
        %get3A_984 = vector.shape_cast %get3A_983 : vector<1x1x16xf32> to vector<16xf32>
        %get3A_985 = arith.index_cast %select_n3A_613 : i32 to index
        %get3A_986 = arith.index_cast %scan3A_889 : i32 to index
        %get3A_987 = arith.constant 48 : index
        %get3A_988 = tpu.vector_load %arg15[%get3A_985, %get3A_986, %get3A_987] {strides = array<i32>} : memref<2x64x64xf32, #tpu.memory_space<vmem>>, vector<1x1x16xf32>,
        %get3A_989 = vector.shape_cast %get3A_988 : vector<1x1x16xf32> to vector<16xf32>
        %add3A_990 = arith.addf %get3A_934, %get3A_954 : vector<16xf32>
        %add3A_991 = arith.addf %get3A_894, %add3A_990 : vector<16xf32>
        %add3A_992 = arith.addf %get3A_939, %get3A_959 : vector<16xf32>
        %add3A_993 = arith.addf %get3A_899, %add3A_992 : vector<16xf32>
        %add3A_994 = arith.addf %get3A_944, %get3A_964 : vector<16xf32>
        %add3A_995 = arith.addf %get3A_904, %add3A_994 : vector<16xf32>
        %add3A_996 = arith.addf %get3A_949, %get3A_969 : vector<16xf32>
        %add3A_997 = arith.addf %get3A_909, %add3A_996 : vector<16xf32>
        %add3A_998 = arith.addf %get3A_914, %get3A_974 : vector<16xf32>
        %add3A_999 = arith.addf %get3A_919, %get3A_979 : vector<16xf32>
        %add3A_1000 = arith.addf %get3A_924, %get3A_984 : vector<16xf32>
        %add3A_1001 = arith.addf %get3A_929, %get3A_989 : vector<16xf32>
        %swap3A_1002 = arith.index_cast %select_n3A_613 : i32 to index
        %swap3A_1003 = arith.index_cast %scan3A_889 : i32 to index
        %swap3A_1004 = arith.constant 0 : index
        %swap3A_1005 = tpu.vector_load %arg12[%swap3A_1002, %swap3A_1003, %swap3A_1004] {strides = array<i32>} : memref<2x64x128xf32, #tpu.memory_space<vmem>>, vector<1x1x16xf32>,
        %swap3A_1006 = vector.shape_cast %swap3A_1005 : vector<1x1x16xf32> to vector<16xf32>
        %swap3A_1007 = vector.shape_cast %add3A_991 : vector<16xf32> to vector<1x1x16xf32>
        tpu.vector_store %arg12[%swap3A_1002, %swap3A_1003, %swap3A_1004], %swap3A_1007 {strides = array<i32>} : memref<2x64x128xf32, #tpu.memory_space<vmem>>, vector<1x1x16xf32>,
        %swap3A_1008 = arith.index_cast %select_n3A_613 : i32 to index
        %swap3A_1009 = arith.index_cast %scan3A_889 : i32 to index
        %swap3A_1010 = arith.constant 16 : index
        %swap3A_1011 = tpu.vector_load %arg12[%swap3A_1008, %swap3A_1009, %swap3A_1010] {strides = array<i32>} : memref<2x64x128xf32, #tpu.memory_space<vmem>>, vector<1x1x16xf32>,
        %swap3A_1012 = vector.shape_cast %swap3A_1011 : vector<1x1x16xf32> to vector<16xf32>
        %swap3A_1013 = vector.shape_cast %add3A_993 : vector<16xf32> to vector<1x1x16xf32>
        tpu.vector_store %arg12[%swap3A_1008, %swap3A_1009, %swap3A_1010], %swap3A_1013 {strides = array<i32>} : memref<2x64x128xf32, #tpu.memory_space<vmem>>, vector<1x1x16xf32>,
        %swap3A_1014 = arith.index_cast %select_n3A_613 : i32 to index
        %swap3A_1015 = arith.index_cast %scan3A_889 : i32 to index
        %swap3A_1016 = arith.constant 32 : index
        %swap3A_1017 = tpu.vector_load %arg12[%swap3A_1014, %swap3A_1015, %swap3A_1016] {strides = array<i32>} : memref<2x64x128xf32, #tpu.memory_space<vmem>>, vector<1x1x16xf32>,
        %swap3A_1018 = vector.shape_cast %swap3A_1017 : vector<1x1x16xf32> to vector<16xf32>
        %swap3A_1019 = vector.shape_cast %add3A_995 : vector<16xf32> to vector<1x1x16xf32>
        tpu.vector_store %arg12[%swap3A_1014, %swap3A_1015, %swap3A_1016], %swap3A_1019 {strides = array<i32>} : memref<2x64x128xf32, #tpu.memory_space<vmem>>, vector<1x1x16xf32>,
        %swap3A_1020 = arith.index_cast %select_n3A_613 : i32 to index
        %swap3A_1021 = arith.index_cast %scan3A_889 : i32 to index
        %swap3A_1022 = arith.constant 48 : index
        %swap3A_1023 = tpu.vector_load %arg12[%swap3A_1020, %swap3A_1021, %swap3A_1022] {strides = array<i32>} : memref<2x64x128xf32, #tpu.memory_space<vmem>>, vector<1x1x16xf32>,
        %swap3A_1024 = vector.shape_cast %swap3A_1023 : vector<1x1x16xf32> to vector<16xf32>
        %swap3A_1025 = vector.shape_cast %add3A_997 : vector<16xf32> to vector<1x1x16xf32>
        tpu.vector_store %arg12[%swap3A_1020, %swap3A_1021, %swap3A_1022], %swap3A_1025 {strides = array<i32>} : memref<2x64x128xf32, #tpu.memory_space<vmem>>, vector<1x1x16xf32>,
        %swap3A_1026 = arith.index_cast %select_n3A_613 : i32 to index
        %swap3A_1027 = arith.index_cast %scan3A_889 : i32 to index
        %swap3A_1028 = arith.constant 64 : index
        %swap3A_1029 = tpu.vector_load %arg12[%swap3A_1026, %swap3A_1027, %swap3A_1028] {strides = array<i32>} : memref<2x64x128xf32, #tpu.memory_space<vmem>>, vector<1x1x16xf32>,
        %swap3A_1030 = vector.shape_cast %swap3A_1029 : vector<1x1x16xf32> to vector<16xf32>
        %swap3A_1031 = vector.shape_cast %add3A_998 : vector<16xf32> to vector<1x1x16xf32>
        tpu.vector_store %arg12[%swap3A_1026, %swap3A_1027, %swap3A_1028], %swap3A_1031 {strides = array<i32>} : memref<2x64x128xf32, #tpu.memory_space<vmem>>, vector<1x1x16xf32>,
        %swap3A_1032 = arith.index_cast %select_n3A_613 : i32 to index
        %swap3A_1033 = arith.index_cast %scan3A_889 : i32 to index
        %swap3A_1034 = arith.constant 80 : index
        %swap3A_1035 = tpu.vector_load %arg12[%swap3A_1032, %swap3A_1033, %swap3A_1034] {strides = array<i32>} : memref<2x64x128xf32, #tpu.memory_space<vmem>>, vector<1x1x16xf32>,
        %swap3A_1036 = vector.shape_cast %swap3A_1035 : vector<1x1x16xf32> to vector<16xf32>
        %swap3A_1037 = vector.shape_cast %add3A_999 : vector<16xf32> to vector<1x1x16xf32>
        tpu.vector_store %arg12[%swap3A_1032, %swap3A_1033, %swap3A_1034], %swap3A_1037 {strides = array<i32>} : memref<2x64x128xf32, #tpu.memory_space<vmem>>, vector<1x1x16xf32>,
        %swap3A_1038 = arith.index_cast %select_n3A_613 : i32 to index
        %swap3A_1039 = arith.index_cast %scan3A_889 : i32 to index
        %swap3A_1040 = arith.constant 96 : index
        %swap3A_1041 = tpu.vector_load %arg12[%swap3A_1038, %swap3A_1039, %swap3A_1040] {strides = array<i32>} : memref<2x64x128xf32, #tpu.memory_space<vmem>>, vector<1x1x16xf32>,
        %swap3A_1042 = vector.shape_cast %swap3A_1041 : vector<1x1x16xf32> to vector<16xf32>
        %swap3A_1043 = vector.shape_cast %add3A_1000 : vector<16xf32> to vector<1x1x16xf32>
        tpu.vector_store %arg12[%swap3A_1038, %swap3A_1039, %swap3A_1040], %swap3A_1043 {strides = array<i32>} : memref<2x64x128xf32, #tpu.memory_space<vmem>>, vector<1x1x16xf32>,
        %swap3A_1044 = arith.index_cast %select_n3A_613 : i32 to index
        %swap3A_1045 = arith.index_cast %scan3A_889 : i32 to index
        %swap3A_1046 = arith.constant 112 : index
        %swap3A_1047 = tpu.vector_load %arg12[%swap3A_1044, %swap3A_1045, %swap3A_1046] {strides = array<i32>} : memref<2x64x128xf32, #tpu.memory_space<vmem>>, vector<1x1x16xf32>,
        %swap3A_1048 = vector.shape_cast %swap3A_1047 : vector<1x1x16xf32> to vector<16xf32>
        %swap3A_1049 = vector.shape_cast %add3A_1001 : vector<16xf32> to vector<1x1x16xf32>
        tpu.vector_store %arg12[%swap3A_1044, %swap3A_1045, %swap3A_1046], %swap3A_1049 {strides = array<i32>} : memref<2x64x128xf32, #tpu.memory_space<vmem>>, vector<1x1x16xf32>,
        %scan3A_1050 = arith.constant 2 : i32
        %scan3A_1051 = arith.addi %scan3A_727, %scan3A_1050 : i32
        %get3A_1052 = arith.index_cast %select_n3A_629 : i32 to index
        %get3A_1053 = arith.index_cast %scan3A_1051 : i32 to index
        %get3A_1054 = arith.constant 0 : index
        %get3A_1055 = tpu.vector_load %arg11[%get3A_1052, %get3A_1053, %get3A_1054] {strides = array<i32>} : memref<3x64x128xf32, #tpu.memory_space<vmem>>, vector<1x1x16xf32>,
        %get3A_1056 = vector.shape_cast %get3A_1055 : vector<1x1x16xf32> to vector<16xf32>
        %get3A_1057 = arith.index_cast %select_n3A_629 : i32 to index
        %get3A_1058 = arith.index_cast %scan3A_1051 : i32 to index
        %get3A_1059 = arith.constant 16 : index
        %get3A_1060 = tpu.vector_load %arg11[%get3A_1057, %get3A_1058, %get3A_1059] {strides = array<i32>} : memref<3x64x128xf32, #tpu.memory_space<vmem>>, vector<1x1x16xf32>,
        %get3A_1061 = vector.shape_cast %get3A_1060 : vector<1x1x16xf32> to vector<16xf32>
        %get3A_1062 = arith.index_cast %select_n3A_629 : i32 to index
        %get3A_1063 = arith.index_cast %scan3A_1051 : i32 to index
        %get3A_1064 = arith.constant 32 : index
        %get3A_1065 = tpu.vector_load %arg11[%get3A_1062, %get3A_1063, %get3A_1064] {strides = array<i32>} : memref<3x64x128xf32, #tpu.memory_space<vmem>>, vector<1x1x16xf32>,
        %get3A_1066 = vector.shape_cast %get3A_1065 : vector<1x1x16xf32> to vector<16xf32>
        %get3A_1067 = arith.index_cast %select_n3A_629 : i32 to index
        %get3A_1068 = arith.index_cast %scan3A_1051 : i32 to index
        %get3A_1069 = arith.constant 48 : index
        %get3A_1070 = tpu.vector_load %arg11[%get3A_1067, %get3A_1068, %get3A_1069] {strides = array<i32>} : memref<3x64x128xf32, #tpu.memory_space<vmem>>, vector<1x1x16xf32>,
        %get3A_1071 = vector.shape_cast %get3A_1070 : vector<1x1x16xf32> to vector<16xf32>
        %get3A_1072 = arith.index_cast %select_n3A_629 : i32 to index
        %get3A_1073 = arith.index_cast %scan3A_1051 : i32 to index
        %get3A_1074 = arith.constant 64 : index
        %get3A_1075 = tpu.vector_load %arg11[%get3A_1072, %get3A_1073, %get3A_1074] {strides = array<i32>} : memref<3x64x128xf32, #tpu.memory_space<vmem>>, vector<1x1x16xf32>,
        %get3A_1076 = vector.shape_cast %get3A_1075 : vector<1x1x16xf32> to vector<16xf32>
        %get3A_1077 = arith.index_cast %select_n3A_629 : i32 to index
        %get3A_1078 = arith.index_cast %scan3A_1051 : i32 to index
        %get3A_1079 = arith.constant 80 : index
        %get3A_1080 = tpu.vector_load %arg11[%get3A_1077, %get3A_1078, %get3A_1079] {strides = array<i32>} : memref<3x64x128xf32, #tpu.memory_space<vmem>>, vector<1x1x16xf32>,
        %get3A_1081 = vector.shape_cast %get3A_1080 : vector<1x1x16xf32> to vector<16xf32>
        %get3A_1082 = arith.index_cast %select_n3A_629 : i32 to index
        %get3A_1083 = arith.index_cast %scan3A_1051 : i32 to index
        %get3A_1084 = arith.constant 96 : index
        %get3A_1085 = tpu.vector_load %arg11[%get3A_1082, %get3A_1083, %get3A_1084] {strides = array<i32>} : memref<3x64x128xf32, #tpu.memory_space<vmem>>, vector<1x1x16xf32>,
        %get3A_1086 = vector.shape_cast %get3A_1085 : vector<1x1x16xf32> to vector<16xf32>
        %get3A_1087 = arith.index_cast %select_n3A_629 : i32 to index
        %get3A_1088 = arith.index_cast %scan3A_1051 : i32 to index
        %get3A_1089 = arith.constant 112 : index
        %get3A_1090 = tpu.vector_load %arg11[%get3A_1087, %get3A_1088, %get3A_1089] {strides = array<i32>} : memref<3x64x128xf32, #tpu.memory_space<vmem>>, vector<1x1x16xf32>,
        %get3A_1091 = vector.shape_cast %get3A_1090 : vector<1x1x16xf32> to vector<16xf32>
        %get3A_1092 = arith.index_cast %select_n3A_613 : i32 to index
        %get3A_1093 = arith.index_cast %scan3A_1051 : i32 to index
        %get3A_1094 = arith.constant 0 : index
        %get3A_1095 = tpu.vector_load %arg13[%get3A_1092, %get3A_1093, %get3A_1094] {strides = array<i32>} : memref<2x64x64xf32, #tpu.memory_space<vmem>>, vector<1x1x16xf32>,
        %get3A_1096 = vector.shape_cast %get3A_1095 : vector<1x1x16xf32> to vector<16xf32>
        %get3A_1097 = arith.index_cast %select_n3A_613 : i32 to index
        %get3A_1098 = arith.index_cast %scan3A_1051 : i32 to index
        %get3A_1099 = arith.constant 16 : index
        %get3A_1100 = tpu.vector_load %arg13[%get3A_1097, %get3A_1098, %get3A_1099] {strides = array<i32>} : memref<2x64x64xf32, #tpu.memory_space<vmem>>, vector<1x1x16xf32>,
        %get3A_1101 = vector.shape_cast %get3A_1100 : vector<1x1x16xf32> to vector<16xf32>
        %get3A_1102 = arith.index_cast %select_n3A_613 : i32 to index
        %get3A_1103 = arith.index_cast %scan3A_1051 : i32 to index
        %get3A_1104 = arith.constant 32 : index
        %get3A_1105 = tpu.vector_load %arg13[%get3A_1102, %get3A_1103, %get3A_1104] {strides = array<i32>} : memref<2x64x64xf32, #tpu.memory_space<vmem>>, vector<1x1x16xf32>,
        %get3A_1106 = vector.shape_cast %get3A_1105 : vector<1x1x16xf32> to vector<16xf32>
        %get3A_1107 = arith.index_cast %select_n3A_613 : i32 to index
        %get3A_1108 = arith.index_cast %scan3A_1051 : i32 to index
        %get3A_1109 = arith.constant 48 : index
        %get3A_1110 = tpu.vector_load %arg13[%get3A_1107, %get3A_1108, %get3A_1109] {strides = array<i32>} : memref<2x64x64xf32, #tpu.memory_space<vmem>>, vector<1x1x16xf32>,
        %get3A_1111 = vector.shape_cast %get3A_1110 : vector<1x1x16xf32> to vector<16xf32>
        %get3A_1112 = arith.index_cast %select_n3A_613 : i32 to index
        %get3A_1113 = arith.index_cast %scan3A_1051 : i32 to index
        %get3A_1114 = arith.constant 0 : index
        %get3A_1115 = tpu.vector_load %arg14[%get3A_1112, %get3A_1113, %get3A_1114] {strides = array<i32>} : memref<2x64x64xf32, #tpu.memory_space<vmem>>, vector<1x1x16xf32>,
        %get3A_1116 = vector.shape_cast %get3A_1115 : vector<1x1x16xf32> to vector<16xf32>
        %get3A_1117 = arith.index_cast %select_n3A_613 : i32 to index
        %get3A_1118 = arith.index_cast %scan3A_1051 : i32 to index
        %get3A_1119 = arith.constant 16 : index
        %get3A_1120 = tpu.vector_load %arg14[%get3A_1117, %get3A_1118, %get3A_1119] {strides = array<i32>} : memref<2x64x64xf32, #tpu.memory_space<vmem>>, vector<1x1x16xf32>,
        %get3A_1121 = vector.shape_cast %get3A_1120 : vector<1x1x16xf32> to vector<16xf32>
        %get3A_1122 = arith.index_cast %select_n3A_613 : i32 to index
        %get3A_1123 = arith.index_cast %scan3A_1051 : i32 to index
        %get3A_1124 = arith.constant 32 : index
        %get3A_1125 = tpu.vector_load %arg14[%get3A_1122, %get3A_1123, %get3A_1124] {strides = array<i32>} : memref<2x64x64xf32, #tpu.memory_space<vmem>>, vector<1x1x16xf32>,
        %get3A_1126 = vector.shape_cast %get3A_1125 : vector<1x1x16xf32> to vector<16xf32>
        %get3A_1127 = arith.index_cast %select_n3A_613 : i32 to index
        %get3A_1128 = arith.index_cast %scan3A_1051 : i32 to index
        %get3A_1129 = arith.constant 48 : index
        %get3A_1130 = tpu.vector_load %arg14[%get3A_1127, %get3A_1128, %get3A_1129] {strides = array<i32>} : memref<2x64x64xf32, #tpu.memory_space<vmem>>, vector<1x1x16xf32>,
        %get3A_1131 = vector.shape_cast %get3A_1130 : vector<1x1x16xf32> to vector<16xf32>
        %get3A_1132 = arith.index_cast %select_n3A_613 : i32 to index
        %get3A_1133 = arith.index_cast %scan3A_1051 : i32 to index
        %get3A_1134 = arith.constant 0 : index
        %get3A_1135 = tpu.vector_load %arg15[%get3A_1132, %get3A_1133, %get3A_1134] {strides = array<i32>} : memref<2x64x64xf32, #tpu.memory_space<vmem>>, vector<1x1x16xf32>,
        %get3A_1136 = vector.shape_cast %get3A_1135 : vector<1x1x16xf32> to vector<16xf32>
        %get3A_1137 = arith.index_cast %select_n3A_613 : i32 to index
        %get3A_1138 = arith.index_cast %scan3A_1051 : i32 to index
        %get3A_1139 = arith.constant 16 : index
        %get3A_1140 = tpu.vector_load %arg15[%get3A_1137, %get3A_1138, %get3A_1139] {strides = array<i32>} : memref<2x64x64xf32, #tpu.memory_space<vmem>>, vector<1x1x16xf32>,
        %get3A_1141 = vector.shape_cast %get3A_1140 : vector<1x1x16xf32> to vector<16xf32>
        %get3A_1142 = arith.index_cast %select_n3A_613 : i32 to index
        %get3A_1143 = arith.index_cast %scan3A_1051 : i32 to index
        %get3A_1144 = arith.constant 32 : index
        %get3A_1145 = tpu.vector_load %arg15[%get3A_1142, %get3A_1143, %get3A_1144] {strides = array<i32>} : memref<2x64x64xf32, #tpu.memory_space<vmem>>, vector<1x1x16xf32>,
        %get3A_1146 = vector.shape_cast %get3A_1145 : vector<1x1x16xf32> to vector<16xf32>
        %get3A_1147 = arith.index_cast %select_n3A_613 : i32 to index
        %get3A_1148 = arith.index_cast %scan3A_1051 : i32 to index
        %get3A_1149 = arith.constant 48 : index
        %get3A_1150 = tpu.vector_load %arg15[%get3A_1147, %get3A_1148, %get3A_1149] {strides = array<i32>} : memref<2x64x64xf32, #tpu.memory_space<vmem>>, vector<1x1x16xf32>,
        %get3A_1151 = vector.shape_cast %get3A_1150 : vector<1x1x16xf32> to vector<16xf32>
        %add3A_1152 = arith.addf %get3A_1096, %get3A_1116 : vector<16xf32>
        %add3A_1153 = arith.addf %get3A_1056, %add3A_1152 : vector<16xf32>
        %add3A_1154 = arith.addf %get3A_1101, %get3A_1121 : vector<16xf32>
        %add3A_1155 = arith.addf %get3A_1061, %add3A_1154 : vector<16xf32>
        %add3A_1156 = arith.addf %get3A_1106, %get3A_1126 : vector<16xf32>
        %add3A_1157 = arith.addf %get3A_1066, %add3A_1156 : vector<16xf32>
        %add3A_1158 = arith.addf %get3A_1111, %get3A_1131 : vector<16xf32>
        %add3A_1159 = arith.addf %get3A_1071, %add3A_1158 : vector<16xf32>
        %add3A_1160 = arith.addf %get3A_1076, %get3A_1136 : vector<16xf32>
        %add3A_1161 = arith.addf %get3A_1081, %get3A_1141 : vector<16xf32>
        %add3A_1162 = arith.addf %get3A_1086, %get3A_1146 : vector<16xf32>
        %add3A_1163 = arith.addf %get3A_1091, %get3A_1151 : vector<16xf32>
        %swap3A_1164 = arith.index_cast %select_n3A_613 : i32 to index
        %swap3A_1165 = arith.index_cast %scan3A_1051 : i32 to index
        %swap3A_1166 = arith.constant 0 : index
        %swap3A_1167 = tpu.vector_load %arg12[%swap3A_1164, %swap3A_1165, %swap3A_1166] {strides = array<i32>} : memref<2x64x128xf32, #tpu.memory_space<vmem>>, vector<1x1x16xf32>,
        %swap3A_1168 = vector.shape_cast %swap3A_1167 : vector<1x1x16xf32> to vector<16xf32>
        %swap3A_1169 = vector.shape_cast %add3A_1153 : vector<16xf32> to vector<1x1x16xf32>
        tpu.vector_store %arg12[%swap3A_1164, %swap3A_1165, %swap3A_1166], %swap3A_1169 {strides = array<i32>} : memref<2x64x128xf32, #tpu.memory_space<vmem>>, vector<1x1x16xf32>,
        %swap3A_1170 = arith.index_cast %select_n3A_613 : i32 to index
        %swap3A_1171 = arith.index_cast %scan3A_1051 : i32 to index
        %swap3A_1172 = arith.constant 16 : index
        %swap3A_1173 = tpu.vector_load %arg12[%swap3A_1170, %swap3A_1171, %swap3A_1172] {strides = array<i32>} : memref<2x64x128xf32, #tpu.memory_space<vmem>>, vector<1x1x16xf32>,
        %swap3A_1174 = vector.shape_cast %swap3A_1173 : vector<1x1x16xf32> to vector<16xf32>
        %swap3A_1175 = vector.shape_cast %add3A_1155 : vector<16xf32> to vector<1x1x16xf32>
        tpu.vector_store %arg12[%swap3A_1170, %swap3A_1171, %swap3A_1172], %swap3A_1175 {strides = array<i32>} : memref<2x64x128xf32, #tpu.memory_space<vmem>>, vector<1x1x16xf32>,
        %swap3A_1176 = arith.index_cast %select_n3A_613 : i32 to index
        %swap3A_1177 = arith.index_cast %scan3A_1051 : i32 to index
        %swap3A_1178 = arith.constant 32 : index
        %swap3A_1179 = tpu.vector_load %arg12[%swap3A_1176, %swap3A_1177, %swap3A_1178] {strides = array<i32>} : memref<2x64x128xf32, #tpu.memory_space<vmem>>, vector<1x1x16xf32>,
        %swap3A_1180 = vector.shape_cast %swap3A_1179 : vector<1x1x16xf32> to vector<16xf32>
        %swap3A_1181 = vector.shape_cast %add3A_1157 : vector<16xf32> to vector<1x1x16xf32>
        tpu.vector_store %arg12[%swap3A_1176, %swap3A_1177, %swap3A_1178], %swap3A_1181 {strides = array<i32>} : memref<2x64x128xf32, #tpu.memory_space<vmem>>, vector<1x1x16xf32>,
        %swap3A_1182 = arith.index_cast %select_n3A_613 : i32 to index
        %swap3A_1183 = arith.index_cast %scan3A_1051 : i32 to index
        %swap3A_1184 = arith.constant 48 : index
        %swap3A_1185 = tpu.vector_load %arg12[%swap3A_1182, %swap3A_1183, %swap3A_1184] {strides = array<i32>} : memref<2x64x128xf32, #tpu.memory_space<vmem>>, vector<1x1x16xf32>,
        %swap3A_1186 = vector.shape_cast %swap3A_1185 : vector<1x1x16xf32> to vector<16xf32>
        %swap3A_1187 = vector.shape_cast %add3A_1159 : vector<16xf32> to vector<1x1x16xf32>
        tpu.vector_store %arg12[%swap3A_1182, %swap3A_1183, %swap3A_1184], %swap3A_1187 {strides = array<i32>} : memref<2x64x128xf32, #tpu.memory_space<vmem>>, vector<1x1x16xf32>,
        %swap3A_1188 = arith.index_cast %select_n3A_613 : i32 to index
        %swap3A_1189 = arith.index_cast %scan3A_1051 : i32 to index
        %swap3A_1190 = arith.constant 64 : index
        %swap3A_1191 = tpu.vector_load %arg12[%swap3A_1188, %swap3A_1189, %swap3A_1190] {strides = array<i32>} : memref<2x64x128xf32, #tpu.memory_space<vmem>>, vector<1x1x16xf32>,
        %swap3A_1192 = vector.shape_cast %swap3A_1191 : vector<1x1x16xf32> to vector<16xf32>
        %swap3A_1193 = vector.shape_cast %add3A_1160 : vector<16xf32> to vector<1x1x16xf32>
        tpu.vector_store %arg12[%swap3A_1188, %swap3A_1189, %swap3A_1190], %swap3A_1193 {strides = array<i32>} : memref<2x64x128xf32, #tpu.memory_space<vmem>>, vector<1x1x16xf32>,
        %swap3A_1194 = arith.index_cast %select_n3A_613 : i32 to index
        %swap3A_1195 = arith.index_cast %scan3A_1051 : i32 to index
        %swap3A_1196 = arith.constant 80 : index
        %swap3A_1197 = tpu.vector_load %arg12[%swap3A_1194, %swap3A_1195, %swap3A_1196] {strides = array<i32>} : memref<2x64x128xf32, #tpu.memory_space<vmem>>, vector<1x1x16xf32>,
        %swap3A_1198 = vector.shape_cast %swap3A_1197 : vector<1x1x16xf32> to vector<16xf32>
        %swap3A_1199 = vector.shape_cast %add3A_1161 : vector<16xf32> to vector<1x1x16xf32>
        tpu.vector_store %arg12[%swap3A_1194, %swap3A_1195, %swap3A_1196], %swap3A_1199 {strides = array<i32>} : memref<2x64x128xf32, #tpu.memory_space<vmem>>, vector<1x1x16xf32>,
        %swap3A_1200 = arith.index_cast %select_n3A_613 : i32 to index
        %swap3A_1201 = arith.index_cast %scan3A_1051 : i32 to index
        %swap3A_1202 = arith.constant 96 : index
        %swap3A_1203 = tpu.vector_load %arg12[%swap3A_1200, %swap3A_1201, %swap3A_1202] {strides = array<i32>} : memref<2x64x128xf32, #tpu.memory_space<vmem>>, vector<1x1x16xf32>,
        %swap3A_1204 = vector.shape_cast %swap3A_1203 : vector<1x1x16xf32> to vector<16xf32>
        %swap3A_1205 = vector.shape_cast %add3A_1162 : vector<16xf32> to vector<1x1x16xf32>
        tpu.vector_store %arg12[%swap3A_1200, %swap3A_1201, %swap3A_1202], %swap3A_1205 {strides = array<i32>} : memref<2x64x128xf32, #tpu.memory_space<vmem>>, vector<1x1x16xf32>,
        %swap3A_1206 = arith.index_cast %select_n3A_613 : i32 to index
        %swap3A_1207 = arith.index_cast %scan3A_1051 : i32 to index
        %swap3A_1208 = arith.constant 112 : index
        %swap3A_1209 = tpu.vector_load %arg12[%swap3A_1206, %swap3A_1207, %swap3A_1208] {strides = array<i32>} : memref<2x64x128xf32, #tpu.memory_space<vmem>>, vector<1x1x16xf32>,
        %swap3A_1210 = vector.shape_cast %swap3A_1209 : vector<1x1x16xf32> to vector<16xf32>
        %swap3A_1211 = vector.shape_cast %add3A_1163 : vector<16xf32> to vector<1x1x16xf32>
        tpu.vector_store %arg12[%swap3A_1206, %swap3A_1207, %swap3A_1208], %swap3A_1211 {strides = array<i32>} : memref<2x64x128xf32, #tpu.memory_space<vmem>>, vector<1x1x16xf32>,
        %scan3A_1212 = arith.constant 3 : i32
        %scan3A_1213 = arith.addi %scan3A_727, %scan3A_1212 : i32
        %get3A_1214 = arith.index_cast %select_n3A_629 : i32 to index
        %get3A_1215 = arith.index_cast %scan3A_1213 : i32 to index
        %get3A_1216 = arith.constant 0 : index
        %get3A_1217 = tpu.vector_load %arg11[%get3A_1214, %get3A_1215, %get3A_1216] {strides = array<i32>} : memref<3x64x128xf32, #tpu.memory_space<vmem>>, vector<1x1x16xf32>,
        %get3A_1218 = vector.shape_cast %get3A_1217 : vector<1x1x16xf32> to vector<16xf32>
        %get3A_1219 = arith.index_cast %select_n3A_629 : i32 to index
        %get3A_1220 = arith.index_cast %scan3A_1213 : i32 to index
        %get3A_1221 = arith.constant 16 : index
        %get3A_1222 = tpu.vector_load %arg11[%get3A_1219, %get3A_1220, %get3A_1221] {strides = array<i32>} : memref<3x64x128xf32, #tpu.memory_space<vmem>>, vector<1x1x16xf32>,
        %get3A_1223 = vector.shape_cast %get3A_1222 : vector<1x1x16xf32> to vector<16xf32>
        %get3A_1224 = arith.index_cast %select_n3A_629 : i32 to index
        %get3A_1225 = arith.index_cast %scan3A_1213 : i32 to index
        %get3A_1226 = arith.constant 32 : index
        %get3A_1227 = tpu.vector_load %arg11[%get3A_1224, %get3A_1225, %get3A_1226] {strides = array<i32>} : memref<3x64x128xf32, #tpu.memory_space<vmem>>, vector<1x1x16xf32>,
        %get3A_1228 = vector.shape_cast %get3A_1227 : vector<1x1x16xf32> to vector<16xf32>
        %get3A_1229 = arith.index_cast %select_n3A_629 : i32 to index
        %get3A_1230 = arith.index_cast %scan3A_1213 : i32 to index
        %get3A_1231 = arith.constant 48 : index
        %get3A_1232 = tpu.vector_load %arg11[%get3A_1229, %get3A_1230, %get3A_1231] {strides = array<i32>} : memref<3x64x128xf32, #tpu.memory_space<vmem>>, vector<1x1x16xf32>,
        %get3A_1233 = vector.shape_cast %get3A_1232 : vector<1x1x16xf32> to vector<16xf32>
        %get3A_1234 = arith.index_cast %select_n3A_629 : i32 to index
        %get3A_1235 = arith.index_cast %scan3A_1213 : i32 to index
        %get3A_1236 = arith.constant 64 : index
        %get3A_1237 = tpu.vector_load %arg11[%get3A_1234, %get3A_1235, %get3A_1236] {strides = array<i32>} : memref<3x64x128xf32, #tpu.memory_space<vmem>>, vector<1x1x16xf32>,
        %get3A_1238 = vector.shape_cast %get3A_1237 : vector<1x1x16xf32> to vector<16xf32>
        %get3A_1239 = arith.index_cast %select_n3A_629 : i32 to index
        %get3A_1240 = arith.index_cast %scan3A_1213 : i32 to index
        %get3A_1241 = arith.constant 80 : index
        %get3A_1242 = tpu.vector_load %arg11[%get3A_1239, %get3A_1240, %get3A_1241] {strides = array<i32>} : memref<3x64x128xf32, #tpu.memory_space<vmem>>, vector<1x1x16xf32>,
        %get3A_1243 = vector.shape_cast %get3A_1242 : vector<1x1x16xf32> to vector<16xf32>
        %get3A_1244 = arith.index_cast %select_n3A_629 : i32 to index
        %get3A_1245 = arith.index_cast %scan3A_1213 : i32 to index
        %get3A_1246 = arith.constant 96 : index
        %get3A_1247 = tpu.vector_load %arg11[%get3A_1244, %get3A_1245, %get3A_1246] {strides = array<i32>} : memref<3x64x128xf32, #tpu.memory_space<vmem>>, vector<1x1x16xf32>,
        %get3A_1248 = vector.shape_cast %get3A_1247 : vector<1x1x16xf32> to vector<16xf32>
        %get3A_1249 = arith.index_cast %select_n3A_629 : i32 to index
        %get3A_1250 = arith.index_cast %scan3A_1213 : i32 to index
        %get3A_1251 = arith.constant 112 : index
        %get3A_1252 = tpu.vector_load %arg11[%get3A_1249, %get3A_1250, %get3A_1251] {strides = array<i32>} : memref<3x64x128xf32, #tpu.memory_space<vmem>>, vector<1x1x16xf32>,
        %get3A_1253 = vector.shape_cast %get3A_1252 : vector<1x1x16xf32> to vector<16xf32>
        %get3A_1254 = arith.index_cast %select_n3A_613 : i32 to index
        %get3A_1255 = arith.index_cast %scan3A_1213 : i32 to index
        %get3A_1256 = arith.constant 0 : index
        %get3A_1257 = tpu.vector_load %arg13[%get3A_1254, %get3A_1255, %get3A_1256] {strides = array<i32>} : memref<2x64x64xf32, #tpu.memory_space<vmem>>, vector<1x1x16xf32>,
        %get3A_1258 = vector.shape_cast %get3A_1257 : vector<1x1x16xf32> to vector<16xf32>
        %get3A_1259 = arith.index_cast %select_n3A_613 : i32 to index
        %get3A_1260 = arith.index_cast %scan3A_1213 : i32 to index
        %get3A_1261 = arith.constant 16 : index
        %get3A_1262 = tpu.vector_load %arg13[%get3A_1259, %get3A_1260, %get3A_1261] {strides = array<i32>} : memref<2x64x64xf32, #tpu.memory_space<vmem>>, vector<1x1x16xf32>,
        %get3A_1263 = vector.shape_cast %get3A_1262 : vector<1x1x16xf32> to vector<16xf32>
        %get3A_1264 = arith.index_cast %select_n3A_613 : i32 to index
        %get3A_1265 = arith.index_cast %scan3A_1213 : i32 to index
        %get3A_1266 = arith.constant 32 : index
        %get3A_1267 = tpu.vector_load %arg13[%get3A_1264, %get3A_1265, %get3A_1266] {strides = array<i32>} : memref<2x64x64xf32, #tpu.memory_space<vmem>>, vector<1x1x16xf32>,
        %get3A_1268 = vector.shape_cast %get3A_1267 : vector<1x1x16xf32> to vector<16xf32>
        %get3A_1269 = arith.index_cast %select_n3A_613 : i32 to index
        %get3A_1270 = arith.index_cast %scan3A_1213 : i32 to index
        %get3A_1271 = arith.constant 48 : index
        %get3A_1272 = tpu.vector_load %arg13[%get3A_1269, %get3A_1270, %get3A_1271] {strides = array<i32>} : memref<2x64x64xf32, #tpu.memory_space<vmem>>, vector<1x1x16xf32>,
        %get3A_1273 = vector.shape_cast %get3A_1272 : vector<1x1x16xf32> to vector<16xf32>
        %get3A_1274 = arith.index_cast %select_n3A_613 : i32 to index
        %get3A_1275 = arith.index_cast %scan3A_1213 : i32 to index
        %get3A_1276 = arith.constant 0 : index
        %get3A_1277 = tpu.vector_load %arg14[%get3A_1274, %get3A_1275, %get3A_1276] {strides = array<i32>} : memref<2x64x64xf32, #tpu.memory_space<vmem>>, vector<1x1x16xf32>,
        %get3A_1278 = vector.shape_cast %get3A_1277 : vector<1x1x16xf32> to vector<16xf32>
        %get3A_1279 = arith.index_cast %select_n3A_613 : i32 to index
        %get3A_1280 = arith.index_cast %scan3A_1213 : i32 to index
        %get3A_1281 = arith.constant 16 : index
        %get3A_1282 = tpu.vector_load %arg14[%get3A_1279, %get3A_1280, %get3A_1281] {strides = array<i32>} : memref<2x64x64xf32, #tpu.memory_space<vmem>>, vector<1x1x16xf32>,
        %get3A_1283 = vector.shape_cast %get3A_1282 : vector<1x1x16xf32> to vector<16xf32>
        %get3A_1284 = arith.index_cast %select_n3A_613 : i32 to index
        %get3A_1285 = arith.index_cast %scan3A_1213 : i32 to index
        %get3A_1286 = arith.constant 32 : index
        %get3A_1287 = tpu.vector_load %arg14[%get3A_1284, %get3A_1285, %get3A_1286] {strides = array<i32>} : memref<2x64x64xf32, #tpu.memory_space<vmem>>, vector<1x1x16xf32>,
        %get3A_1288 = vector.shape_cast %get3A_1287 : vector<1x1x16xf32> to vector<16xf32>
        %get3A_1289 = arith.index_cast %select_n3A_613 : i32 to index
        %get3A_1290 = arith.index_cast %scan3A_1213 : i32 to index
        %get3A_1291 = arith.constant 48 : index
        %get3A_1292 = tpu.vector_load %arg14[%get3A_1289, %get3A_1290, %get3A_1291] {strides = array<i32>} : memref<2x64x64xf32, #tpu.memory_space<vmem>>, vector<1x1x16xf32>,
        %get3A_1293 = vector.shape_cast %get3A_1292 : vector<1x1x16xf32> to vector<16xf32>
        %get3A_1294 = arith.index_cast %select_n3A_613 : i32 to index
        %get3A_1295 = arith.index_cast %scan3A_1213 : i32 to index
        %get3A_1296 = arith.constant 0 : index
        %get3A_1297 = tpu.vector_load %arg15[%get3A_1294, %get3A_1295, %get3A_1296] {strides = array<i32>} : memref<2x64x64xf32, #tpu.memory_space<vmem>>, vector<1x1x16xf32>,
        %get3A_1298 = vector.shape_cast %get3A_1297 : vector<1x1x16xf32> to vector<16xf32>
        %get3A_1299 = arith.index_cast %select_n3A_613 : i32 to index
        %get3A_1300 = arith.index_cast %scan3A_1213 : i32 to index
        %get3A_1301 = arith.constant 16 : index
        %get3A_1302 = tpu.vector_load %arg15[%get3A_1299, %get3A_1300, %get3A_1301] {strides = array<i32>} : memref<2x64x64xf32, #tpu.memory_space<vmem>>, vector<1x1x16xf32>,
        %get3A_1303 = vector.shape_cast %get3A_1302 : vector<1x1x16xf32> to vector<16xf32>
        %get3A_1304 = arith.index_cast %select_n3A_613 : i32 to index
        %get3A_1305 = arith.index_cast %scan3A_1213 : i32 to index
        %get3A_1306 = arith.constant 32 : index
        %get3A_1307 = tpu.vector_load %arg15[%get3A_1304, %get3A_1305, %get3A_1306] {strides = array<i32>} : memref<2x64x64xf32, #tpu.memory_space<vmem>>, vector<1x1x16xf32>,
        %get3A_1308 = vector.shape_cast %get3A_1307 : vector<1x1x16xf32> to vector<16xf32>
        %get3A_1309 = arith.index_cast %select_n3A_613 : i32 to index
        %get3A_1310 = arith.index_cast %scan3A_1213 : i32 to index
        %get3A_1311 = arith.constant 48 : index
        %get3A_1312 = tpu.vector_load %arg15[%get3A_1309, %get3A_1310, %get3A_1311] {strides = array<i32>} : memref<2x64x64xf32, #tpu.memory_space<vmem>>, vector<1x1x16xf32>,
        %get3A_1313 = vector.shape_cast %get3A_1312 : vector<1x1x16xf32> to vector<16xf32>
        %add3A_1314 = arith.addf %get3A_1258, %get3A_1278 : vector<16xf32>
        %add3A_1315 = arith.addf %get3A_1218, %add3A_1314 : vector<16xf32>
        %add3A_1316 = arith.addf %get3A_1263, %get3A_1283 : vector<16xf32>
        %add3A_1317 = arith.addf %get3A_1223, %add3A_1316 : vector<16xf32>
        %add3A_1318 = arith.addf %get3A_1268, %get3A_1288 : vector<16xf32>
        %add3A_1319 = arith.addf %get3A_1228, %add3A_1318 : vector<16xf32>
        %add3A_1320 = arith.addf %get3A_1273, %get3A_1293 : vector<16xf32>
        %add3A_1321 = arith.addf %get3A_1233, %add3A_1320 : vector<16xf32>
        %add3A_1322 = arith.addf %get3A_1238, %get3A_1298 : vector<16xf32>
        %add3A_1323 = arith.addf %get3A_1243, %get3A_1303 : vector<16xf32>
        %add3A_1324 = arith.addf %get3A_1248, %get3A_1308 : vector<16xf32>
        %add3A_1325 = arith.addf %get3A_1253, %get3A_1313 : vector<16xf32>
        %swap3A_1326 = arith.index_cast %select_n3A_613 : i32 to index
        %swap3A_1327 = arith.index_cast %scan3A_1213 : i32 to index
        %swap3A_1328 = arith.constant 0 : index
        %swap3A_1329 = tpu.vector_load %arg12[%swap3A_1326, %swap3A_1327, %swap3A_1328] {strides = array<i32>} : memref<2x64x128xf32, #tpu.memory_space<vmem>>, vector<1x1x16xf32>,
        %swap3A_1330 = vector.shape_cast %swap3A_1329 : vector<1x1x16xf32> to vector<16xf32>
        %swap3A_1331 = vector.shape_cast %add3A_1315 : vector<16xf32> to vector<1x1x16xf32>
        tpu.vector_store %arg12[%swap3A_1326, %swap3A_1327, %swap3A_1328], %swap3A_1331 {strides = array<i32>} : memref<2x64x128xf32, #tpu.memory_space<vmem>>, vector<1x1x16xf32>,
        %swap3A_1332 = arith.index_cast %select_n3A_613 : i32 to index
        %swap3A_1333 = arith.index_cast %scan3A_1213 : i32 to index
        %swap3A_1334 = arith.constant 16 : index
        %swap3A_1335 = tpu.vector_load %arg12[%swap3A_1332, %swap3A_1333, %swap3A_1334] {strides = array<i32>} : memref<2x64x128xf32, #tpu.memory_space<vmem>>, vector<1x1x16xf32>,
        %swap3A_1336 = vector.shape_cast %swap3A_1335 : vector<1x1x16xf32> to vector<16xf32>
        %swap3A_1337 = vector.shape_cast %add3A_1317 : vector<16xf32> to vector<1x1x16xf32>
        tpu.vector_store %arg12[%swap3A_1332, %swap3A_1333, %swap3A_1334], %swap3A_1337 {strides = array<i32>} : memref<2x64x128xf32, #tpu.memory_space<vmem>>, vector<1x1x16xf32>,
        %swap3A_1338 = arith.index_cast %select_n3A_613 : i32 to index
        %swap3A_1339 = arith.index_cast %scan3A_1213 : i32 to index
        %swap3A_1340 = arith.constant 32 : index
        %swap3A_1341 = tpu.vector_load %arg12[%swap3A_1338, %swap3A_1339, %swap3A_1340] {strides = array<i32>} : memref<2x64x128xf32, #tpu.memory_space<vmem>>, vector<1x1x16xf32>,
        %swap3A_1342 = vector.shape_cast %swap3A_1341 : vector<1x1x16xf32> to vector<16xf32>
        %swap3A_1343 = vector.shape_cast %add3A_1319 : vector<16xf32> to vector<1x1x16xf32>
        tpu.vector_store %arg12[%swap3A_1338, %swap3A_1339, %swap3A_1340], %swap3A_1343 {strides = array<i32>} : memref<2x64x128xf32, #tpu.memory_space<vmem>>, vector<1x1x16xf32>,
        %swap3A_1344 = arith.index_cast %select_n3A_613 : i32 to index
        %swap3A_1345 = arith.index_cast %scan3A_1213 : i32 to index
        %swap3A_1346 = arith.constant 48 : index
        %swap3A_1347 = tpu.vector_load %arg12[%swap3A_1344, %swap3A_1345, %swap3A_1346] {strides = array<i32>} : memref<2x64x128xf32, #tpu.memory_space<vmem>>, vector<1x1x16xf32>,
        %swap3A_1348 = vector.shape_cast %swap3A_1347 : vector<1x1x16xf32> to vector<16xf32>
        %swap3A_1349 = vector.shape_cast %add3A_1321 : vector<16xf32> to vector<1x1x16xf32>
        tpu.vector_store %arg12[%swap3A_1344, %swap3A_1345, %swap3A_1346], %swap3A_1349 {strides = array<i32>} : memref<2x64x128xf32, #tpu.memory_space<vmem>>, vector<1x1x16xf32>,
        %swap3A_1350 = arith.index_cast %select_n3A_613 : i32 to index
        %swap3A_1351 = arith.index_cast %scan3A_1213 : i32 to index
        %swap3A_1352 = arith.constant 64 : index
        %swap3A_1353 = tpu.vector_load %arg12[%swap3A_1350, %swap3A_1351, %swap3A_1352] {strides = array<i32>} : memref<2x64x128xf32, #tpu.memory_space<vmem>>, vector<1x1x16xf32>,
        %swap3A_1354 = vector.shape_cast %swap3A_1353 : vector<1x1x16xf32> to vector<16xf32>
        %swap3A_1355 = vector.shape_cast %add3A_1322 : vector<16xf32> to vector<1x1x16xf32>
        tpu.vector_store %arg12[%swap3A_1350, %swap3A_1351, %swap3A_1352], %swap3A_1355 {strides = array<i32>} : memref<2x64x128xf32, #tpu.memory_space<vmem>>, vector<1x1x16xf32>,
        %swap3A_1356 = arith.index_cast %select_n3A_613 : i32 to index
        %swap3A_1357 = arith.index_cast %scan3A_1213 : i32 to index
        %swap3A_1358 = arith.constant 80 : index
        %swap3A_1359 = tpu.vector_load %arg12[%swap3A_1356, %swap3A_1357, %swap3A_1358] {strides = array<i32>} : memref<2x64x128xf32, #tpu.memory_space<vmem>>, vector<1x1x16xf32>,
        %swap3A_1360 = vector.shape_cast %swap3A_1359 : vector<1x1x16xf32> to vector<16xf32>
        %swap3A_1361 = vector.shape_cast %add3A_1323 : vector<16xf32> to vector<1x1x16xf32>
        tpu.vector_store %arg12[%swap3A_1356, %swap3A_1357, %swap3A_1358], %swap3A_1361 {strides = array<i32>} : memref<2x64x128xf32, #tpu.memory_space<vmem>>, vector<1x1x16xf32>,
        %swap3A_1362 = arith.index_cast %select_n3A_613 : i32 to index
        %swap3A_1363 = arith.index_cast %scan3A_1213 : i32 to index
        %swap3A_1364 = arith.constant 96 : index
        %swap3A_1365 = tpu.vector_load %arg12[%swap3A_1362, %swap3A_1363, %swap3A_1364] {strides = array<i32>} : memref<2x64x128xf32, #tpu.memory_space<vmem>>, vector<1x1x16xf32>,
        %swap3A_1366 = vector.shape_cast %swap3A_1365 : vector<1x1x16xf32> to vector<16xf32>
        %swap3A_1367 = vector.shape_cast %add3A_1324 : vector<16xf32> to vector<1x1x16xf32>
        tpu.vector_store %arg12[%swap3A_1362, %swap3A_1363, %swap3A_1364], %swap3A_1367 {strides = array<i32>} : memref<2x64x128xf32, #tpu.memory_space<vmem>>, vector<1x1x16xf32>,
        %swap3A_1368 = arith.index_cast %select_n3A_613 : i32 to index
        %swap3A_1369 = arith.index_cast %scan3A_1213 : i32 to index
        %swap3A_1370 = arith.constant 112 : index
        %swap3A_1371 = tpu.vector_load %arg12[%swap3A_1368, %swap3A_1369, %swap3A_1370] {strides = array<i32>} : memref<2x64x128xf32, #tpu.memory_space<vmem>>, vector<1x1x16xf32>,
        %swap3A_1372 = vector.shape_cast %swap3A_1371 : vector<1x1x16xf32> to vector<16xf32>
        %swap3A_1373 = vector.shape_cast %add3A_1325 : vector<16xf32> to vector<1x1x16xf32>
        tpu.vector_store %arg12[%swap3A_1368, %swap3A_1369, %swap3A_1370], %swap3A_1373 {strides = array<i32>} : memref<2x64x128xf32, #tpu.memory_space<vmem>>, vector<1x1x16xf32>,
      }
      %scan3A_705 = arith.constant 64 : i32
      %mul3A_706 = arith.constant 64 : i32
      %mul3A_707 = arith.muli %scan3A_603, %mul3A_706 : i32
      %add3A_708 = arith.addi %mul3A_2, %mul3A_707 : i32
      %dma_start3A_709 = arith.constant 0 : i32
      %dma_start3A_710 = arith.constant 0 : i32
      %dma_start3A_711 = tpu.memref_slice %arg12[%select_n3A_613, %dma_start3A_709, %dma_start3A_710] : memref<2x64x128xf32, #tpu.memory_space<vmem>> -> memref<1x64x128xf32, #tpu.memory_space<vmem>>
      %dma_start3A_712 = tpu.memref_squeeze %dma_start3A_711 : memref<1x64x128xf32, #tpu.memory_space<vmem>> -> memref<64x128xf32, #tpu.memory_space<vmem>>
      %dma_start3A_713 = arith.constant 0 : i32
      %dma_start3A_714 = tpu.memref_slice %arg7[%add3A_708, %dma_start3A_713] : memref<204800x128xf32, #tpu.memory_space<hbm>> -> memref<64x128xf32, #tpu.memory_space<hbm>>
      %dma_start3A_715 = tpu.memref_slice %arg21[%select_n3A_613] : memref<2x!tpu.dma_semaphore, #tpu.memory_space<semaphore_mem>> -> memref<1x!tpu.dma_semaphore, #tpu.memory_space<semaphore_mem>>
      %dma_start3A_716 = tpu.memref_squeeze %dma_start3A_715 : memref<1x!tpu.dma_semaphore, #tpu.memory_space<semaphore_mem>> -> memref<!tpu.dma_semaphore, #tpu.memory_space<semaphore_mem>>
      %dma_start3A_717 = arith.constant 0 : i32
      %dma_start3A_718 = tpu.memref_slice %arg7[%add3A_708, %dma_start3A_717] : memref<204800x128xf32, #tpu.memory_space<hbm>> -> memref<64x128xf32, #tpu.memory_space<hbm>>
      %dma_start3A_719 = arith.constant 0 : i32
      %dma_start3A_720 = arith.constant 0 : i32
      %dma_start3A_721 = tpu.memref_slice %arg12[%select_n3A_613, %dma_start3A_719, %dma_start3A_720] : memref<2x64x128xf32, #tpu.memory_space<vmem>> -> memref<1x64x128xf32, #tpu.memory_space<vmem>>
      %dma_start3A_722 = tpu.memref_squeeze %dma_start3A_721 : memref<1x64x128xf32, #tpu.memory_space<vmem>> -> memref<64x128xf32, #tpu.memory_space<vmem>>
      tpu.enqueue_dma source(%dma_start3A_722 : memref<64x128xf32, #tpu.memory_space<vmem>>) target(%dma_start3A_718 : memref<64x128xf32, #tpu.memory_space<hbm>>) target_semaphore(%dma_start3A_716 : memref<!tpu.dma_semaphore, #tpu.memory_space<semaphore_mem>>)
      %ge3A = arith.constant 1 : i32
      %ge3A_723 = arith.cmpi sge, %scan3A_603, %ge3A : i32
      %convert_element_type3A_724 = arith.extui %ge3A_723 : i1 to i32
      %cond3A_725 = arith.constant 0 : i32
      %cond3A_726 = arith.cmpi ne, %convert_element_type3A_724, %cond3A_725 : i32
      scf.if %cond3A_726 {
        %sub3A_727 = arith.constant 1 : i32
        %sub3A_728 = arith.subi %scan3A_603, %sub3A_727 : i32
        %sub3A_729 = arith.constant 1 : i32
        %sub3A_730 = arith.subi %scan3A_603, %sub3A_729 : i32
        %jit3A_731 = arith.constant 2 : i32
        %eq3A_732 = arith.constant 0 : i32
        %eq3A_733 = arith.cmpi eq, %jit3A_731, %eq3A_732 : i32
        %jit3A_734 = arith.constant 1 : i32
        %select_n3A_735 = arith.select %eq3A_733, %jit3A_734, %jit3A_731 : i32
        %rem3A_736 = arith.remsi %sub3A_730, %select_n3A_735 : i32
        %ne3A_737 = arith.constant 0 : i32
        %ne3A_738 = arith.cmpi ne, %rem3A_736, %ne3A_737 : i32
        %lt3A_739 = arith.constant 0 : i32
        %lt3A_740 = arith.cmpi slt, %rem3A_736, %lt3A_739 : i32
        %lt3A_741 = arith.constant 0 : i32
        %lt3A_742 = arith.cmpi slt, %select_n3A_735, %lt3A_741 : i32
        %ne3A_743 = arith.xori %lt3A_740, %lt3A_742 : i1
        %and3A_744 = arith.andi %ne3A_743, %ne3A_738 : i1
        %add3A_745 = arith.addi %rem3A_736, %select_n3A_735 : i32
        %select_n3A_746 = arith.select %and3A_744, %add3A_745, %rem3A_736 : i32
        %mul3A_747 = arith.constant 64 : i32
        %mul3A_748 = arith.muli %sub3A_728, %mul3A_747 : i32
        %add3A_749 = arith.addi %mul3A_2, %mul3A_748 : i32
        %dma_wait3A_750 = arith.constant 0 : i32
        %dma_wait3A_751 = arith.constant 0 : i32
        %dma_wait3A_752 = tpu.memref_slice %arg12[%select_n3A_746, %dma_wait3A_750, %dma_wait3A_751] : memref<2x64x128xf32, #tpu.memory_space<vmem>> -> memref<1x64x128xf32, #tpu.memory_space<vmem>>
        %dma_wait3A_753 = tpu.memref_squeeze %dma_wait3A_752 : memref<1x64x128xf32, #tpu.memory_space<vmem>> -> memref<64x128xf32, #tpu.memory_space<vmem>>
        %dma_wait3A_754 = arith.constant 0 : i32
        %dma_wait3A_755 = tpu.memref_slice %arg7[%add3A_749, %dma_wait3A_754] : memref<204800x128xf32, #tpu.memory_space<hbm>> -> memref<64x128xf32, #tpu.memory_space<hbm>>
        %dma_wait3A_756 = tpu.memref_slice %arg21[%select_n3A_746] : memref<2x!tpu.dma_semaphore, #tpu.memory_space<semaphore_mem>> -> memref<1x!tpu.dma_semaphore, #tpu.memory_space<semaphore_mem>>
        %dma_wait3A_757 = tpu.memref_squeeze %dma_wait3A_756 : memref<1x!tpu.dma_semaphore, #tpu.memory_space<semaphore_mem>> -> memref<!tpu.dma_semaphore, #tpu.memory_space<semaphore_mem>>
        %dma_wait3A_758 = arith.constant 0 : i32
        %dma_wait3A_759 = tpu.memref_slice %arg7[%add3A_749, %dma_wait3A_758] : memref<204800x128xf32, #tpu.memory_space<hbm>> -> memref<64x128xf32, #tpu.memory_space<hbm>>
        %dma_wait3A_760 = arith.constant 0 : i32
        %dma_wait3A_761 = arith.constant 0 : i32
        %dma_wait3A_762 = tpu.memref_slice %arg12[%select_n3A_746, %dma_wait3A_760, %dma_wait3A_761] : memref<2x64x128xf32, #tpu.memory_space<vmem>> -> memref<1x64x128xf32, #tpu.memory_space<vmem>>
        %dma_wait3A_763 = tpu.memref_squeeze %dma_wait3A_762 : memref<1x64x128xf32, #tpu.memory_space<vmem>> -> memref<64x128xf32, #tpu.memory_space<vmem>>
        tpu.wait_dma2 semaphore(%dma_wait3A_757 : memref<!tpu.dma_semaphore, #tpu.memory_space<semaphore_mem>>) src(%dma_wait3A_763 : memref<64x128xf32, #tpu.memory_space<vmem>>) dst(%dma_wait3A_759 : memref<64x128xf32, #tpu.memory_space<hbm>>)
      } else {
      }
    }
    %scan3A_584 = arith.constant 100 : i32
    %add3A_585 = arith.constant 6336 : i32
    %add3A_586 = arith.addi %mul3A_2, %add3A_585 : i32
    %dma_wait3A_587 = arith.constant 1 : i32
    %dma_wait3A_588 = arith.constant 1 : i32
    %dma_wait3A_589 = arith.constant 0 : i32
    %dma_wait3A_590 = arith.constant 0 : i32
    %dma_wait3A_591 = tpu.memref_slice %arg12[%dma_wait3A_587, %dma_wait3A_589, %dma_wait3A_590] : memref<2x64x128xf32, #tpu.memory_space<vmem>> -> memref<1x64x128xf32, #tpu.memory_space<vmem>>
    %dma_wait3A_592 = tpu.memref_squeeze %dma_wait3A_591 : memref<1x64x128xf32, #tpu.memory_space<vmem>> -> memref<64x128xf32, #tpu.memory_space<vmem>>
    %dma_wait3A_593 = arith.constant 0 : i32
    %dma_wait3A_594 = tpu.memref_slice %arg7[%add3A_586, %dma_wait3A_593] : memref<204800x128xf32, #tpu.memory_space<hbm>> -> memref<64x128xf32, #tpu.memory_space<hbm>>
    %dma_wait3A_595 = tpu.memref_slice %arg21[%dma_wait3A_588] : memref<2x!tpu.dma_semaphore, #tpu.memory_space<semaphore_mem>> -> memref<1x!tpu.dma_semaphore, #tpu.memory_space<semaphore_mem>>
    %dma_wait3A_596 = tpu.memref_squeeze %dma_wait3A_595 : memref<1x!tpu.dma_semaphore, #tpu.memory_space<semaphore_mem>> -> memref<!tpu.dma_semaphore, #tpu.memory_space<semaphore_mem>>
    %dma_wait3A_597 = arith.constant 0 : i32
    %dma_wait3A_598 = tpu.memref_slice %arg7[%add3A_586, %dma_wait3A_597] : memref<204800x128xf32, #tpu.memory_space<hbm>> -> memref<64x128xf32, #tpu.memory_space<hbm>>
    %dma_wait3A_599 = arith.constant 0 : i32
    %dma_wait3A_600 = arith.constant 0 : i32
    %dma_wait3A_601 = tpu.memref_slice %arg12[%dma_wait3A_587, %dma_wait3A_599, %dma_wait3A_600] : memref<2x64x128xf32, #tpu.memory_space<vmem>> -> memref<1x64x128xf32, #tpu.memory_space<vmem>>
    %dma_wait3A_602 = tpu.memref_squeeze %dma_wait3A_601 : memref<1x64x128xf32, #tpu.memory_space<vmem>> -> memref<64x128xf32, #tpu.memory_space<vmem>>
    tpu.wait_dma2 semaphore(%dma_wait3A_596 : memref<!tpu.dma_semaphore, #tpu.memory_space<semaphore_mem>>) src(%dma_wait3A_602 : memref<64x128xf32, #tpu.memory_space<vmem>>) dst(%dma_wait3A_598 : memref<64x128xf32, #tpu.memory_space<hbm>>)
    return
  }
}

</mosaic_0001>

<sc_bundles>
// kernel: kernel.3.cloned.1.call-start
scs
__scs_entry_jumppad:
0x0: {  	(pc) =	sbr.rel $0x88, $3  }
0x1: {  	(tag) =	ssettag $0x0;
	lr =	simm.s32 $0x1  }
0x2: {  	[smem:$0x3F9C] =	sst lr;
	_ =	strace $0xD0000000  }
0x3: {  	_ = 	snop  }
0x4: {  	_ = 	snop  }
0x5: {  	_ = 	snop  }
0x6: {  	_ = 	snop  }
0x7: {  	_ = 	snop  }
__scs_overlays_trampoline_lowered:
0x8: {  	[smem:$0x3FAB] =	sst s0  }
0x9: {  	[smem:$0x3FAC] =	sst s1  }
0xa: {  	[smem:$0x3FAD] =	sst s2  }
0xb: {  	[smem:$0x3FAE] =	sst s3  }
0xc: {  	[smem:$0x3FAF] =	sst s4  }
0xd: {  	[smem:$0x3FB0] =	sst s5  }
0xe: {  	[smem:$0x3FB1] =	sst s6  }
0xf: {  	[smem:$0x3FB2] =	sst s7  }
0x10: {  	[smem:$0x3FB3] =	sst s8  }
0x11: {  	[smem:$0x3FB4] =	sst s9;
	s0 =	simm.s32 @!p0 $0x0  }
0x12: {  	s1 =	sld [smem:$0x3F9A];
	s0 =	simm.s32 @p0 $0x1  }
0x13: {  	[smem:$0x3FB5] =	sst s0;
	s0 =	simm.s32 @!p1 $0x0  }
0x14: {  	s2 =	sld [smem:$0x3F99];
	s0 =	simm.s32 @p1 $0x1  }
0x15: {  	[smem:$0x3FB6] =	sst s0;
	s0 =	simm.s32 @!p2 $0x0  }
0x16: {  	s3 =	sld [smem:$0x3FDB];
	s0 =	simm.s32 @p2 $0x1  }
0x17: {  	s4 =	simm.s32 $0x1BF5;
	[smem:$0x3FB8] =	sst s0  }
0x18: {  	s0 =	sld [smem:$0x3F9B];
	_ =	swait.ge [sflag:s4], $0x0  }
0x19: {  	s7 =	sld [smem:$0x3F9C]  }
0x1a: {  	s8 =	sadd.s32 $0xFFFFE003, lr  }
0x1b: {  	s9 =	sadd.s32 $0xFFFFFEF7, lr;
	s5 =	simm.s32 $0xFFFFFFFF;
	p2 =	slt.u32 s8, $0xFFFFF086  }
0x1c: {  	p1 =	slt.u32 s9, $0xF7A;
	s5 =	simm.s32 @!p2 $0x0  }
0x1d: {  	s5 =	simm.s32 @p1 $0x1;
	p0 =	seq.s32 s7, s2  }
0x1e: {  	s7 =	smul.u32 @!p0 $0xF7A, s2;
	p2 =	seq.s32 @!p0 s5, $0x0  }
0x1f: {  	s9 =	smul.u32 $0xF7A, s1;
	s8 =	simm.s32 @!p0 $0x1BF5;
	p2 =	por !p2, p0  }
0x20: {  	[sflag:s8] =	ssyncset.s32 @!p0 $0xFFFFF086;
	s6 =	sadd.s32 @!p0 s3, s7;
	s7 =	simm.s32 @!p0 $0x108  }
0x21: {  	s3 =	sadd.s32 s3, s9;
	s6 =	sadd.s32 @!p0 $0x88, s6;
	s7 =	simm.s32 @p2 $0x1082  }
0x22: {  	[simem:s7], [sflag:s8] =	dma.local @!p0 [hbm:s6], $0xF7A  }
0x23: {  	s9 =	sor.u32 $0xD0000000, s2;
	s6 =	simm.s32 $0x108;
	_ =	swait.ge @!p0 [sflag:s8], $0x0  }
0x24: {  	s3 =	sadd.s32 $0x88, s3;
	s6 =	simm.s32 @!p1 $0x1082;
	[sflag:s4] =	ssyncset.s32 $0xFFFFF086  }
0x25: {  	[simem:s6], [sflag:s4] =	dma.local [hbm:s3], $0xF7A  }
0x26: {  	[smem:$0x3F9C] =	sst s1;
	(tag) =	ssettag s2;
	_ =	strace s9  }
0x27: {  	s1 =	sld [smem:$0x3FAC]  }
0x28: {  	s2 =	sld [smem:$0x3FAD]  }
0x29: {  	s4 =	sld [smem:$0x3FAF]  }
0x2a: {  	p0 =	seq.s32 s5, $0x0;
	s5 =	sld [smem:$0x3FB0]  }
0x2b: {  	s6 =	sld [smem:$0x3FB1]  }
0x2c: {  	s7 =	sld [smem:$0x3FB2]  }
0x2d: {  	s3 =	simm.s32 $0x108;
	s8 =	sld [smem:$0x3FB3]  }
0x2e: {  	s3 =	simm.s32 @!p0 $0x1082;
	s9 =	sld [smem:$0x3FB4]  }
0x2f: {  	lr =	sadd.s32 s0, s3;
	s0 =	sld [smem:$0x3FAB]  }
0x30: {  	s3 =	sld [smem:$0x3FAE]  }
0x31: {  	[smem:$0x3FB7] =	sst s10  }
0x32: {  	s10 =	sld [smem:$0x3FB5];
	_ =	sdelay $0x3  }
0x33: {  	p0 =	seq.s32 s10, $0x1;
	s10 =	sld [smem:$0x3FB7];
	_ =	sdelay $0x3  }
0x34: {  	[smem:$0x3FB7] =	sst s10  }
0x35: {  	s10 =	sld [smem:$0x3FB6];
	_ =	sdelay $0x3  }
0x36: {  	p1 =	seq.s32 s10, $0x1;
	s10 =	sld [smem:$0x3FB7];
	_ =	sdelay $0x3  }
0x37: {  	[smem:$0x3FB7] =	sst s10  }
0x38: {  	s10 =	sld [smem:$0x3FB8]  }
0x39: {  	_ = 	snop;
	(pc) =	sbr.ind lr, $3  }
0x3a: {  	_ = 	snop  }
0x3b: {  	_ = 	snop  }
0x3c: {  	p2 =	seq.s32 s10, $0x1;
	s10 =	sld [smem:$0x3FB7]  }
0x3d: {  	_ =	shalt  }
0x3e: {  	_ =	shalt  }
0x3f: {  	_ =	shalt  }
0x40: {  	_ =	shalt  }
0x41: {  	_ =	shalt  }
0x42: {  	_ =	shalt  }
0x43: {  	_ =	shalt  }
0x44: {  	_ =	shalt  }
0x45: {  	_ =	shalt  }
0x46: {  	_ =	shalt  }
0x47: {  	_ =	shalt  }
0x48: {  	_ =	shalt  }
0x49: {  	_ =	shalt  }
0x4a: {  	_ =	shalt  }
0x4b: {  	_ =	shalt  }
0x4c: {  	_ =	shalt  }
0x4d: {  	_ =	shalt  }
0x4e: {  	_ =	shalt  }
0x4f: {  	_ =	shalt  }
0x50: {  	_ =	shalt  }
0x51: {  	_ =	shalt  }
0x52: {  	_ =	shalt  }
0x53: {  	_ =	shalt  }
0x54: {  	_ =	shalt  }
0x55: {  	_ =	shalt  }
0x56: {  	_ =	shalt  }
0x57: {  	_ =	shalt  }
0x58: {  	_ =	shalt  }
0x59: {  	_ =	shalt  }
0x5a: {  	_ =	shalt  }
0x5b: {  	_ =	shalt  }
0x5c: {  	_ =	shalt  }
0x5d: {  	_ =	shalt  }
0x5e: {  	_ =	shalt  }
0x5f: {  	_ =	shalt  }
0x60: {  	_ =	shalt  }
0x61: {  	_ =	shalt  }
0x62: {  	_ =	shalt  }
0x63: {  	_ =	shalt  }
0x64: {  	_ =	shalt  }
0x65: {  	_ =	shalt  }
0x66: {  	_ =	shalt  }
0x67: {  	_ =	shalt  }
0x68: {  	_ =	shalt  }
0x69: {  	_ =	shalt  }
0x6a: {  	_ =	shalt  }
0x6b: {  	_ =	shalt  }
0x6c: {  	_ =	shalt  }
0x6d: {  	_ =	shalt  }
0x6e: {  	_ =	shalt  }
0x6f: {  	_ =	shalt  }
0x70: {  	_ =	shalt  }
0x71: {  	_ =	shalt  }
0x72: {  	_ =	shalt  }
0x73: {  	_ =	shalt  }
0x74: {  	_ =	shalt  }
0x75: {  	_ =	shalt  }
0x76: {  	_ =	shalt  }
0x77: {  	_ =	shalt  }
0x78: {  	_ =	shalt  }
0x79: {  	_ =	shalt  }
0x7a: {  	_ =	shalt  }
0x7b: {  	_ =	shalt  }
0x7c: {  	_ =	shalt  }
0x7d: {  	_ =	shalt  }
0x7e: {  	_ =	shalt  }
0x7f: {  	_ =	shalt  }
0x80: {  	_ =	shalt  }
0x81: {  	_ =	shalt  }
0x82: {  	_ =	shalt  }
0x83: {  	_ =	shalt  }
0x84: {  	_ =	shalt  }
0x85: {  	_ =	shalt  }
0x86: {  	_ =	shalt  }
0x87: {  	_ =	shalt  }
.Lfunc_end0:
.L_simem_size_0:
called_computation_lowered:
.L_overlay_start_0:
0x88: {  	s2 =	sld [smem:$0x3FD9]  }
0x89: {  	s3 =	sld [smem:$0x3FFE];
	_ =	sdelay $0x1  }
0x8a: {  	s1 =	srdreg.scid  }
0x8b: {  	s0 =	sand.u32 $0x1, s1  }
0x8c: {  	s17 =	sshll.u32 s0, $0xA;
	s2 =	sadd.s32 s3, s2  }
0x8d: {  	s2 =	sadd.s32 s2, s17  }
0x8e: {  	[smem:$0x3FC3] =	sst s2  }
0x8f: {  	_ = 	snop  }
0x90: {  	s2 =	sld [smem:$0x3FC9]  }
0x91: {  	s18 =	sld [smem:$0x3FD0];
	(tm) =	ssettm $0x1  }
0x92: {  	s4 =	sld [smem:$0x3FFB];
	_ =	sdelay $0x3  }
0x93: {  	_ =	strace s4  }
0x94: {  	s4 =	sld [smem:$0x3FFC];
	_ =	sdelay $0x3  }
0x95: {  	_ =	strace s4  }
0x96: {  	s4 =	sld [smem:$0x3FFD];
	_ =	sdelay $0x3  }
0x97: {  	_ =	strace s4  }
0x98: {  	_ =	strace $0x8FFFFFFF  }
0x99: {  	s19 =	sld [smem:$0x3FDB];
	_ =	sdelay $0x1  }
0x9a: {  	s5 =	simm.s32 $_scs_section_size  }
0x9b: {  	s6 =	simm.s32 $_size__tile_overlayer_lowered;
	s7 =	simm.s32 $_tile_overlayer_lowered  }
0x9c: {  	s22 =	simm.s32 $0x1BFF;
	s21 =	sshll.u32 s7, $0x1;
	s4 =	sadd.s32 s5, s19  }
0x9d: {  	s8 =	simm.s32 $0x0;
	s20 =	sshll.u32 s6, $0x1;
	s6 =	sadd.s32 s21, s4  }
0x9e: {  	[timem:s8], [sflag:s22] =	dma.local [hbm:s6], s20  }
0x9f: {  	_ =	swait.ge [sflag:s22], s20  }
0xa0: {  	s5 =	ssub.s32 $0x0, s20;
	[sflag:s22] =	ssyncset.done $0x0  }
0xa1: {  	[sflag:s22] =	ssyncadd.s32 s5;
	_ =	sdelay $0x1  }
0xa2: {  	s23 =	simm.s32 $0x1B8B  }
0xa3: {  	_ =	swait.ge [sflag:s23], $0x1  }
0xa4: {  	[sflag:s23] =	ssyncset.done $0x0  }
0xa5: {  	s25 =	simm.s32 $0x1B8E;
	s24 =	sld [smem:$0x3FFE];
	[sflag:s23] =	ssyncadd.s32 $0xFFFFFFFF  }
0xa6: {  	s26 =	simm.s32 $execute0_lowered;
	[smem:$0x3FD2] =	sst s25  }
0xa7: {  	s6 =	sshll.u32 s26, $0x1;
	_ =	strace $0x80000046;
	[dreg:$0x1] =	wrdreg $0xFFFFFFFF  }
0xa8: {  	s28 =	simm.s32 $_size_execute0_lowered;
	s4 =	sadd.s32 s4, s6;
	[dreg:$0x0] =	wrdreg $0x0  }
0xa9: {  	s6 =	sshll.u32 s28, $0x1;
	[dreg:$0x2] =	wrdreg s4  }
0xaa: {  	[dreg:$0x3] =	wrdreg s6  }
0xab: {  	[dreg:$0x4] =	wrdreg $0xC0  }
0xac: {  	_ =	task [dreg:s8], $0x5FFFF  }
0xad: {  	[dreg:$0x1] =	wrdreg $0xFFFFFFFF  }
0xae: {  	[dreg:$0x0] =	wrdreg $0x60  }
0xaf: {  	[dreg:$0x2] =	wrdreg s2  }
0xb0: {  	[dreg:$0x3] =	wrdreg s24  }
0xb1: {  	[dreg:$0x4] =	wrdreg s18  }
0xb2: {  	[dreg:$0x5] =	wrdreg $0x0  }
0xb3: {  	[dreg:$0x6] =	wrdreg $0x9  }
0xb4: {  	_ =	task.clear_ibuf [dreg:s8], $0x7FFFF;
	_ =	strace $0x90000046  }
0xb5: {  	s29 =	simm.s32 $0x9;
	_ =	strace $0x80000048  }
0xb6: {  	_ =	swait.ge [sflag:s29], $0x1  }
0xb7: {  	[sflag:s29] =	ssyncadd.s32 $0xFFFFFFFF  }
0xb8: {  	_ =	strace $0x90000048  }
0xb9: {  	_ =	sfence  }
0xba: {  	s30 =	sld [smem:$0x0];
	_ =	sdelay $0x2  }
0xbb: {  	s31 =	sshll.u32 s1, $0xD;
	s1 =	sshrl.u32 s1, $0x2  }
0xbc: {  	s3 =	sand.u32 $0x4000, s31;
	s1 =	sadd.s32 s1, s30  }
0xbd: {  	s0 =	sor.u32 s3, s0;
	s1 =	sshll.u32 s1, $0x11  }
0xbe: {  	s0 =	sor.u32 s1, s0  }
0xbf: {  	s0 =	sadd.s32 $0x8F2B, s0  }
0xc0: {  	[sflag:s0] =	ssyncadd.remote.s32 $0x1  }
0xc1: {  	_ =	sfence.sel $0xFFFF  }
0xc2: {  	[dreg:$0x0] =	wrdreg $0xFFFFFFFF;
	(pc) =	sbr.abs _section_cstart, $3  }
0xc3: {  	[dreg:$0x1] =	wrdreg $0xFFFFFFFF  }
0xc4: {  	_ =	task.clear_ibuf [dreg:s8], $0x2FFFF;
	_ =	strace $0x9FFFFFFF  }
0xc5: {  	(tm) =	ssettm $0x7FFFFFFF  }
tec
execute0_lowered:
.L_overlay_start_1:
0x0: {  	(tag) =	ssettag $0x1  }
0x1: {  	s1 =	rddreg [dreg:$0x0]  }
0x2: {  	s0 =	rddreg [dreg:$0x1]  }
0x3: {  	s2 =	rddreg [dreg:$0x2]  }
0x4: {  	s3 =	rddreg [dreg:$0x3]  }
0x5: {  	s5 =	srdreg.scid;
	s4 =	simm.s32 $0x0;
	s8 =	stileid.u32  }
0x6: {  	s18 =	simm.s32 $0x40;
	s19 =	simm.s32 $0x32000;
	s23 =	simm.s32 $0x4  }
0x7: {  	s31 =	simm.s32 $0xD;
	s6 =	sand.u32 $0x1, s5;
	[smem:$0x7FF] =	sst s4  }
0x8: {  	s7 =	sadd.s32 $0x15C00, s0;
	s9 =	sadd.s32 $0x2000, s0;
	p0 =	sne.s32 s8, $0x0  }
0x9: {  	s5 =	sshll.u32 s6, $0x4;
	_ =	strace $0x80000047;
	s10 =	ssub.s32 $0x2, s6  }
0xa: {  	[dreg:$0x5] =	wrdreg s9;
	s9 =	sadd.s32 $0xD9200, s0;
	s14 =	sor.u32 s8, s5  }
0xb: {  	s16 =	sshrl.u32 @!p0 s3, $0x3;
	s5 =	sadd.s32 $0x3000, s0;
	s12 =	smul.u32 $0x19000, s14  }
0xc: {  	s11 =	sshrl.u32 s10, $0x1;
	s0 =	simm.s32 $0x0;
	s6 =	smul.u32 $0x1900, s14  }
0xd: {  	s26 =	ssub.s32 s10, s11;
	s14 =	smul.u32 $0xC8000, s14;
	s28 =	sadd.s32 s1, s12  }
0xe: {  	s29 =	sshrl.u32 s6, $0x3;
	s30 =	sor.u32 $0x40, s6;
	[dreg:$0x6] =	wrdreg s28  }
0xf: {  	s11 =	sadd.s32 s5, s29;
	s13 =	sshll.u32 s30, $0x4;
	s15 =	sshrl.u32 s30, $0x3  }
0x10: {  	s12 =	sadd.s32 s1, s13;
	s13 =	sadd.s32 s5, s15;
	s15 =	smax.u32 s26, $0x1  }
.LBB2_1:
0x11: {  	s8 =	simm.s32 @!p0 $0x1C0E;
	s10 =	rddreg [dreg:$0x5]  }
0x12: {  	[spmem:s16], [sflag:s8] =	dma.local @!p0 [hbm:s10], $0x1000  }
0x13: {  	s8 =	simm.s32 @!p0 $0xE  }
0x14: {  	_ =	swait.ge @!p0 [sflag:s8], $0x1000  }
0x15: {  	[sflag:s8] =	ssyncset.done @!p0 $0x0  }
0x16: {  	[sflag:s8] =	ssyncadd.s32 @!p0 $0xFFFFF000  }
0x17: {  	[bflag:$0x0] =	sbarrier.arrive $0xFFFF  }
0x18: {  	s17 =	simm.s32 $0xB00;
	s10 =	rddreg [dreg:$0x6]  }
0x19: {  	[tilespmem:s17], [sflag:$0x1] =	stream.linear.gather [hbm4b:s10+s4], $0x2000, $0x38;
	[tilespmem:$0x10B00] =	vst v63  }
0x1a: {  	s20 =	simm.s32 $0x800  }
0x1b: {  	[tilespmem:s20], [sflag:$0x4] =	stream.strided.gather [hbm4b:s11+s18], $0xC0, s19, s18, $0x38;
	[tilespmem:$0x10B00] =	vst v63  }
0x1c: {  	s21 =	simm.s32 $0x2B00  }
0x1d: {  	[tilespmem:s21], [sflag:$0x2] =	stream.linear.gather [hbm4b:s12+s4], $0x2000, $0x38;
	[tilespmem:$0x10B00] =	vst v63  }
0x1e: {  	s22 =	simm.s32 $0x8C0  }
0x1f: {  	[tilespmem:s22], [sflag:$0x5] =	stream.strided.gather [hbm4b:s13+s18], $0xC0, s19, s18, $0x38;
	[tilespmem:$0x10B00] =	vst v63  }
0x20: {  	_ =	swait.ge [sflag:s23], $0xC0  }
0x21: {  	[sflag:s23] =	ssyncset.done $0x0  }
0x22: {  	[sflag:s23] =	ssyncadd.s32 $0xFFFFFF40  }
0x23: {  	v0 =	vld [tilespmem:$0x800]  }
0x24: {  	v1 =	vld [tilespmem:$0x840]  }
0x25: {  	v2 =	vld [tilespmem:$0x880]  }
0x26: {  	v3 =	vld [tilespmem:$0x810]  }
0x27: {  	v4 =	vld [tilespmem:$0x850]  }
0x28: {  	v5 =	vld [tilespmem:$0x890]  }
0x29: {  	v6 =	vld [tilespmem:$0x820]  }
0x2a: {  	v7 =	vld [tilespmem:$0x860]  }
0x2b: {  	v8 =	vld [tilespmem:$0x8A0]  }
0x2c: {  	v10 =	vld [tilespmem:$0x870]  }
0x2d: {  	v11 =	vld [tilespmem:$0x8B0];
	_ =	sdelay $0x1  }
0x2e: {  	v0 =	vmax.f32 v0, $0.0e+00;
	v1 =	vmax.f32 v1, $0.0e+00  }
0x2f: {  	v2 =	vmax.f32 v2, $0.0e+00;
	v3 =	vmax.f32 v3, $0.0e+00;
	v4 =	vmax.f32 v4, $0.0e+00  }
0x30: {  	v5 =	vmax.f32 v5, $0.0e+00;
	v6 =	vmax.f32 v6, $0.0e+00;
	v7 =	vmax.f32 v7, $0.0e+00  }
0x31: {  	v8 =	vmax.f32 v8, $0.0e+00;
	v10 =	vmax.f32 v10, $0.0e+00;
	v11 =	vmax.f32 v11, $0.0e+00  }
0x32: {  	v0 =	vmin.f32 v0, $1.000000000e+00;
	v1 =	vmin.f32 v1, $1.000000000e+00;
	v2 =	vmin.f32 v2, $1.000000000e+00  }
0x33: {  	v3 =	vmin.f32 v3, $1.000000000e+00;
	v4 =	vmin.f32 v4, $1.000000000e+00;
	v5 =	vmin.f32 v5, $1.000000000e+00  }
0x34: {  	v6 =	vmin.f32 v6, $1.000000000e+00;
	v7 =	vmin.f32 v7, $1.000000000e+00;
	v0 =	vmul.f32 $9.999900000e+04, v0  }
0x35: {  	v10 =	vmin.f32 v10, $1.000000000e+00;
	v1 =	vmul.f32 $5.110000000e+02, v1;
	v2 =	vmul.f32 $9.999900000e+04, v2  }
0x36: {  	v9 =	vld [tilespmem:$0x830];
	v11 =	vmin.f32 v11, $1.000000000e+00;
	v3 =	vmul.f32 $9.999900000e+04, v3;
	v4 =	vmul.f32 $5.110000000e+02, v4  }
0x37: {  	v5 =	vmul.f32 $9.999900000e+04, v5;
	v6 =	vmul.f32 $9.999900000e+04, v6;
	v0 =	vadd.f32 $8.388608000e+06, v0  }
0x38: {  	v7 =	vmul.f32 $5.110000000e+02, v7;
	v1 =	vadd.f32 $8.388608000e+06, v1;
	v2 =	vadd.f32 $8.388608000e+06, v2  }
0x39: {  	v10 =	vmul.f32 $5.110000000e+02, v10;
	v3 =	vadd.f32 $8.388608000e+06, v3;
	v4 =	vadd.f32 $8.388608000e+06, v4  }
0x3a: {  	v11 =	vmul.f32 $9.999900000e+04, v11;
	v5 =	vadd.f32 $8.388608000e+06, v5;
	v6 =	vadd.f32 $8.388608000e+06, v6  }
0x3b: {  	v9 =	vmax.f32 v9, $0.0e+00;
	v7 =	vadd.f32 $8.388608000e+06, v7;
	v48 =	vadd.f32 $8.388608000e+06, v10  }
0x3c: {  	v8 =	vmin.f32 v8, $1.000000000e+00;
	v50 =	vadd.f32 $8.388608000e+06, v11;
	v0 =	vadd.f32 $-8.388608000e+06, v0  }
0x3d: {  	v9 =	vmin.f32 v9, $1.000000000e+00;
	v1 =	vadd.f32 $-8.388608000e+06, v1;
	v2 =	vadd.f32 $-8.388608000e+06, v2  }
0x3e: {  	v8 =	vmul.f32 $9.999900000e+04, v8;
	v3 =	vadd.f32 $-8.388608000e+06, v3;
	v4 =	vadd.f32 $-8.388608000e+06, v4  }
0x3f: {  	v9 =	vmul.f32 $9.999900000e+04, v9;
	v5 =	vadd.f32 $-8.388608000e+06, v5;
	v6 =	vadd.f32 $-8.388608000e+06, v6  }
0x40: {  	v7 =	vadd.f32 $-8.388608000e+06, v7;
	v0 =	vtrunc.f32 v0;
	v1 =	vtrunc.f32 v1  }
0x41: {  	v52 =	vadd.f32 $-8.388608000e+06, v48;
	v2 =	vtrunc.f32 v2;
	v3 =	vtrunc.f32 v3  }
0x42: {  	v54 =	vadd.f32 $-8.388608000e+06, v50;
	v4 =	vtrunc.f32 v4;
	v5 =	vtrunc.f32 v5  }
0x43: {  	v6 =	vtrunc.f32 v6;
	v7 =	vtrunc.f32 v7  }
0x44: {  	v55 =	vtrunc.f32 v52;
	v56 =	vtrunc.f32 v54  }
0x45: {  	v8 =	vadd.f32 $8.388608000e+06, v8;
	v0 =	vcvt.f32.s32 v0;
	v1 =	vcvt.f32.s32 v1  }
0x46: {  	v9 =	vadd.f32 $8.388608000e+06, v9;
	v2 =	vcvt.f32.s32 v2;
	v3 =	vcvt.f32.s32 v3  }
0x47: {  	v47 =	vadd.f32 $-8.388608000e+06, v8;
	v4 =	vcvt.f32.s32 v4;
	v5 =	vcvt.f32.s32 v5  }
0x48: {  	v49 =	vadd.f32 $-8.388608000e+06, v9;
	v6 =	vcvt.f32.s32 v6;
	v7 =	vcvt.f32.s32 v7  }
0x49: {  	v58 =	vcvt.f32.s32 v56;
	vm0 =	vgt.s32 v0, $0x0;
	vm5 =	vgt.s32 v1, $0x0  }
0x4a: {  	vm6 =	vgt.s32 v2, $0x0;
	vm7 =	vgt.s32 v3, $0x0;
	vm8 =	vgt.s32 v4, $0x0  }
0x4b: {  	vm9 =	vgt.s32 v5, $0x0;
	vm10 =	vgt.s32 v6, $0x0;
	v0 =	vnsel vm0, $0x0, v0  }
0x4c: {  	vm11 =	vgt.s32 v7, $0x0;
	v1 =	vnsel vm5, $0x0, v1;
	v0 =	vmin.u32 v0, $0x1869F  }
0x4d: {  	vm15 =	vgt.s32 v58, $0x0;
	v2 =	vnsel vm6, $0x0, v2;
	v1 =	vmin.u32 v1, $0x1FF;
	[tilespmem:$0x980] =	vst v0  }
0x4e: {  	v3 =	vnsel vm7, $0x0, v3;
	v4 =	vnsel vm8, $0x0, v4;
	v2 =	vmin.u32 v2, $0x1869F;
	[tilespmem:$0x9C0] =	vst v1  }
0x4f: {  	v5 =	vnsel vm9, $0x0, v5;
	v6 =	vnsel vm10, $0x0, v6;
	v3 =	vmin.u32 v3, $0x1869F;
	[tilespmem:$0xA00] =	vst v2  }
0x50: {  	v4 =	vmin.u32 v4, $0x1FF;
	v46 =	vmin.u32 v6, $0x1869F;
	v6 =	vtrunc.f32 v47;
	[tilespmem:$0x990] =	vst v3  }
0x51: {  	v51 =	vnsel vm11, $0x0, v7;
	v5 =	vmin.u32 v5, $0x1869F;
	v53 =	vcvt.f32.s32 v6;
	[tilespmem:$0x9D0] =	vst v4  }
0x52: {  	v62 =	vnsel vm15, $0x0, v58;
	v1 =	vtrunc.f32 v49;
	[tilespmem:$0xA10] =	vst v5;
	v4 =	vcvt.f32.s32 v55  }
0x53: {  	v63 =	vmin.u32 v62, $0x1869F;
	[tilespmem:$0x9A0] =	vst v46;
	v1 =	vcvt.f32.s32 v1;
	vm12 =	vgt.s32 v53, $0x0  }
0x54: {  	v2 =	vmin.u32 v51, $0x1FF;
	[tilespmem:$0xA30] =	vst v63;
	vm14 =	vgt.s32 v4, $0x0;
	v57 =	vnsel vm12, $0x0, v53  }
0x55: {  	[tilespmem:$0x9E0] =	vst v2;
	vm13 =	vgt.s32 v1, $0x0;
	v60 =	vnsel vm14, $0x0, v4;
	v0 =	vmin.u32 v57, $0x1869F  }
0x56: {  	v1 =	vnsel vm13, $0x0, v1;
	v61 =	vmin.u32 v60, $0x1FF;
	[tilespmem:$0xA20] =	vst v0  }
0x57: {  	v59 =	vmin.u32 v1, $0x1869F;
	[tilespmem:$0x9F0] =	vst v61  }
0x58: {  	s24 =	simm.s32 $0x980;
	s25 =	simm.s32 $0xAB00;
	s26 =	simm.s32 $0x9C0;
	[tilespmem:$0x9B0] =	vst v59  }
0x59: {  	[tilespmem:s25], [sflag:$0x6] =	stream.indirect.gather [hbm4b:s7+s18], $0x40, s24, s18, $0xb8;
	[tilespmem:$0x10B00] =	vst v63  }
0x5a: {  	s28 =	simm.s32 $0xCB00;
	s29 =	simm.s32 $0xA00;
	s30 =	simm.s32 $0xEB00  }
0x5b: {  	[tilespmem:s28], [sflag:$0x8] =	stream.indirect.gather [spmem:s3], $0x40, s26, s18, $0xb8;
	[tilespmem:$0x10B00] =	vst v63  }
0x5c: {  	p1 =	por $0x0, $0x0;
	s17 =	simm.s32 $0xCF0;
	s20 =	simm.s32 $0x0  }
0x5d: {  	[tilespmem:s30], [sflag:$0xA] =	stream.indirect.gather [hbm4b:s9+s18], $0x40, s29, s18, $0xb8;
	[tilespmem:$0x10B00] =	vst v63  }
.LBB2_2:
0x5e: {  	p2 =	seq.s32 s20, $0x63  }
.Ltmp0:
0x5f: {  	_ = 	snop;
	(pc) =	sbr.rel @p2 .LBB2_4-.Ltmp0, $2  }
0x60: {  	_ =	sdelay $0x2  }
0x61: {  	s22 =	sand.u32 $0x1, s20;
	s21 =	sadd.s32 $0x1, s20  }
0x62: {  	s8 =	sand.u32 $0x1, s21  }
0x63: {  	s25 =	sor.u32 $0x4, s8  }
0x64: {  	_ =	swait.ge [sflag:s25], $0xC0  }
0x65: {  	s24 =	smul.u32 $0xC0, s8;
	[sflag:s25] =	ssyncset.done $0x0  }
0x66: {  	[sflag:s25] =	ssyncadd.s32 $0xFFFFFF40  }
0x67: {  	v0 =	vld [tilespmem:s24+$0x800]  }
0x68: {  	v1 =	vld [tilespmem:s24+$0x840]  }
0x69: {  	v2 =	vld [tilespmem:s24+$0x880]  }
0x6a: {  	v3 =	vld [tilespmem:s24+$0x810]  }
0x6b: {  	v4 =	vld [tilespmem:s24+$0x850]  }
0x6c: {  	v5 =	vld [tilespmem:s24+$0x890]  }
0x6d: {  	v6 =	vld [tilespmem:s24+$0x820]  }
0x6e: {  	v7 =	vld [tilespmem:s24+$0x860]  }
0x6f: {  	v8 =	vld [tilespmem:s24+$0x8A0]  }
0x70: {  	v10 =	vld [tilespmem:s24+$0x870]  }
0x71: {  	v11 =	vld [tilespmem:s24+$0x8B0];
	_ =	sdelay $0x1  }
0x72: {  	v0 =	vmax.f32 v0, $0.0e+00;
	v1 =	vmax.f32 v1, $0.0e+00  }
0x73: {  	v2 =	vmax.f32 v2, $0.0e+00;
	v3 =	vmax.f32 v3, $0.0e+00;
	v4 =	vmax.f32 v4, $0.0e+00  }
0x74: {  	v5 =	vmax.f32 v5, $0.0e+00;
	v6 =	vmax.f32 v6, $0.0e+00;
	v7 =	vmax.f32 v7, $0.0e+00  }
0x75: {  	v8 =	vmax.f32 v8, $0.0e+00;
	v10 =	vmax.f32 v10, $0.0e+00;
	v11 =	vmax.f32 v11, $0.0e+00  }
0x76: {  	v0 =	vmin.f32 v0, $1.000000000e+00;
	v1 =	vmin.f32 v1, $1.000000000e+00;
	v2 =	vmin.f32 v2, $1.000000000e+00  }
0x77: {  	v3 =	vmin.f32 v3, $1.000000000e+00;
	v4 =	vmin.f32 v4, $1.000000000e+00;
	v5 =	vmin.f32 v5, $1.000000000e+00  }
0x78: {  	v6 =	vmin.f32 v6, $1.000000000e+00;
	v7 =	vmin.f32 v7, $1.000000000e+00;
	v0 =	vmul.f32 $9.999900000e+04, v0  }
0x79: {  	v10 =	vmin.f32 v10, $1.000000000e+00;
	v1 =	vmul.f32 $5.110000000e+02, v1;
	v2 =	vmul.f32 $9.999900000e+04, v2  }
0x7a: {  	v9 =	vld [tilespmem:s24+$0x830];
	v11 =	vmin.f32 v11, $1.000000000e+00;
	v3 =	vmul.f32 $9.999900000e+04, v3;
	v4 =	vmul.f32 $5.110000000e+02, v4  }
0x7b: {  	v5 =	vmul.f32 $9.999900000e+04, v5;
	v6 =	vmul.f32 $9.999900000e+04, v6;
	v0 =	vadd.f32 $8.388608000e+06, v0  }
0x7c: {  	v7 =	vmul.f32 $5.110000000e+02, v7;
	v1 =	vadd.f32 $8.388608000e+06, v1;
	v2 =	vadd.f32 $8.388608000e+06, v2  }
0x7d: {  	v10 =	vmul.f32 $5.110000000e+02, v10;
	v3 =	vadd.f32 $8.388608000e+06, v3;
	v4 =	vadd.f32 $8.388608000e+06, v4  }
0x7e: {  	v11 =	vmul.f32 $9.999900000e+04, v11;
	v5 =	vadd.f32 $8.388608000e+06, v5;
	v6 =	vadd.f32 $8.388608000e+06, v6  }
0x7f: {  	v9 =	vmax.f32 v9, $0.0e+00;
	v7 =	vadd.f32 $8.388608000e+06, v7;
	v48 =	vadd.f32 $8.388608000e+06, v10  }
0x80: {  	v8 =	vmin.f32 v8, $1.000000000e+00;
	v50 =	vadd.f32 $8.388608000e+06, v11;
	v0 =	vadd.f32 $-8.388608000e+06, v0  }
0x81: {  	v9 =	vmin.f32 v9, $1.000000000e+00;
	v1 =	vadd.f32 $-8.388608000e+06, v1;
	v2 =	vadd.f32 $-8.388608000e+06, v2  }
0x82: {  	v8 =	vmul.f32 $9.999900000e+04, v8;
	v3 =	vadd.f32 $-8.388608000e+06, v3;
	v4 =	vadd.f32 $-8.388608000e+06, v4  }
0x83: {  	v9 =	vmul.f32 $9.999900000e+04, v9;
	v5 =	vadd.f32 $-8.388608000e+06, v5;
	v6 =	vadd.f32 $-8.388608000e+06, v6  }
0x84: {  	v7 =	vadd.f32 $-8.388608000e+06, v7;
	v0 =	vtrunc.f32 v0;
	v1 =	vtrunc.f32 v1  }
0x85: {  	v52 =	vadd.f32 $-8.388608000e+06, v48;
	v2 =	vtrunc.f32 v2;
	v3 =	vtrunc.f32 v3  }
0x86: {  	v54 =	vadd.f32 $-8.388608000e+06, v50;
	v4 =	vtrunc.f32 v4;
	v5 =	vtrunc.f32 v5  }
0x87: {  	v6 =	vtrunc.f32 v6;
	v7 =	vtrunc.f32 v7  }
0x88: {  	v55 =	vtrunc.f32 v52;
	v56 =	vtrunc.f32 v54  }
0x89: {  	v8 =	vadd.f32 $8.388608000e+06, v8;
	v0 =	vcvt.f32.s32 v0;
	v1 =	vcvt.f32.s32 v1  }
0x8a: {  	v9 =	vadd.f32 $8.388608000e+06, v9;
	v2 =	vcvt.f32.s32 v2;
	v3 =	vcvt.f32.s32 v3  }
0x8b: {  	v47 =	vadd.f32 $-8.388608000e+06, v8;
	v4 =	vcvt.f32.s32 v4;
	v5 =	vcvt.f32.s32 v5  }
0x8c: {  	v49 =	vadd.f32 $-8.388608000e+06, v9;
	v6 =	vcvt.f32.s32 v6;
	v7 =	vcvt.f32.s32 v7  }
0x8d: {  	v58 =	vcvt.f32.s32 v56;
	vm0 =	vgt.s32 v0, $0x0;
	vm5 =	vgt.s32 v1, $0x0  }
0x8e: {  	vm6 =	vgt.s32 v2, $0x0;
	vm7 =	vgt.s32 v3, $0x0;
	vm8 =	vgt.s32 v4, $0x0  }
0x8f: {  	vm9 =	vgt.s32 v5, $0x0;
	vm10 =	vgt.s32 v6, $0x0;
	v0 =	vnsel vm0, $0x0, v0  }
0x90: {  	vm11 =	vgt.s32 v7, $0x0;
	v1 =	vnsel vm5, $0x0, v1;
	v0 =	vmin.u32 v0, $0x1869F  }
0x91: {  	vm15 =	vgt.s32 v58, $0x0;
	v2 =	vnsel vm6, $0x0, v2;
	v1 =	vmin.u32 v1, $0x1FF;
	[tilespmem:s24+$0x980] =	vst v0  }
0x92: {  	v3 =	vnsel vm7, $0x0, v3;
	v4 =	vnsel vm8, $0x0, v4;
	v2 =	vmin.u32 v2, $0x1869F;
	[tilespmem:s24+$0x9C0] =	vst v1  }
0x93: {  	v5 =	vnsel vm9, $0x0, v5;
	v6 =	vnsel vm10, $0x0, v6;
	v3 =	vmin.u32 v3, $0x1869F;
	[tilespmem:s24+$0xA00] =	vst v2  }
0x94: {  	v4 =	vmin.u32 v4, $0x1FF;
	v46 =	vmin.u32 v6, $0x1869F;
	v6 =	vtrunc.f32 v47;
	[tilespmem:s24+$0x990] =	vst v3  }
0x95: {  	v51 =	vnsel vm11, $0x0, v7;
	v5 =	vmin.u32 v5, $0x1869F;
	v53 =	vcvt.f32.s32 v6;
	[tilespmem:s24+$0x9D0] =	vst v4  }
0x96: {  	v62 =	vnsel vm15, $0x0, v58;
	v1 =	vtrunc.f32 v49;
	[tilespmem:s24+$0xA10] =	vst v5;
	v4 =	vcvt.f32.s32 v55  }
0x97: {  	v63 =	vmin.u32 v62, $0x1869F;
	[tilespmem:s24+$0x9A0] =	vst v46;
	v1 =	vcvt.f32.s32 v1;
	vm12 =	vgt.s32 v53, $0x0  }
0x98: {  	v2 =	vmin.u32 v51, $0x1FF;
	[tilespmem:s24+$0xA30] =	vst v63;
	vm14 =	vgt.s32 v4, $0x0;
	v57 =	vnsel vm12, $0x0, v53  }
0x99: {  	[tilespmem:s24+$0x9E0] =	vst v2;
	vm13 =	vgt.s32 v1, $0x0;
	v60 =	vnsel vm14, $0x0, v4;
	v0 =	vmin.u32 v57, $0x1869F  }
0x9a: {  	v1 =	vnsel vm13, $0x0, v1;
	v61 =	vmin.u32 v60, $0x1FF;
	[tilespmem:s24+$0xA20] =	vst v0  }
0x9b: {  	p2 =	sgt.u32 s20, $0x61;
	s25 =	sshll.u32 s8, $0xC;
	v59 =	vmin.u32 v1, $0x1869F;
	[tilespmem:s24+$0x9F0] =	vst v61  }
0x9c: {  	s29 =	sor.u32 $0x6, s8;
	s26 =	sadd.s32 $0x980, s24;
	s28 =	sor.u32 $0xAB00, s25;
	[tilespmem:s24+$0x9B0] =	vst v59  }
0x9d: {  	[tilespmem:s28], [sflag:s29] =	stream.indirect.gather [hbm4b:s7+s18], $0x40, s26, s18, $0xb8;
	[tilespmem:$0x10B00] =	vst v63  }
0x9e: {  	s30 =	sor.u32 $0x8, s8;
	s28 =	sadd.s32 @!p2 $0x2, s20  }
0x9f: {  	s26 =	sadd.s32 $0x9C0, s24;
	s29 =	sor.u32 $0xCB00, s25;
	s10 =	smul.u32 @!p2 $0xAB, s28  }
0xa0: {  	[tilespmem:s29], [sflag:s30] =	stream.indirect.gather [spmem:s3], $0x40, s26, s18, $0xb8;
	[tilespmem:$0x10B00] =	vst v63  }
0xa1: {  	s8 =	sor.u32 $0xA, s8;
	s10 =	sshrl.u32 @!p2 s10, $0x9  }
0xa2: {  	s24 =	sor.u32 $0xA00, s24;
	s25 =	sor.u32 $0xEB00, s25;
	s10 =	sand.u32 @!p2 $0x7F, s10  }
0xa3: {  	[tilespmem:s25], [sflag:s8] =	stream.indirect.gather [hbm4b:s9+s18], $0x40, s24, s18, $0xb8;
	[tilespmem:$0x10B00] =	vst v63  }
0xa4: {  	s10 =	smul.u32 @!p2 $0x3, s10  }
0xa5: {  	s8 =	sshll.u32 @!p2 s28, $0x6  }
0xa6: {  	s26 =	simm.s32 @!p2 $0x0;
	s8 =	sadd.s32 @!p2 s6, s8;
	s10 =	ssub.s32 @!p2 s28, s10  }
0xa7: {  	s25 =	sshll.u32 @!p2 s8, $0x4;
	s8 =	sshrl.u32 @!p2 s8, $0x3;
	s10 =	sand.u32 @!p2 $0xFF, s10  }
0xa8: {  	s25 =	sand.u32 @!p2 $0x1FFFFC00, s25;
	s28 =	smul.u32 @!p2 $0x300, s22;
	s24 =	sshll.u32 @!p2 s10, $0xD  }
0xa9: {  	s25 =	sadd.s32 @!p2 s1, s25;
	s10 =	sadd.s32 @!p2 $0x1, s10;
	s24 =	sor.u32 @!p2 $0xB00, s24  }
0xaa: {  	[tilespmem:s24], [sflag:s10] =	stream.linear.gather @!p2 [hbm4b:s25+s26], $0x2000, $0x38;
	[tilespmem:$0x10B00] =	vst v63  }
0xab: {  	s8 =	sadd.s32 @!p2 s5, s8;
	s10 =	sshrl.u32 @!p2 s28, $0x2;
	s24 =	sor.u32 @!p2 $0x4, s22  }
0xac: {  	s25 =	simm.s32 @!p2 $0x40;
	s26 =	simm.s32 @!p2 $0x32000;
	s10 =	sor.u32 @!p2 $0x800, s10  }
0xad: {  	[tilespmem:s10], [sflag:s24] =	stream.strided.gather @!p2 [hbm4b:s8+s25], $0xC0, s26, s25, $0x38;
	[tilespmem:$0x10B00] =	vst v63  }
.LBB2_4:
0xae: {  	s8 =	simm.s32 $0x1;
	s10 =	sor.u32 $0x6, s22  }
0xaf: {  	s25 =	smul.u32 $0xAB, s20;
	s8 =	simm.s32 @!p1 $0x0;
	_ =	swait.ge [sflag:s10], $0x1000  }
0xb0: {  	s28 =	smulhi.u32 $0xAAAAAAAB, s20;
	s26 =	sshll.u32 s8, $0xC;
	[sflag:s10] =	ssyncset.done $0x0  }
0xb1: {  	s25 =	sshrl.u32 s25, $0x9;
	[sflag:s10] =	ssyncadd.s32 $0xFFFFF000;
	s10 =	sor.u32 $0x8, s22  }
0xb2: {  	s28 =	sshrl.u32 s28, $0x1;
	s29 =	sand.u32 $0x7F, s25;
	_ =	swait.ge [sflag:s10], $0x1000  }
0xb3: {  	s8 =	sshll.u32 s8, $0xD;
	s29 =	smul.u32 $0x3, s29;
	[sflag:s10] =	ssyncset.done $0x0  }
0xb4: {  	s24 =	sor.u32 $0xAB80, s26;
	[sflag:s10] =	ssyncadd.s32 $0xFFFFF000;
	s10 =	sor.u32 $0xA, s22  }
0xb5: {  	s25 =	sor.u32 $0xCB80, s26;
	s29 =	ssub.s32 s20, s29;
	_ =	swait.ge [sflag:s10], $0x1000  }
0xb6: {  	s28 =	smul.u32 $0xFFFE8000, s28;
	s29 =	sand.u32 $0xFF, s29;
	[sflag:s10] =	ssyncset.done $0x0  }
0xb7: {  	s26 =	sor.u32 $0xEB80, s26;
	[sflag:s10] =	ssyncadd.s32 $0xFFFFF000;
	s10 =	sadd.s32 $0x1, s29  }
0xb8: {  	s30 =	sadd.s32 $0x6C00, s8;
	s28 =	sshra.s32 s28, $0x2;
	_ =	swait.ge [sflag:s10], $0x2000  }
0xb9: {  	s8 =	sshll.u32 s22, $0xD;
	s28 =	sadd.s32 s28, s17;
	[sflag:s10] =	ssyncset.done $0x0  }
0xba: {  	s29 =	sadd.s32 $0x6B00, s8;
	s8 =	simm.s32 $0xFFFFFFFC;
	[sflag:s10] =	ssyncadd.s32 $0xFFFFE000  }
.LBB2_5:
0xbb: {  	v0 =	vld [tilespmem:s28+$0xFFFFFE10]  }
0xbc: {  	v1 =	vld [tilespmem:s28+$0xFFFFFE20]  }
0xbd: {  	v4 =	vld [tilespmem:s28+$0xFFFFFE50]  }
0xbe: {  	v5 =	vld [tilespmem:s28+$0xFFFFFE60]  }
0xbf: {  	v6 =	vld [tilespmem:s28+$0xFFFFFE70]  }
0xc0: {  	v7 =	vld [tilespmem:s24+$0xFFFFFF80]  }
0xc1: {  	v8 =	vld [tilespmem:s24+$0xFFFFFF90]  }
0xc2: {  	v9 =	vld [tilespmem:s24+$0xFFFFFFA0]  }
0xc3: {  	v10 =	vld [tilespmem:s24+$0xFFFFFFB0]  }
0xc4: {  	v11 =	vld [tilespmem:s25+$0xFFFFFF80]  }
0xc5: {  	v12 =	vld [tilespmem:s25+$0xFFFFFF90]  }
0xc6: {  	v15 =	vld [tilespmem:s28+$0xFFFFFE80]  }
0xc7: {  	v16 =	vld [tilespmem:s26+$0xFFFFFF80]  }
0xc8: {  	v26 =	vld [tilespmem:s26+$0xFFFFFF90]  }
0xc9: {  	v27 =	vld [tilespmem:s26+$0xFFFFFFA0]  }
0xca: {  	v29 =	vld [tilespmem:s26+$0xFFFFFFB0]  }
0xcb: {  	v13 =	vld [tilespmem:s25+$0xFFFFFFA0]  }
0xcc: {  	v14 =	vld [tilespmem:s25+$0xFFFFFFB0];
	v32 =	vadd.f32 v16, v4  }
0xcd: {  	v2 =	vld [tilespmem:s28+$0xFFFFFE30];
	v33 =	vadd.f32 v26, v5  }
0xce: {  	v3 =	vld [tilespmem:s28+$0xFFFFFE40];
	v7 =	vadd.f32 v11, v7;
	v34 =	vadd.f32 v27, v6;
	[tilespmem:s30+$0xFFFFFF40] =	vst v32  }
0xcf: {  	v8 =	vadd.f32 v12, v8;
	v35 =	vadd.f32 v29, v15;
	[tilespmem:s30+$0xFFFFFF50] =	vst v33  }
0xd0: {  	v28 =	vadd.f32 v13, v9;
	v0 =	vadd.f32 v7, v0;
	[tilespmem:s30+$0xFFFFFF60] =	vst v34  }
0xd1: {  	v30 =	vadd.f32 v14, v10;
	v1 =	vadd.f32 v8, v1;
	[tilespmem:s30+$0xFFFFFF70] =	vst v35  }
0xd2: {  	v2 =	vadd.f32 v28, v2;
	[tilespmem:s30+$0xFFFFFF00] =	vst v0  }
0xd3: {  	v31 =	vadd.f32 v30, v3;
	[tilespmem:s30+$0xFFFFFF10] =	vst v1  }
0xd4: {  	[tilespmem:s30+$0xFFFFFF20] =	vst v2  }
0xd5: {  	[tilespmem:s30+$0xFFFFFF30] =	vst v31  }
0xd6: {  	v0 =	vld [tilespmem:s28+$0xFFFFFE90]  }
0xd7: {  	v1 =	vld [tilespmem:s28+$0xFFFFFEA0]  }
0xd8: {  	v37 =	vld [tilespmem:s28+$0xFFFFFED0]  }
0xd9: {  	v38 =	vld [tilespmem:s28+$0xFFFFFEE0]  }
0xda: {  	v39 =	vld [tilespmem:s28+$0xFFFFFEF0]  }
0xdb: {  	v40 =	vld [tilespmem:s24+$0xFFFFFFC0]  }
0xdc: {  	v41 =	vld [tilespmem:s24+$0xFFFFFFD0]  }
0xdd: {  	v42 =	vld [tilespmem:s24+$0xFFFFFFE0]  }
0xde: {  	v43 =	vld [tilespmem:s24+$0xFFFFFFF0]  }
0xdf: {  	v44 =	vld [tilespmem:s25+$0xFFFFFFC0]  }
0xe0: {  	v45 =	vld [tilespmem:s25+$0xFFFFFFD0]  }
0xe1: {  	v48 =	vld [tilespmem:s28+$0xFFFFFF00]  }
0xe2: {  	v49 =	vld [tilespmem:s26+$0xFFFFFFC0]  }
0xe3: {  	v50 =	vld [tilespmem:s26+$0xFFFFFFD0]  }
0xe4: {  	v51 =	vld [tilespmem:s26+$0xFFFFFFE0]  }
0xe5: {  	v53 =	vld [tilespmem:s26+$0xFFFFFFF0]  }
0xe6: {  	v46 =	vld [tilespmem:s25+$0xFFFFFFE0]  }
0xe7: {  	v47 =	vld [tilespmem:s25+$0xFFFFFFF0];
	v56 =	vadd.f32 v49, v37  }
0xe8: {  	v2 =	vld [tilespmem:s28+$0xFFFFFEB0];
	v57 =	vadd.f32 v50, v38  }
0xe9: {  	v36 =	vld [tilespmem:s28+$0xFFFFFEC0];
	v7 =	vadd.f32 v44, v40;
	v58 =	vadd.f32 v51, v39;
	[tilespmem:s30+$0xFFFFFFC0] =	vst v56  }
0xea: {  	v8 =	vadd.f32 v45, v41;
	v59 =	vadd.f32 v53, v48;
	[tilespmem:s30+$0xFFFFFFD0] =	vst v57  }
0xeb: {  	v52 =	vadd.f32 v46, v42;
	v0 =	vadd.f32 v7, v0;
	[tilespmem:s30+$0xFFFFFFE0] =	vst v58  }
0xec: {  	v54 =	vadd.f32 v47, v43;
	v1 =	vadd.f32 v8, v1;
	[tilespmem:s30+$0xFFFFFFF0] =	vst v59  }
0xed: {  	v2 =	vadd.f32 v52, v2;
	[tilespmem:s30+$0xFFFFFF80] =	vst v0  }
0xee: {  	v55 =	vadd.f32 v54, v36;
	[tilespmem:s30+$0xFFFFFF90] =	vst v1  }
0xef: {  	[tilespmem:s30+$0xFFFFFFA0] =	vst v2  }
0xf0: {  	[tilespmem:s30+$0xFFFFFFB0] =	vst v55  }
0xf1: {  	v0 =	vld [tilespmem:s28+$0xFFFFFF10]  }
0xf2: {  	v1 =	vld [tilespmem:s28+$0xFFFFFF20]  }
0xf3: {  	v61 =	vld [tilespmem:s28+$0xFFFFFF50]  }
0xf4: {  	v62 =	vld [tilespmem:s28+$0xFFFFFF60]  }
0xf5: {  	v63 =	vld [tilespmem:s28+$0xFFFFFF70]  }
0xf6: {  	v20 =	vld [tilespmem:s24+$0x0]  }
0xf7: {  	v21 =	vld [tilespmem:s24+$0x10]  }
0xf8: {  	v22 =	vld [tilespmem:s24+$0x20]  }
0xf9: {  	v23 =	vld [tilespmem:s24+$0x30]  }
0xfa: {  	v24 =	vld [tilespmem:s25+$0x0]  }
0xfb: {  	v25 =	vld [tilespmem:s25+$0x10]  }
0xfc: {  	v28 =	vld [tilespmem:s28+$0xFFFFFF80]  }
0xfd: {  	v29 =	vld [tilespmem:s26+$0x0]  }
0xfe: {  	v30 =	vld [tilespmem:s26+$0x10]  }
0xff: {  	v31 =	vld [tilespmem:s26+$0x20]  }
0x100: {  	v33 =	vld [tilespmem:s26+$0x30]  }
0x101: {  	v26 =	vld [tilespmem:s25+$0x20]  }
0x102: {  	v27 =	vld [tilespmem:s25+$0x30];
	v36 =	vadd.f32 v29, v61  }
0x103: {  	v2 =	vld [tilespmem:s28+$0xFFFFFF30];
	v37 =	vadd.f32 v30, v62  }
0x104: {  	v60 =	vld [tilespmem:s28+$0xFFFFFF40];
	v7 =	vadd.f32 v24, v20;
	v38 =	vadd.f32 v31, v63;
	[tilespmem:s30+$0x40] =	vst v36  }
0x105: {  	v8 =	vadd.f32 v25, v21;
	v39 =	vadd.f32 v33, v28;
	[tilespmem:s30+$0x50] =	vst v37  }
0x106: {  	v32 =	vadd.f32 v26, v22;
	v0 =	vadd.f32 v7, v0;
	[tilespmem:s30+$0x60] =	vst v38  }
0x107: {  	v34 =	vadd.f32 v27, v23;
	v1 =	vadd.f32 v8, v1;
	[tilespmem:s30+$0x70] =	vst v39  }
0x108: {  	v2 =	vadd.f32 v32, v2;
	[tilespmem:s30+$0x0] =	vst v0  }
0x109: {  	v35 =	vadd.f32 v34, v60;
	[tilespmem:s30+$0x10] =	vst v1  }
0x10a: {  	[tilespmem:s30+$0x20] =	vst v2  }
0x10b: {  	[tilespmem:s30+$0x30] =	vst v35  }
0x10c: {  	v0 =	vld [tilespmem:s28+$0xFFFFFF90]  }
0x10d: {  	v1 =	vld [tilespmem:s28+$0xFFFFFFA0]  }
0x10e: {  	v41 =	vld [tilespmem:s28+$0xFFFFFFD0]  }
0x10f: {  	v42 =	vld [tilespmem:s28+$0xFFFFFFE0]  }
0x110: {  	v43 =	vld [tilespmem:s28+$0xFFFFFFF0]  }
0x111: {  	v44 =	vld [tilespmem:s24+$0x40]  }
0x112: {  	v45 =	vld [tilespmem:s24+$0x50]  }
0x113: {  	v46 =	vld [tilespmem:s24+$0x60]  }
0x114: {  	v47 =	vld [tilespmem:s24+$0x70]  }
0x115: {  	v48 =	vld [tilespmem:s25+$0x40]  }
0x116: {  	v49 =	vld [tilespmem:s25+$0x50]  }
0x117: {  	v52 =	vld [tilespmem:s28+$0x0]  }
0x118: {  	v53 =	vld [tilespmem:s26+$0x40]  }
0x119: {  	v54 =	vld [tilespmem:s26+$0x50]  }
0x11a: {  	v55 =	vld [tilespmem:s26+$0x60]  }
0x11b: {  	v57 =	vld [tilespmem:s26+$0x70]  }
0x11c: {  	v50 =	vld [tilespmem:s25+$0x60]  }
0x11d: {  	v51 =	vld [tilespmem:s25+$0x70];
	v60 =	vadd.f32 v53, v41  }
0x11e: {  	v2 =	vld [tilespmem:s28+$0xFFFFFFB0];
	v61 =	vadd.f32 v54, v42  }
0x11f: {  	v40 =	vld [tilespmem:s28+$0xFFFFFFC0];
	v7 =	vadd.f32 v48, v44;
	v62 =	vadd.f32 v55, v43;
	[tilespmem:s30+$0xC0] =	vst v60  }
0x120: {  	s8 =	sadd.s32 $0x4, s8;
	v8 =	vadd.f32 v49, v45;
	v63 =	vadd.f32 v57, v52;
	[tilespmem:s30+$0xD0] =	vst v61  }
0x121: {  	p2 =	slt.u32 s8, $0x3C;
	v56 =	vadd.f32 v50, v46;
	v0 =	vadd.f32 v7, v0;
	[tilespmem:s30+$0xE0] =	vst v62  }
.Ltmp1:
0x122: {  	v58 =	vadd.f32 v51, v47;
	v1 =	vadd.f32 v8, v1;
	[tilespmem:s30+$0xF0] =	vst v63;
	(pc) =	sbr.rel @p2 .LBB2_5-.Ltmp1, $4  }
0x123: {  	v2 =	vadd.f32 v56, v2;
	[tilespmem:s30+$0x80] =	vst v0  }
0x124: {  	v59 =	vadd.f32 v58, v40;
	[tilespmem:s30+$0x90] =	vst v1  }
0x125: {  	s24 =	sadd.s32 $0x100, s24;
	s25 =	sadd.s32 $0x100, s25;
	[tilespmem:s30+$0xA0] =	vst v2  }
0x126: {  	s26 =	sadd.s32 $0x100, s26;
	s28 =	sadd.s32 $0x200, s28;
	[tilespmem:s30+$0xB0] =	vst v59;
	s30 =	sadd.s32 $0x200, s30  }
0x127: {  	s8 =	sshll.u32 s20, $0xD  }
0x128: {  	s8 =	sadd.s32 s14, s8  }
0x129: {  	s10 =	sor.u32 $0xC, s22;
	s8 =	sshrl.u32 s8, $0x3  }
0x12a: {  	p2 =	seq.s32 s20, $0x0;
	p3 =	sne.s32 s21, $0x64;
	s8 =	sadd.s32 s2, s8  }
0x12b: {  	[hbm4b:s8+s4] =	stream.linear.scatter [tilespmem:s29], [sflag:s10], $0x2000, $0x38;
	[tilespmem:$0x10B00] =	vst v63  }
.Ltmp2:
0x12c: {  	s8 =	sxor.u32 @!p2 $0x1, s22;
	(pc) =	sbr.rel @p3 .LBB2_2-.Ltmp2, $4  }
0x12d: {  	s8 =	sor.u32 @!p2 $0xC, s8  }
0x12e: {  	_ =	swait.ge @!p2 [sflag:s8], $0x2000  }
0x12f: {  	p1 =	por !p1, !p1;
	[sflag:s8] =	ssyncset.done @!p2 $0x0  }
0x130: {  	s17 =	sadd.s32 $0x2000, s17;
	s20 =	smov.u32 s21;
	[sflag:s8] =	ssyncadd.s32 @!p2 $0xFFFFE000  }
0x131: {  	s0 =	sadd.s32 $0x1, s0  }
0x132: {  	p1 =	sne.s32 s0, s15  }
.Ltmp3:
0x133: {  	_ = 	snop;
	(pc) =	sbr.rel @p1 .LBB2_1-.Ltmp3, $4  }
0x134: {  	_ = 	snop  }
0x135: {  	_ =	swait.ge [sflag:s31], $0x2000  }
0x136: {  	[sflag:s31] =	ssyncset.done $0x0  }
0x137: {  	[sflag:s31] =	ssyncadd.s32 $0xFFFFE000  }
0x138: {  	_ =	sfence.sel $0x180000  }
0x139: {  	[bflag:$0x0] =	sbarrier.arrive $0xFFFF  }
0x13a: {  	_ =	strace $0x90000047  }
0x13b: {  	[bflag:$0x2] =	sbarrier.arrive $0xFFFF  }
0x13c: {  	s0 =	rddreg [dreg:$0x4]  }
0x13d: {  	s0 =	sadd.s32 @!p0 $0x100000, s0  }
0x13e: {  	[sflag:s0] =	ssyncadd.tile.s32 @!p0 $0x1;
	_ =	shalt  }
.Lfunc_end2:
_tile_overlayer_lowered:
.L_overlay_start_2:
0x13f: {  	(tag) =	ssettag $0x2  }
0x140: {  	s0 =	rddreg [dreg:$0x0];
	s2 =	stileid.u32  }
0x141: {  	s1 =	rddreg [dreg:$0x1];
	p0 =	sne.s32 s2, $0x0  }
0x142: {  	s3 =	rddreg [dreg:$0x2];
	[bflag:$0x3] =	sbarrier.arrive $0xFFFF;
	s2 =	simm.s32 @!p0 $0x1C0E  }
0x143: {  	[timem:s3], [sflag:s2] =	dma.local @!p0 [hbm:s0], s1  }
0x144: {  	s0 =	simm.s32 @!p0 $0xE  }
0x145: {  	_ =	swait.ge @!p0 [sflag:s0], s1  }
0x146: {  	s1 =	ssub.s32 @!p0 $0x0, s1;
	[sflag:s0] =	ssyncset.done @!p0 $0x0  }
0x147: {  	[sflag:s0] =	ssyncadd.s32 @!p0 s1  }
0x148: {  	[bflag:$0x3] =	sbarrier.arrive $0xFFFF  }
0x149: {  	_ =	shalt  }

</sc_bundles>
